<compile_context>
chip_gen: v7x
topology: tpu7x:2x2x1
jax: 0.10.2.dev20260603
libtpu: 0.0.44.dev20260713+nightly
codegen_flags: <defaults>
</compile_context>

<pallas_src>
import functools

import numpy as np
import jax
import jax.numpy as jnp
from jax import lax
from jax.experimental import pallas as pl
from jax.experimental.pallas import tpu as pltpu
from jax.experimental.pallas import tpu_sc as plsc

_B = 32
_N = 128
_C = 64
_P = _N * (_N + 1) // 2
_NC, _NS = 2, 16
_CG = 8
_NCG = _C // _CG
_IQ = 32
_NQ = _N // _IQ
_SEG = 4096

_ti, _tj = np.tril_indices(_N)
_TABLE = (((_ti % _IQ) << 7) | _tj).astype(np.int32)
_RANGES = [
    [(0, 33, 0)],
    [(33, 130, 0)],
    [(130, 256, 0), (256, 291, 4096)],
    [(291, 512, 4096)],
]


@functools.partial(
    pl.kernel,
    out_type=jax.ShapeDtypeStruct((_B * _C, _P), jnp.float32),
    mesh=plsc.VectorSubcoreMesh(core_axis_name="c", subcore_axis_name="s"),
    compiler_params=pltpu.CompilerParams(needs_layout_passes=False),
    scratch_types=[
        pltpu.VMEM((_P,), jnp.int32),
        pltpu.VMEM((_IQ, _CG, _N), jnp.float32),
        pltpu.VMEM((_IQ, _CG, _N), jnp.float32),
    ] + [pltpu.VMEM((_SEG,), jnp.float32) for _ in range(_CG)] + [
        pltpu.SemaphoreType.DMA,
        pltpu.SemaphoreType.DMA,
        pltpu.SemaphoreType.DMA,
        pltpu.SemaphoreType.DMA,
    ],
)
def _tril_compact(xt_hbm, table_hbm, out_hbm, table_v, slab0, slab1, *rest):
    rows = rest[:_CG]
    gsems = (rest[_CG], rest[_CG + 1])
    slabs = (slab0, slab1)
    w = lax.axis_index("s") * _NC + lax.axis_index("c")
    pltpu.sync_copy(table_hbm, table_v)

    def stream(cg, q, sb):
        return pltpu.make_async_copy(
            xt_hbm.at[w, pl.ds(q * _IQ, _IQ), pl.ds(cg * _CG, _CG), :],
            slabs[sb], gsems[sb])

    def writeback(cg, cc, seg):
        return pltpu.make_async_copy(
            rows[cc],
            out_hbm.at[w * _C + cg * _CG + cc, pl.ds(seg * _SEG, _SEG)],
            rest[_CG + 2 + seg])

    idx_cs = [jnp.full((16,), cc, jnp.int32) for cc in range(_CG)]

    def compact_range(k0, k1, base, sb):
        @plsc.parallel_loop(k0, k1)
        def _chunk(k, sb=sb):
            t = table_v[pl.ds(k * 16, 16)]
            t_i = lax.shift_right_logical(t, 7)
            t_j = lax.bitwise_and(t, 127)
            for cc in range(_CG):
                vals = plsc.load_gather(slabs[sb], [t_i, idx_cs[cc], t_j])
                rows[cc][pl.ds(k * 16 - base, 16)] = vals

    def group(cg):
        for q in range(_NQ):
            sb = q % 2
            stream(cg, q, sb).wait()
            nq, ncg = (q + 1, cg) if q + 1 < _NQ else (0, lax.rem(cg + 1, _NCG))
            stream(ncg, nq, 1 - sb).start()
            if q == 0:
                for cc in range(_CG):
                    writeback(cg, cc, 1).wait()
            if q != 2:
                for (k0, k1, base) in _RANGES[q]:
                    compact_range(k0, k1, base, sb)
                if q == 3:
                    for cc in range(_CG):
                        writeback(cg, cc, 1).start()
            else:
                k0, k1, base = _RANGES[2][0]
                compact_range(k0, k1, base, sb)
                for cc in range(_CG):
                    writeback(cg, cc, 0).start()
                for cc in range(_CG):
                    writeback(cg, cc, 0).wait()
                k0, k1, base = _RANGES[2][1]
                compact_range(k0, k1, base, sb)

    stream(0, 0, 0).start()
    for cc in range(_CG):
        writeback(0, cc, 1).start()

    def body(g, _):
        group(g)
        return ()

    lax.fori_loop(0, _NCG, body, ())

    stream(0, 0, 0).wait()
    for cc in range(_CG):
        writeback(_NCG - 1, cc, 1).wait()


def kernel(x):
    xt = jnp.transpose(x, (0, 1, 3, 2))
    out2d = _tril_compact(xt, jnp.asarray(_TABLE))
    tail = xt[:, _N - 1, :, _N // 2:].reshape(_B * _C, _N // 2)
    out2d = lax.dynamic_update_slice(out2d, tail, (0, 2 * _SEG))
    return jnp.transpose(out2d.reshape(_B, _C, _P), (0, 2, 1))

# --- scband reference (transcript-rebuilt; emitter-appended) ---
"""Pipeline reference for scband-lower-mask-73186242723869 (READ-ONLY COPY).

The authoritative reference and input builder live on the scoring server;
editing this copy changes nothing except your own understanding.
"""

import jax, jax.numpy as jnp
import numpy as np

NUM_OBJ = 128
NUM_PAIR = 8256  # 128*129/2
NUM_CHANNEL = 64
BATCH = 32


def setup_inputs(seed: int = 0) -> dict:
    key = jax.random.key(seed)
    x = jax.random.normal(key, (BATCH, NUM_OBJ, NUM_OBJ, NUM_CHANNEL), dtype=jnp.float32)
    return {"x": x}


def reference(x):
    # torch.masked_select(x, tril_mask[1,N,N,1]) selects, in row-major order,
    # all x[b, i, j, :] with j <= i; view(-1, num_pair, num_channel) regroups
    # them per batch. Equivalent gather with static lower-triangle indices:
    ti, tj = jnp.tril_indices(NUM_OBJ)
    out = x[:, ti, tj, :]  # [B, NUM_PAIR, NUM_CHANNEL]
    return out.reshape(-1, NUM_PAIR, NUM_CHANNEL)

if __name__ == "__main__":
    import jax
    _d = setup_inputs()
    print(jax.jit(kernel)(*tuple(_d.values())))

</pallas_src>

<mosaic_0001>
#map = affine_map<(d0, d1) -> (0, 0, 0, 0)>
#map1 = affine_map<(d0, d1) -> (0)>
#map2 = affine_map<(d0, d1) -> (0, 0)>
module attributes {stable_mosaic.version = 14 : i64} {
  func.func @_tril_compact(%arg0: i32, %arg1: i32, %arg2: memref<32x128x64x128xf32, #tpu.memory_space<hbm>>, %arg3: memref<8256xi32, #tpu.memory_space<hbm>>, %arg4: memref<2048x8256xf32, #tpu.memory_space<hbm>>, %arg5: memref<8256xi32, #tpu.memory_space<vmem>>, %arg6: memref<32x8x128xf32, #tpu.memory_space<vmem>>, %arg7: memref<32x8x128xf32, #tpu.memory_space<vmem>>, %arg8: memref<4096xf32, #tpu.memory_space<vmem>>, %arg9: memref<4096xf32, #tpu.memory_space<vmem>>, %arg10: memref<4096xf32, #tpu.memory_space<vmem>>, %arg11: memref<4096xf32, #tpu.memory_space<vmem>>, %arg12: memref<4096xf32, #tpu.memory_space<vmem>>, %arg13: memref<4096xf32, #tpu.memory_space<vmem>>, %arg14: memref<4096xf32, #tpu.memory_space<vmem>>, %arg15: memref<4096xf32, #tpu.memory_space<vmem>>, %arg16: memref<!tpu.dma_semaphore, #tpu.memory_space<semaphore_mem>>, %arg17: memref<!tpu.dma_semaphore, #tpu.memory_space<semaphore_mem>>, %arg18: memref<!tpu.dma_semaphore, #tpu.memory_space<semaphore_mem>>, %arg19: memref<!tpu.dma_semaphore, #tpu.memory_space<semaphore_mem>>) attributes {dimension_semantics = [#tpu.dimension_semantics<core_parallel>, #tpu.dimension_semantics<subcore_parallel>], iteration_bounds = array<i64: 2, 16>, scalar_prefetch = 0 : i64, scratch_operands = 15 : i64, tpu.core_type = #tpu.core_type<sc_vector_subcore>, window_params = [{transform_indices = #map}, {transform_indices = #map1}, {transform_indices = #map2}]} {
    %mul3A = arith.constant 2 : i32
    %mul3A_0 = arith.muli %arg1, %mul3A : i32
    %add3A = arith.addi %mul3A_0, %arg0 : i32
    "tpu.region"() ({
      %run_scoped3A = tpu.sem_alloc : memref<!tpu.dma_semaphore, #tpu.memory_space<semaphore_mem>>
      tpu.enqueue_dma source(%arg3 : memref<8256xi32, #tpu.memory_space<hbm>>) target(%arg5 : memref<8256xi32, #tpu.memory_space<vmem>>) target_semaphore(%run_scoped3A : memref<!tpu.dma_semaphore, #tpu.memory_space<semaphore_mem>>)
      tpu.wait_dma2 semaphore(%run_scoped3A : memref<!tpu.dma_semaphore, #tpu.memory_space<semaphore_mem>>) src(%arg3 : memref<8256xi32, #tpu.memory_space<hbm>>) dst(%arg5 : memref<8256xi32, #tpu.memory_space<vmem>>)
      tpu.yield
    }) : () -> ()
    %broadcast_in_dim3A = arith.constant 0 : i32
    %broadcast_in_dim3A_1 = vector.broadcast %broadcast_in_dim3A : i32 to vector<16xi32>
    %broadcast_in_dim3A_2 = arith.constant 1 : i32
    %broadcast_in_dim3A_3 = vector.broadcast %broadcast_in_dim3A_2 : i32 to vector<16xi32>
    %broadcast_in_dim3A_4 = arith.constant 2 : i32
    %broadcast_in_dim3A_5 = vector.broadcast %broadcast_in_dim3A_4 : i32 to vector<16xi32>
    %broadcast_in_dim3A_6 = arith.constant 3 : i32
    %broadcast_in_dim3A_7 = vector.broadcast %broadcast_in_dim3A_6 : i32 to vector<16xi32>
    %broadcast_in_dim3A_8 = arith.constant 4 : i32
    %broadcast_in_dim3A_9 = vector.broadcast %broadcast_in_dim3A_8 : i32 to vector<16xi32>
    %broadcast_in_dim3A_10 = arith.constant 5 : i32
    %broadcast_in_dim3A_11 = vector.broadcast %broadcast_in_dim3A_10 : i32 to vector<16xi32>
    %broadcast_in_dim3A_12 = arith.constant 6 : i32
    %broadcast_in_dim3A_13 = vector.broadcast %broadcast_in_dim3A_12 : i32 to vector<16xi32>
    %broadcast_in_dim3A_14 = arith.constant 7 : i32
    %broadcast_in_dim3A_15 = vector.broadcast %broadcast_in_dim3A_14 : i32 to vector<16xi32>
    %dma_start3A = arith.constant 0 : i32
    %dma_start3A_16 = arith.constant 0 : i32
    %dma_start3A_17 = arith.constant 0 : i32
    %dma_start3A_18 = tpu.memref_slice %arg2[%add3A, %dma_start3A, %dma_start3A_16, %dma_start3A_17] : memref<32x128x64x128xf32, #tpu.memory_space<hbm>> -> memref<1x32x8x128xf32, #tpu.memory_space<hbm>>
    %dma_start3A_19 = tpu.memref_squeeze %dma_start3A_18 : memref<1x32x8x128xf32, #tpu.memory_space<hbm>> -> memref<32x8x128xf32, #tpu.memory_space<hbm>>
    %dma_start3A_20 = arith.constant 0 : i32
    %dma_start3A_21 = arith.constant 0 : i32
    %dma_start3A_22 = arith.constant 0 : i32
    %dma_start3A_23 = tpu.memref_slice %arg2[%add3A, %dma_start3A_20, %dma_start3A_21, %dma_start3A_22] : memref<32x128x64x128xf32, #tpu.memory_space<hbm>> -> memref<1x32x8x128xf32, #tpu.memory_space<hbm>>
    %dma_start3A_24 = tpu.memref_squeeze %dma_start3A_23 : memref<1x32x8x128xf32, #tpu.memory_space<hbm>> -> memref<32x8x128xf32, #tpu.memory_space<hbm>>
    tpu.enqueue_dma source(%dma_start3A_24 : memref<32x8x128xf32, #tpu.memory_space<hbm>>) target(%arg6 : memref<32x8x128xf32, #tpu.memory_space<vmem>>) target_semaphore(%arg16 : memref<!tpu.dma_semaphore, #tpu.memory_space<semaphore_mem>>)
    %mul3A_25 = arith.constant 64 : i32
    %mul3A_26 = arith.muli %add3A, %mul3A_25 : i32
    %add3A_27 = arith.constant 0 : i32
    %add3A_28 = arith.addi %mul3A_26, %add3A_27 : i32
    %add3A_29 = arith.constant 0 : i32
    %add3A_30 = arith.addi %add3A_28, %add3A_29 : i32
    %dma_start3A_31 = arith.constant 4096 : i32
    %dma_start3A_32 = tpu.memref_slice %arg4[%add3A_30, %dma_start3A_31] : memref<2048x8256xf32, #tpu.memory_space<hbm>> -> memref<1x4096xf32, #tpu.memory_space<hbm>>
    %dma_start3A_33 = tpu.memref_squeeze %dma_start3A_32 : memref<1x4096xf32, #tpu.memory_space<hbm>> -> memref<4096xf32, #tpu.memory_space<hbm>>
    %dma_start3A_34 = arith.constant 4096 : i32
    %dma_start3A_35 = tpu.memref_slice %arg4[%add3A_30, %dma_start3A_34] : memref<2048x8256xf32, #tpu.memory_space<hbm>> -> memref<1x4096xf32, #tpu.memory_space<hbm>>
    %dma_start3A_36 = tpu.memref_squeeze %dma_start3A_35 : memref<1x4096xf32, #tpu.memory_space<hbm>> -> memref<4096xf32, #tpu.memory_space<hbm>>
    tpu.enqueue_dma source(%arg8 : memref<4096xf32, #tpu.memory_space<vmem>>) target(%dma_start3A_36 : memref<4096xf32, #tpu.memory_space<hbm>>) target_semaphore(%arg19 : memref<!tpu.dma_semaphore, #tpu.memory_space<semaphore_mem>>)
    %mul3A_37 = arith.constant 64 : i32
    %mul3A_38 = arith.muli %add3A, %mul3A_37 : i32
    %add3A_39 = arith.constant 0 : i32
    %add3A_40 = arith.addi %mul3A_38, %add3A_39 : i32
    %add3A_41 = arith.constant 1 : i32
    %add3A_42 = arith.addi %add3A_40, %add3A_41 : i32
    %dma_start3A_43 = arith.constant 4096 : i32
    %dma_start3A_44 = tpu.memref_slice %arg4[%add3A_42, %dma_start3A_43] : memref<2048x8256xf32, #tpu.memory_space<hbm>> -> memref<1x4096xf32, #tpu.memory_space<hbm>>
    %dma_start3A_45 = tpu.memref_squeeze %dma_start3A_44 : memref<1x4096xf32, #tpu.memory_space<hbm>> -> memref<4096xf32, #tpu.memory_space<hbm>>
    %dma_start3A_46 = arith.constant 4096 : i32
    %dma_start3A_47 = tpu.memref_slice %arg4[%add3A_42, %dma_start3A_46] : memref<2048x8256xf32, #tpu.memory_space<hbm>> -> memref<1x4096xf32, #tpu.memory_space<hbm>>
    %dma_start3A_48 = tpu.memref_squeeze %dma_start3A_47 : memref<1x4096xf32, #tpu.memory_space<hbm>> -> memref<4096xf32, #tpu.memory_space<hbm>>
    tpu.enqueue_dma source(%arg9 : memref<4096xf32, #tpu.memory_space<vmem>>) target(%dma_start3A_48 : memref<4096xf32, #tpu.memory_space<hbm>>) target_semaphore(%arg19 : memref<!tpu.dma_semaphore, #tpu.memory_space<semaphore_mem>>)
    %mul3A_49 = arith.constant 64 : i32
    %mul3A_50 = arith.muli %add3A, %mul3A_49 : i32
    %add3A_51 = arith.constant 0 : i32
    %add3A_52 = arith.addi %mul3A_50, %add3A_51 : i32
    %add3A_53 = arith.constant 2 : i32
    %add3A_54 = arith.addi %add3A_52, %add3A_53 : i32
    %dma_start3A_55 = arith.constant 4096 : i32
    %dma_start3A_56 = tpu.memref_slice %arg4[%add3A_54, %dma_start3A_55] : memref<2048x8256xf32, #tpu.memory_space<hbm>> -> memref<1x4096xf32, #tpu.memory_space<hbm>>
    %dma_start3A_57 = tpu.memref_squeeze %dma_start3A_56 : memref<1x4096xf32, #tpu.memory_space<hbm>> -> memref<4096xf32, #tpu.memory_space<hbm>>
    %dma_start3A_58 = arith.constant 4096 : i32
    %dma_start3A_59 = tpu.memref_slice %arg4[%add3A_54, %dma_start3A_58] : memref<2048x8256xf32, #tpu.memory_space<hbm>> -> memref<1x4096xf32, #tpu.memory_space<hbm>>
    %dma_start3A_60 = tpu.memref_squeeze %dma_start3A_59 : memref<1x4096xf32, #tpu.memory_space<hbm>> -> memref<4096xf32, #tpu.memory_space<hbm>>
    tpu.enqueue_dma source(%arg10 : memref<4096xf32, #tpu.memory_space<vmem>>) target(%dma_start3A_60 : memref<4096xf32, #tpu.memory_space<hbm>>) target_semaphore(%arg19 : memref<!tpu.dma_semaphore, #tpu.memory_space<semaphore_mem>>)
    %mul3A_61 = arith.constant 64 : i32
    %mul3A_62 = arith.muli %add3A, %mul3A_61 : i32
    %add3A_63 = arith.constant 0 : i32
    %add3A_64 = arith.addi %mul3A_62, %add3A_63 : i32
    %add3A_65 = arith.constant 3 : i32
    %add3A_66 = arith.addi %add3A_64, %add3A_65 : i32
    %dma_start3A_67 = arith.constant 4096 : i32
    %dma_start3A_68 = tpu.memref_slice %arg4[%add3A_66, %dma_start3A_67] : memref<2048x8256xf32, #tpu.memory_space<hbm>> -> memref<1x4096xf32, #tpu.memory_space<hbm>>
    %dma_start3A_69 = tpu.memref_squeeze %dma_start3A_68 : memref<1x4096xf32, #tpu.memory_space<hbm>> -> memref<4096xf32, #tpu.memory_space<hbm>>
    %dma_start3A_70 = arith.constant 4096 : i32
    %dma_start3A_71 = tpu.memref_slice %arg4[%add3A_66, %dma_start3A_70] : memref<2048x8256xf32, #tpu.memory_space<hbm>> -> memref<1x4096xf32, #tpu.memory_space<hbm>>
    %dma_start3A_72 = tpu.memref_squeeze %dma_start3A_71 : memref<1x4096xf32, #tpu.memory_space<hbm>> -> memref<4096xf32, #tpu.memory_space<hbm>>
    tpu.enqueue_dma source(%arg11 : memref<4096xf32, #tpu.memory_space<vmem>>) target(%dma_start3A_72 : memref<4096xf32, #tpu.memory_space<hbm>>) target_semaphore(%arg19 : memref<!tpu.dma_semaphore, #tpu.memory_space<semaphore_mem>>)
    %mul3A_73 = arith.constant 64 : i32
    %mul3A_74 = arith.muli %add3A, %mul3A_73 : i32
    %add3A_75 = arith.constant 0 : i32
    %add3A_76 = arith.addi %mul3A_74, %add3A_75 : i32
    %add3A_77 = arith.constant 4 : i32
    %add3A_78 = arith.addi %add3A_76, %add3A_77 : i32
    %dma_start3A_79 = arith.constant 4096 : i32
    %dma_start3A_80 = tpu.memref_slice %arg4[%add3A_78, %dma_start3A_79] : memref<2048x8256xf32, #tpu.memory_space<hbm>> -> memref<1x4096xf32, #tpu.memory_space<hbm>>
    %dma_start3A_81 = tpu.memref_squeeze %dma_start3A_80 : memref<1x4096xf32, #tpu.memory_space<hbm>> -> memref<4096xf32, #tpu.memory_space<hbm>>
    %dma_start3A_82 = arith.constant 4096 : i32
    %dma_start3A_83 = tpu.memref_slice %arg4[%add3A_78, %dma_start3A_82] : memref<2048x8256xf32, #tpu.memory_space<hbm>> -> memref<1x4096xf32, #tpu.memory_space<hbm>>
    %dma_start3A_84 = tpu.memref_squeeze %dma_start3A_83 : memref<1x4096xf32, #tpu.memory_space<hbm>> -> memref<4096xf32, #tpu.memory_space<hbm>>
    tpu.enqueue_dma source(%arg12 : memref<4096xf32, #tpu.memory_space<vmem>>) target(%dma_start3A_84 : memref<4096xf32, #tpu.memory_space<hbm>>) target_semaphore(%arg19 : memref<!tpu.dma_semaphore, #tpu.memory_space<semaphore_mem>>)
    %mul3A_85 = arith.constant 64 : i32
    %mul3A_86 = arith.muli %add3A, %mul3A_85 : i32
    %add3A_87 = arith.constant 0 : i32
    %add3A_88 = arith.addi %mul3A_86, %add3A_87 : i32
    %add3A_89 = arith.constant 5 : i32
    %add3A_90 = arith.addi %add3A_88, %add3A_89 : i32
    %dma_start3A_91 = arith.constant 4096 : i32
    %dma_start3A_92 = tpu.memref_slice %arg4[%add3A_90, %dma_start3A_91] : memref<2048x8256xf32, #tpu.memory_space<hbm>> -> memref<1x4096xf32, #tpu.memory_space<hbm>>
    %dma_start3A_93 = tpu.memref_squeeze %dma_start3A_92 : memref<1x4096xf32, #tpu.memory_space<hbm>> -> memref<4096xf32, #tpu.memory_space<hbm>>
    %dma_start3A_94 = arith.constant 4096 : i32
    %dma_start3A_95 = tpu.memref_slice %arg4[%add3A_90, %dma_start3A_94] : memref<2048x8256xf32, #tpu.memory_space<hbm>> -> memref<1x4096xf32, #tpu.memory_space<hbm>>
    %dma_start3A_96 = tpu.memref_squeeze %dma_start3A_95 : memref<1x4096xf32, #tpu.memory_space<hbm>> -> memref<4096xf32, #tpu.memory_space<hbm>>
    tpu.enqueue_dma source(%arg13 : memref<4096xf32, #tpu.memory_space<vmem>>) target(%dma_start3A_96 : memref<4096xf32, #tpu.memory_space<hbm>>) target_semaphore(%arg19 : memref<!tpu.dma_semaphore, #tpu.memory_space<semaphore_mem>>)
    %mul3A_97 = arith.constant 64 : i32
    %mul3A_98 = arith.muli %add3A, %mul3A_97 : i32
    %add3A_99 = arith.constant 0 : i32
    %add3A_100 = arith.addi %mul3A_98, %add3A_99 : i32
    %add3A_101 = arith.constant 6 : i32
    %add3A_102 = arith.addi %add3A_100, %add3A_101 : i32
    %dma_start3A_103 = arith.constant 4096 : i32
    %dma_start3A_104 = tpu.memref_slice %arg4[%add3A_102, %dma_start3A_103] : memref<2048x8256xf32, #tpu.memory_space<hbm>> -> memref<1x4096xf32, #tpu.memory_space<hbm>>
    %dma_start3A_105 = tpu.memref_squeeze %dma_start3A_104 : memref<1x4096xf32, #tpu.memory_space<hbm>> -> memref<4096xf32, #tpu.memory_space<hbm>>
    %dma_start3A_106 = arith.constant 4096 : i32
    %dma_start3A_107 = tpu.memref_slice %arg4[%add3A_102, %dma_start3A_106] : memref<2048x8256xf32, #tpu.memory_space<hbm>> -> memref<1x4096xf32, #tpu.memory_space<hbm>>
    %dma_start3A_108 = tpu.memref_squeeze %dma_start3A_107 : memref<1x4096xf32, #tpu.memory_space<hbm>> -> memref<4096xf32, #tpu.memory_space<hbm>>
    tpu.enqueue_dma source(%arg14 : memref<4096xf32, #tpu.memory_space<vmem>>) target(%dma_start3A_108 : memref<4096xf32, #tpu.memory_space<hbm>>) target_semaphore(%arg19 : memref<!tpu.dma_semaphore, #tpu.memory_space<semaphore_mem>>)
    %mul3A_109 = arith.constant 64 : i32
    %mul3A_110 = arith.muli %add3A, %mul3A_109 : i32
    %add3A_111 = arith.constant 0 : i32
    %add3A_112 = arith.addi %mul3A_110, %add3A_111 : i32
    %add3A_113 = arith.constant 7 : i32
    %add3A_114 = arith.addi %add3A_112, %add3A_113 : i32
    %dma_start3A_115 = arith.constant 4096 : i32
    %dma_start3A_116 = tpu.memref_slice %arg4[%add3A_114, %dma_start3A_115] : memref<2048x8256xf32, #tpu.memory_space<hbm>> -> memref<1x4096xf32, #tpu.memory_space<hbm>>
    %dma_start3A_117 = tpu.memref_squeeze %dma_start3A_116 : memref<1x4096xf32, #tpu.memory_space<hbm>> -> memref<4096xf32, #tpu.memory_space<hbm>>
    %dma_start3A_118 = arith.constant 4096 : i32
    %dma_start3A_119 = tpu.memref_slice %arg4[%add3A_114, %dma_start3A_118] : memref<2048x8256xf32, #tpu.memory_space<hbm>> -> memref<1x4096xf32, #tpu.memory_space<hbm>>
    %dma_start3A_120 = tpu.memref_squeeze %dma_start3A_119 : memref<1x4096xf32, #tpu.memory_space<hbm>> -> memref<4096xf32, #tpu.memory_space<hbm>>
    tpu.enqueue_dma source(%arg15 : memref<4096xf32, #tpu.memory_space<vmem>>) target(%dma_start3A_120 : memref<4096xf32, #tpu.memory_space<hbm>>) target_semaphore(%arg19 : memref<!tpu.dma_semaphore, #tpu.memory_space<semaphore_mem>>)
    %scan3A = arith.constant 0 : i32
    %scan3A_121 = arith.constant 8 : i32
    %scan3A_122 = arith.addi %scan3A, %scan3A_121 : i32
    %scan3A_123 = arith.constant 1 : i32
    scf.for %scan3A_230 = %scan3A to %scan3A_122 step %scan3A_123  : i32 {
      %mul3A_231 = arith.constant 8 : i32
      %mul3A_232 = arith.muli %scan3A_230, %mul3A_231 : i32
      %dma_wait3A_233 = arith.constant 0 : i32
      %dma_wait3A_234 = arith.constant 0 : i32
      %dma_wait3A_235 = tpu.memref_slice %arg2[%add3A, %dma_wait3A_233, %mul3A_232, %dma_wait3A_234] : memref<32x128x64x128xf32, #tpu.memory_space<hbm>> -> memref<1x32x8x128xf32, #tpu.memory_space<hbm>>
      %dma_wait3A_236 = tpu.memref_squeeze %dma_wait3A_235 : memref<1x32x8x128xf32, #tpu.memory_space<hbm>> -> memref<32x8x128xf32, #tpu.memory_space<hbm>>
      %dma_wait3A_237 = arith.constant 0 : i32
      %dma_wait3A_238 = arith.constant 0 : i32
      %dma_wait3A_239 = tpu.memref_slice %arg2[%add3A, %dma_wait3A_237, %mul3A_232, %dma_wait3A_238] : memref<32x128x64x128xf32, #tpu.memory_space<hbm>> -> memref<1x32x8x128xf32, #tpu.memory_space<hbm>>
      %dma_wait3A_240 = tpu.memref_squeeze %dma_wait3A_239 : memref<1x32x8x128xf32, #tpu.memory_space<hbm>> -> memref<32x8x128xf32, #tpu.memory_space<hbm>>
      tpu.wait_dma2 semaphore(%arg16 : memref<!tpu.dma_semaphore, #tpu.memory_space<semaphore_mem>>) src(%dma_wait3A_240 : memref<32x8x128xf32, #tpu.memory_space<hbm>>) dst(%arg6 : memref<32x8x128xf32, #tpu.memory_space<vmem>>)
      %mul3A_241 = arith.constant 8 : i32
      %mul3A_242 = arith.muli %scan3A_230, %mul3A_241 : i32
      %dma_start3A_243 = arith.constant 32 : i32
      %dma_start3A_244 = arith.constant 0 : i32
      %dma_start3A_245 = tpu.memref_slice %arg2[%add3A, %dma_start3A_243, %mul3A_242, %dma_start3A_244] : memref<32x128x64x128xf32, #tpu.memory_space<hbm>> -> memref<1x32x8x128xf32, #tpu.memory_space<hbm>>
      %dma_start3A_246 = tpu.memref_squeeze %dma_start3A_245 : memref<1x32x8x128xf32, #tpu.memory_space<hbm>> -> memref<32x8x128xf32, #tpu.memory_space<hbm>>
      %dma_start3A_247 = arith.constant 32 : i32
      %dma_start3A_248 = arith.constant 0 : i32
      %dma_start3A_249 = tpu.memref_slice %arg2[%add3A, %dma_start3A_247, %mul3A_242, %dma_start3A_248] : memref<32x128x64x128xf32, #tpu.memory_space<hbm>> -> memref<1x32x8x128xf32, #tpu.memory_space<hbm>>
      %dma_start3A_250 = tpu.memref_squeeze %dma_start3A_249 : memref<1x32x8x128xf32, #tpu.memory_space<hbm>> -> memref<32x8x128xf32, #tpu.memory_space<hbm>>
      tpu.enqueue_dma source(%dma_start3A_250 : memref<32x8x128xf32, #tpu.memory_space<hbm>>) target(%arg7 : memref<32x8x128xf32, #tpu.memory_space<vmem>>) target_semaphore(%arg17 : memref<!tpu.dma_semaphore, #tpu.memory_space<semaphore_mem>>)
      %mul3A_251 = arith.constant 64 : i32
      %mul3A_252 = arith.muli %add3A, %mul3A_251 : i32
      %mul3A_253 = arith.constant 8 : i32
      %mul3A_254 = arith.muli %scan3A_230, %mul3A_253 : i32
      %add3A_255 = arith.addi %mul3A_252, %mul3A_254 : i32
      %add3A_256 = arith.constant 0 : i32
      %add3A_257 = arith.addi %add3A_255, %add3A_256 : i32
      %dma_wait3A_258 = arith.constant 4096 : i32
      %dma_wait3A_259 = tpu.memref_slice %arg4[%add3A_257, %dma_wait3A_258] : memref<2048x8256xf32, #tpu.memory_space<hbm>> -> memref<1x4096xf32, #tpu.memory_space<hbm>>
      %dma_wait3A_260 = tpu.memref_squeeze %dma_wait3A_259 : memref<1x4096xf32, #tpu.memory_space<hbm>> -> memref<4096xf32, #tpu.memory_space<hbm>>
      %dma_wait3A_261 = arith.constant 4096 : i32
      %dma_wait3A_262 = tpu.memref_slice %arg4[%add3A_257, %dma_wait3A_261] : memref<2048x8256xf32, #tpu.memory_space<hbm>> -> memref<1x4096xf32, #tpu.memory_space<hbm>>
      %dma_wait3A_263 = tpu.memref_squeeze %dma_wait3A_262 : memref<1x4096xf32, #tpu.memory_space<hbm>> -> memref<4096xf32, #tpu.memory_space<hbm>>
      tpu.wait_dma2 semaphore(%arg19 : memref<!tpu.dma_semaphore, #tpu.memory_space<semaphore_mem>>) src(%arg8 : memref<4096xf32, #tpu.memory_space<vmem>>) dst(%dma_wait3A_263 : memref<4096xf32, #tpu.memory_space<hbm>>)
      %mul3A_264 = arith.constant 64 : i32
      %mul3A_265 = arith.muli %add3A, %mul3A_264 : i32
      %mul3A_266 = arith.constant 8 : i32
      %mul3A_267 = arith.muli %scan3A_230, %mul3A_266 : i32
      %add3A_268 = arith.addi %mul3A_265, %mul3A_267 : i32
      %add3A_269 = arith.constant 1 : i32
      %add3A_270 = arith.addi %add3A_268, %add3A_269 : i32
      %dma_wait3A_271 = arith.constant 4096 : i32
      %dma_wait3A_272 = tpu.memref_slice %arg4[%add3A_270, %dma_wait3A_271] : memref<2048x8256xf32, #tpu.memory_space<hbm>> -> memref<1x4096xf32, #tpu.memory_space<hbm>>
      %dma_wait3A_273 = tpu.memref_squeeze %dma_wait3A_272 : memref<1x4096xf32, #tpu.memory_space<hbm>> -> memref<4096xf32, #tpu.memory_space<hbm>>
      %dma_wait3A_274 = arith.constant 4096 : i32
      %dma_wait3A_275 = tpu.memref_slice %arg4[%add3A_270, %dma_wait3A_274] : memref<2048x8256xf32, #tpu.memory_space<hbm>> -> memref<1x4096xf32, #tpu.memory_space<hbm>>
      %dma_wait3A_276 = tpu.memref_squeeze %dma_wait3A_275 : memref<1x4096xf32, #tpu.memory_space<hbm>> -> memref<4096xf32, #tpu.memory_space<hbm>>
      tpu.wait_dma2 semaphore(%arg19 : memref<!tpu.dma_semaphore, #tpu.memory_space<semaphore_mem>>) src(%arg9 : memref<4096xf32, #tpu.memory_space<vmem>>) dst(%dma_wait3A_276 : memref<4096xf32, #tpu.memory_space<hbm>>)
      %mul3A_277 = arith.constant 64 : i32
      %mul3A_278 = arith.muli %add3A, %mul3A_277 : i32
      %mul3A_279 = arith.constant 8 : i32
      %mul3A_280 = arith.muli %scan3A_230, %mul3A_279 : i32
      %add3A_281 = arith.addi %mul3A_278, %mul3A_280 : i32
      %add3A_282 = arith.constant 2 : i32
      %add3A_283 = arith.addi %add3A_281, %add3A_282 : i32
      %dma_wait3A_284 = arith.constant 4096 : i32
      %dma_wait3A_285 = tpu.memref_slice %arg4[%add3A_283, %dma_wait3A_284] : memref<2048x8256xf32, #tpu.memory_space<hbm>> -> memref<1x4096xf32, #tpu.memory_space<hbm>>
      %dma_wait3A_286 = tpu.memref_squeeze %dma_wait3A_285 : memref<1x4096xf32, #tpu.memory_space<hbm>> -> memref<4096xf32, #tpu.memory_space<hbm>>
      %dma_wait3A_287 = arith.constant 4096 : i32
      %dma_wait3A_288 = tpu.memref_slice %arg4[%add3A_283, %dma_wait3A_287] : memref<2048x8256xf32, #tpu.memory_space<hbm>> -> memref<1x4096xf32, #tpu.memory_space<hbm>>
      %dma_wait3A_289 = tpu.memref_squeeze %dma_wait3A_288 : memref<1x4096xf32, #tpu.memory_space<hbm>> -> memref<4096xf32, #tpu.memory_space<hbm>>
      tpu.wait_dma2 semaphore(%arg19 : memref<!tpu.dma_semaphore, #tpu.memory_space<semaphore_mem>>) src(%arg10 : memref<4096xf32, #tpu.memory_space<vmem>>) dst(%dma_wait3A_289 : memref<4096xf32, #tpu.memory_space<hbm>>)
      %mul3A_290 = arith.constant 64 : i32
      %mul3A_291 = arith.muli %add3A, %mul3A_290 : i32
      %mul3A_292 = arith.constant 8 : i32
      %mul3A_293 = arith.muli %scan3A_230, %mul3A_292 : i32
      %add3A_294 = arith.addi %mul3A_291, %mul3A_293 : i32
      %add3A_295 = arith.constant 3 : i32
      %add3A_296 = arith.addi %add3A_294, %add3A_295 : i32
      %dma_wait3A_297 = arith.constant 4096 : i32
      %dma_wait3A_298 = tpu.memref_slice %arg4[%add3A_296, %dma_wait3A_297] : memref<2048x8256xf32, #tpu.memory_space<hbm>> -> memref<1x4096xf32, #tpu.memory_space<hbm>>
      %dma_wait3A_299 = tpu.memref_squeeze %dma_wait3A_298 : memref<1x4096xf32, #tpu.memory_space<hbm>> -> memref<4096xf32, #tpu.memory_space<hbm>>
      %dma_wait3A_300 = arith.constant 4096 : i32
      %dma_wait3A_301 = tpu.memref_slice %arg4[%add3A_296, %dma_wait3A_300] : memref<2048x8256xf32, #tpu.memory_space<hbm>> -> memref<1x4096xf32, #tpu.memory_space<hbm>>
      %dma_wait3A_302 = tpu.memref_squeeze %dma_wait3A_301 : memref<1x4096xf32, #tpu.memory_space<hbm>> -> memref<4096xf32, #tpu.memory_space<hbm>>
      tpu.wait_dma2 semaphore(%arg19 : memref<!tpu.dma_semaphore, #tpu.memory_space<semaphore_mem>>) src(%arg11 : memref<4096xf32, #tpu.memory_space<vmem>>) dst(%dma_wait3A_302 : memref<4096xf32, #tpu.memory_space<hbm>>)
      %mul3A_303 = arith.constant 64 : i32
      %mul3A_304 = arith.muli %add3A, %mul3A_303 : i32
      %mul3A_305 = arith.constant 8 : i32
      %mul3A_306 = arith.muli %scan3A_230, %mul3A_305 : i32
      %add3A_307 = arith.addi %mul3A_304, %mul3A_306 : i32
      %add3A_308 = arith.constant 4 : i32
      %add3A_309 = arith.addi %add3A_307, %add3A_308 : i32
      %dma_wait3A_310 = arith.constant 4096 : i32
      %dma_wait3A_311 = tpu.memref_slice %arg4[%add3A_309, %dma_wait3A_310] : memref<2048x8256xf32, #tpu.memory_space<hbm>> -> memref<1x4096xf32, #tpu.memory_space<hbm>>
      %dma_wait3A_312 = tpu.memref_squeeze %dma_wait3A_311 : memref<1x4096xf32, #tpu.memory_space<hbm>> -> memref<4096xf32, #tpu.memory_space<hbm>>
      %dma_wait3A_313 = arith.constant 4096 : i32
      %dma_wait3A_314 = tpu.memref_slice %arg4[%add3A_309, %dma_wait3A_313] : memref<2048x8256xf32, #tpu.memory_space<hbm>> -> memref<1x4096xf32, #tpu.memory_space<hbm>>
      %dma_wait3A_315 = tpu.memref_squeeze %dma_wait3A_314 : memref<1x4096xf32, #tpu.memory_space<hbm>> -> memref<4096xf32, #tpu.memory_space<hbm>>
      tpu.wait_dma2 semaphore(%arg19 : memref<!tpu.dma_semaphore, #tpu.memory_space<semaphore_mem>>) src(%arg12 : memref<4096xf32, #tpu.memory_space<vmem>>) dst(%dma_wait3A_315 : memref<4096xf32, #tpu.memory_space<hbm>>)
      %mul3A_316 = arith.constant 64 : i32
      %mul3A_317 = arith.muli %add3A, %mul3A_316 : i32
      %mul3A_318 = arith.constant 8 : i32
      %mul3A_319 = arith.muli %scan3A_230, %mul3A_318 : i32
      %add3A_320 = arith.addi %mul3A_317, %mul3A_319 : i32
      %add3A_321 = arith.constant 5 : i32
      %add3A_322 = arith.addi %add3A_320, %add3A_321 : i32
      %dma_wait3A_323 = arith.constant 4096 : i32
      %dma_wait3A_324 = tpu.memref_slice %arg4[%add3A_322, %dma_wait3A_323] : memref<2048x8256xf32, #tpu.memory_space<hbm>> -> memref<1x4096xf32, #tpu.memory_space<hbm>>
      %dma_wait3A_325 = tpu.memref_squeeze %dma_wait3A_324 : memref<1x4096xf32, #tpu.memory_space<hbm>> -> memref<4096xf32, #tpu.memory_space<hbm>>
      %dma_wait3A_326 = arith.constant 4096 : i32
      %dma_wait3A_327 = tpu.memref_slice %arg4[%add3A_322, %dma_wait3A_326] : memref<2048x8256xf32, #tpu.memory_space<hbm>> -> memref<1x4096xf32, #tpu.memory_space<hbm>>
      %dma_wait3A_328 = tpu.memref_squeeze %dma_wait3A_327 : memref<1x4096xf32, #tpu.memory_space<hbm>> -> memref<4096xf32, #tpu.memory_space<hbm>>
      tpu.wait_dma2 semaphore(%arg19 : memref<!tpu.dma_semaphore, #tpu.memory_space<semaphore_mem>>) src(%arg13 : memref<4096xf32, #tpu.memory_space<vmem>>) dst(%dma_wait3A_328 : memref<4096xf32, #tpu.memory_space<hbm>>)
      %mul3A_329 = arith.constant 64 : i32
      %mul3A_330 = arith.muli %add3A, %mul3A_329 : i32
      %mul3A_331 = arith.constant 8 : i32
      %mul3A_332 = arith.muli %scan3A_230, %mul3A_331 : i32
      %add3A_333 = arith.addi %mul3A_330, %mul3A_332 : i32
      %add3A_334 = arith.constant 6 : i32
      %add3A_335 = arith.addi %add3A_333, %add3A_334 : i32
      %dma_wait3A_336 = arith.constant 4096 : i32
      %dma_wait3A_337 = tpu.memref_slice %arg4[%add3A_335, %dma_wait3A_336] : memref<2048x8256xf32, #tpu.memory_space<hbm>> -> memref<1x4096xf32, #tpu.memory_space<hbm>>
      %dma_wait3A_338 = tpu.memref_squeeze %dma_wait3A_337 : memref<1x4096xf32, #tpu.memory_space<hbm>> -> memref<4096xf32, #tpu.memory_space<hbm>>
      %dma_wait3A_339 = arith.constant 4096 : i32
      %dma_wait3A_340 = tpu.memref_slice %arg4[%add3A_335, %dma_wait3A_339] : memref<2048x8256xf32, #tpu.memory_space<hbm>> -> memref<1x4096xf32, #tpu.memory_space<hbm>>
      %dma_wait3A_341 = tpu.memref_squeeze %dma_wait3A_340 : memref<1x4096xf32, #tpu.memory_space<hbm>> -> memref<4096xf32, #tpu.memory_space<hbm>>
      tpu.wait_dma2 semaphore(%arg19 : memref<!tpu.dma_semaphore, #tpu.memory_space<semaphore_mem>>) src(%arg14 : memref<4096xf32, #tpu.memory_space<vmem>>) dst(%dma_wait3A_341 : memref<4096xf32, #tpu.memory_space<hbm>>)
      %mul3A_342 = arith.constant 64 : i32
      %mul3A_343 = arith.muli %add3A, %mul3A_342 : i32
      %mul3A_344 = arith.constant 8 : i32
      %mul3A_345 = arith.muli %scan3A_230, %mul3A_344 : i32
      %add3A_346 = arith.addi %mul3A_343, %mul3A_345 : i32
      %add3A_347 = arith.constant 7 : i32
      %add3A_348 = arith.addi %add3A_346, %add3A_347 : i32
      %dma_wait3A_349 = arith.constant 4096 : i32
      %dma_wait3A_350 = tpu.memref_slice %arg4[%add3A_348, %dma_wait3A_349] : memref<2048x8256xf32, #tpu.memory_space<hbm>> -> memref<1x4096xf32, #tpu.memory_space<hbm>>
      %dma_wait3A_351 = tpu.memref_squeeze %dma_wait3A_350 : memref<1x4096xf32, #tpu.memory_space<hbm>> -> memref<4096xf32, #tpu.memory_space<hbm>>
      %dma_wait3A_352 = arith.constant 4096 : i32
      %dma_wait3A_353 = tpu.memref_slice %arg4[%add3A_348, %dma_wait3A_352] : memref<2048x8256xf32, #tpu.memory_space<hbm>> -> memref<1x4096xf32, #tpu.memory_space<hbm>>
      %dma_wait3A_354 = tpu.memref_squeeze %dma_wait3A_353 : memref<1x4096xf32, #tpu.memory_space<hbm>> -> memref<4096xf32, #tpu.memory_space<hbm>>
      tpu.wait_dma2 semaphore(%arg19 : memref<!tpu.dma_semaphore, #tpu.memory_space<semaphore_mem>>) src(%arg15 : memref<4096xf32, #tpu.memory_space<vmem>>) dst(%dma_wait3A_354 : memref<4096xf32, #tpu.memory_space<hbm>>)
      %parallel_loop3A = arith.constant 0 : i32
      %parallel_loop3A_355 = arith.constant 33 : i32
      %parallel_loop3A_356 = arith.constant 1 : i32
      scf.for %parallel_loop3A_744 = %parallel_loop3A to %parallel_loop3A_355 step %parallel_loop3A_356  : i32 {
        %parallel_loop3A_745 = arith.constant 16 : i32
        %parallel_loop3A_746 = arith.muli %parallel_loop3A_744, %parallel_loop3A_745 : i32
        %parallel_loop3A_747 = arith.index_cast %parallel_loop3A_746 : i32 to index
        %parallel_loop3A_748 = tpu.vector_load %arg5[%parallel_loop3A_747] {strides = array<i32>} : memref<8256xi32, #tpu.memory_space<vmem>>, vector<16xi32>,
        %parallel_loop3A_749 = arith.constant 7 : i32
        %parallel_loop3A_750 = vector.broadcast %parallel_loop3A_749 : i32 to vector<16xi32>
        %parallel_loop3A_751 = arith.shrui %parallel_loop3A_748, %parallel_loop3A_750 : vector<16xi32>
        %parallel_loop3A_752 = arith.constant 127 : i32
        %parallel_loop3A_753 = vector.broadcast %parallel_loop3A_752 : i32 to vector<16xi32>
        %parallel_loop3A_754 = arith.andi %parallel_loop3A_748, %parallel_loop3A_753 : vector<16xi32>
        %parallel_loop3A_755 = tpu.vector_load_idx %arg6[%parallel_loop3A_751, %broadcast_in_dim3A_1, %parallel_loop3A_754] : memref<32x8x128xf32, #tpu.memory_space<vmem>>[vector<16xi32>, vector<16xi32>, vector<16xi32>], vector<16xf32>,
        %parallel_loop3A_756 = arith.constant 16 : i32
        %parallel_loop3A_757 = arith.muli %parallel_loop3A_744, %parallel_loop3A_756 : i32
        %parallel_loop3A_758 = arith.constant 0 : i32
        %parallel_loop3A_759 = arith.subi %parallel_loop3A_757, %parallel_loop3A_758 : i32
        %parallel_loop3A_760 = arith.index_cast %parallel_loop3A_759 : i32 to index
        %parallel_loop3A_761 = tpu.vector_load %arg8[%parallel_loop3A_760] {strides = array<i32>} : memref<4096xf32, #tpu.memory_space<vmem>>, vector<16xf32>,
        tpu.vector_store %arg8[%parallel_loop3A_760], %parallel_loop3A_755 {strides = array<i32>} : memref<4096xf32, #tpu.memory_space<vmem>>, vector<16xf32>,
        %parallel_loop3A_762 = tpu.vector_load_idx %arg6[%parallel_loop3A_751, %broadcast_in_dim3A_3, %parallel_loop3A_754] : memref<32x8x128xf32, #tpu.memory_space<vmem>>[vector<16xi32>, vector<16xi32>, vector<16xi32>], vector<16xf32>,
        %parallel_loop3A_763 = arith.constant 16 : i32
        %parallel_loop3A_764 = arith.muli %parallel_loop3A_744, %parallel_loop3A_763 : i32
        %parallel_loop3A_765 = arith.constant 0 : i32
        %parallel_loop3A_766 = arith.subi %parallel_loop3A_764, %parallel_loop3A_765 : i32
        %parallel_loop3A_767 = arith.index_cast %parallel_loop3A_766 : i32 to index
        %parallel_loop3A_768 = tpu.vector_load %arg9[%parallel_loop3A_767] {strides = array<i32>} : memref<4096xf32, #tpu.memory_space<vmem>>, vector<16xf32>,
        tpu.vector_store %arg9[%parallel_loop3A_767], %parallel_loop3A_762 {strides = array<i32>} : memref<4096xf32, #tpu.memory_space<vmem>>, vector<16xf32>,
        %parallel_loop3A_769 = tpu.vector_load_idx %arg6[%parallel_loop3A_751, %broadcast_in_dim3A_5, %parallel_loop3A_754] : memref<32x8x128xf32, #tpu.memory_space<vmem>>[vector<16xi32>, vector<16xi32>, vector<16xi32>], vector<16xf32>,
        %parallel_loop3A_770 = arith.constant 16 : i32
        %parallel_loop3A_771 = arith.muli %parallel_loop3A_744, %parallel_loop3A_770 : i32
        %parallel_loop3A_772 = arith.constant 0 : i32
        %parallel_loop3A_773 = arith.subi %parallel_loop3A_771, %parallel_loop3A_772 : i32
        %parallel_loop3A_774 = arith.index_cast %parallel_loop3A_773 : i32 to index
        %parallel_loop3A_775 = tpu.vector_load %arg10[%parallel_loop3A_774] {strides = array<i32>} : memref<4096xf32, #tpu.memory_space<vmem>>, vector<16xf32>,
        tpu.vector_store %arg10[%parallel_loop3A_774], %parallel_loop3A_769 {strides = array<i32>} : memref<4096xf32, #tpu.memory_space<vmem>>, vector<16xf32>,
        %parallel_loop3A_776 = tpu.vector_load_idx %arg6[%parallel_loop3A_751, %broadcast_in_dim3A_7, %parallel_loop3A_754] : memref<32x8x128xf32, #tpu.memory_space<vmem>>[vector<16xi32>, vector<16xi32>, vector<16xi32>], vector<16xf32>,
        %parallel_loop3A_777 = arith.constant 16 : i32
        %parallel_loop3A_778 = arith.muli %parallel_loop3A_744, %parallel_loop3A_777 : i32
        %parallel_loop3A_779 = arith.constant 0 : i32
        %parallel_loop3A_780 = arith.subi %parallel_loop3A_778, %parallel_loop3A_779 : i32
        %parallel_loop3A_781 = arith.index_cast %parallel_loop3A_780 : i32 to index
        %parallel_loop3A_782 = tpu.vector_load %arg11[%parallel_loop3A_781] {strides = array<i32>} : memref<4096xf32, #tpu.memory_space<vmem>>, vector<16xf32>,
        tpu.vector_store %arg11[%parallel_loop3A_781], %parallel_loop3A_776 {strides = array<i32>} : memref<4096xf32, #tpu.memory_space<vmem>>, vector<16xf32>,
        %parallel_loop3A_783 = tpu.vector_load_idx %arg6[%parallel_loop3A_751, %broadcast_in_dim3A_9, %parallel_loop3A_754] : memref<32x8x128xf32, #tpu.memory_space<vmem>>[vector<16xi32>, vector<16xi32>, vector<16xi32>], vector<16xf32>,
        %parallel_loop3A_784 = arith.constant 16 : i32
        %parallel_loop3A_785 = arith.muli %parallel_loop3A_744, %parallel_loop3A_784 : i32
        %parallel_loop3A_786 = arith.constant 0 : i32
        %parallel_loop3A_787 = arith.subi %parallel_loop3A_785, %parallel_loop3A_786 : i32
        %parallel_loop3A_788 = arith.index_cast %parallel_loop3A_787 : i32 to index
        %parallel_loop3A_789 = tpu.vector_load %arg12[%parallel_loop3A_788] {strides = array<i32>} : memref<4096xf32, #tpu.memory_space<vmem>>, vector<16xf32>,
        tpu.vector_store %arg12[%parallel_loop3A_788], %parallel_loop3A_783 {strides = array<i32>} : memref<4096xf32, #tpu.memory_space<vmem>>, vector<16xf32>,
        %parallel_loop3A_790 = tpu.vector_load_idx %arg6[%parallel_loop3A_751, %broadcast_in_dim3A_11, %parallel_loop3A_754] : memref<32x8x128xf32, #tpu.memory_space<vmem>>[vector<16xi32>, vector<16xi32>, vector<16xi32>], vector<16xf32>,
        %parallel_loop3A_791 = arith.constant 16 : i32
        %parallel_loop3A_792 = arith.muli %parallel_loop3A_744, %parallel_loop3A_791 : i32
        %parallel_loop3A_793 = arith.constant 0 : i32
        %parallel_loop3A_794 = arith.subi %parallel_loop3A_792, %parallel_loop3A_793 : i32
        %parallel_loop3A_795 = arith.index_cast %parallel_loop3A_794 : i32 to index
        %parallel_loop3A_796 = tpu.vector_load %arg13[%parallel_loop3A_795] {strides = array<i32>} : memref<4096xf32, #tpu.memory_space<vmem>>, vector<16xf32>,
        tpu.vector_store %arg13[%parallel_loop3A_795], %parallel_loop3A_790 {strides = array<i32>} : memref<4096xf32, #tpu.memory_space<vmem>>, vector<16xf32>,
        %parallel_loop3A_797 = tpu.vector_load_idx %arg6[%parallel_loop3A_751, %broadcast_in_dim3A_13, %parallel_loop3A_754] : memref<32x8x128xf32, #tpu.memory_space<vmem>>[vector<16xi32>, vector<16xi32>, vector<16xi32>], vector<16xf32>,
        %parallel_loop3A_798 = arith.constant 16 : i32
        %parallel_loop3A_799 = arith.muli %parallel_loop3A_744, %parallel_loop3A_798 : i32
        %parallel_loop3A_800 = arith.constant 0 : i32
        %parallel_loop3A_801 = arith.subi %parallel_loop3A_799, %parallel_loop3A_800 : i32
        %parallel_loop3A_802 = arith.index_cast %parallel_loop3A_801 : i32 to index
        %parallel_loop3A_803 = tpu.vector_load %arg14[%parallel_loop3A_802] {strides = array<i32>} : memref<4096xf32, #tpu.memory_space<vmem>>, vector<16xf32>,
        tpu.vector_store %arg14[%parallel_loop3A_802], %parallel_loop3A_797 {strides = array<i32>} : memref<4096xf32, #tpu.memory_space<vmem>>, vector<16xf32>,
        %parallel_loop3A_804 = tpu.vector_load_idx %arg6[%parallel_loop3A_751, %broadcast_in_dim3A_15, %parallel_loop3A_754] : memref<32x8x128xf32, #tpu.memory_space<vmem>>[vector<16xi32>, vector<16xi32>, vector<16xi32>], vector<16xf32>,
        %parallel_loop3A_805 = arith.constant 16 : i32
        %parallel_loop3A_806 = arith.muli %parallel_loop3A_744, %parallel_loop3A_805 : i32
        %parallel_loop3A_807 = arith.constant 0 : i32
        %parallel_loop3A_808 = arith.subi %parallel_loop3A_806, %parallel_loop3A_807 : i32
        %parallel_loop3A_809 = arith.index_cast %parallel_loop3A_808 : i32 to index
        %parallel_loop3A_810 = tpu.vector_load %arg15[%parallel_loop3A_809] {strides = array<i32>} : memref<4096xf32, #tpu.memory_space<vmem>>, vector<16xf32>,
        tpu.vector_store %arg15[%parallel_loop3A_809], %parallel_loop3A_804 {strides = array<i32>} : memref<4096xf32, #tpu.memory_space<vmem>>, vector<16xf32>,
      } {sc.loop_unroll_factor = 1 : i64, sc.parallel_access}
      %mul3A_357 = arith.constant 8 : i32
      %mul3A_358 = arith.muli %scan3A_230, %mul3A_357 : i32
      %dma_wait3A_359 = arith.constant 32 : i32
      %dma_wait3A_360 = arith.constant 0 : i32
      %dma_wait3A_361 = tpu.memref_slice %arg2[%add3A, %dma_wait3A_359, %mul3A_358, %dma_wait3A_360] : memref<32x128x64x128xf32, #tpu.memory_space<hbm>> -> memref<1x32x8x128xf32, #tpu.memory_space<hbm>>
      %dma_wait3A_362 = tpu.memref_squeeze %dma_wait3A_361 : memref<1x32x8x128xf32, #tpu.memory_space<hbm>> -> memref<32x8x128xf32, #tpu.memory_space<hbm>>
      %dma_wait3A_363 = arith.constant 32 : i32
      %dma_wait3A_364 = arith.constant 0 : i32
      %dma_wait3A_365 = tpu.memref_slice %arg2[%add3A, %dma_wait3A_363, %mul3A_358, %dma_wait3A_364] : memref<32x128x64x128xf32, #tpu.memory_space<hbm>> -> memref<1x32x8x128xf32, #tpu.memory_space<hbm>>
      %dma_wait3A_366 = tpu.memref_squeeze %dma_wait3A_365 : memref<1x32x8x128xf32, #tpu.memory_space<hbm>> -> memref<32x8x128xf32, #tpu.memory_space<hbm>>
      tpu.wait_dma2 semaphore(%arg17 : memref<!tpu.dma_semaphore, #tpu.memory_space<semaphore_mem>>) src(%dma_wait3A_366 : memref<32x8x128xf32, #tpu.memory_space<hbm>>) dst(%arg7 : memref<32x8x128xf32, #tpu.memory_space<vmem>>)
      %mul3A_367 = arith.constant 8 : i32
      %mul3A_368 = arith.muli %scan3A_230, %mul3A_367 : i32
      %dma_start3A_369 = arith.constant 64 : i32
      %dma_start3A_370 = arith.constant 0 : i32
      %dma_start3A_371 = tpu.memref_slice %arg2[%add3A, %dma_start3A_369, %mul3A_368, %dma_start3A_370] : memref<32x128x64x128xf32, #tpu.memory_space<hbm>> -> memref<1x32x8x128xf32, #tpu.memory_space<hbm>>
      %dma_start3A_372 = tpu.memref_squeeze %dma_start3A_371 : memref<1x32x8x128xf32, #tpu.memory_space<hbm>> -> memref<32x8x128xf32, #tpu.memory_space<hbm>>
      %dma_start3A_373 = arith.constant 64 : i32
      %dma_start3A_374 = arith.constant 0 : i32
      %dma_start3A_375 = tpu.memref_slice %arg2[%add3A, %dma_start3A_373, %mul3A_368, %dma_start3A_374] : memref<32x128x64x128xf32, #tpu.memory_space<hbm>> -> memref<1x32x8x128xf32, #tpu.memory_space<hbm>>
      %dma_start3A_376 = tpu.memref_squeeze %dma_start3A_375 : memref<1x32x8x128xf32, #tpu.memory_space<hbm>> -> memref<32x8x128xf32, #tpu.memory_space<hbm>>
      tpu.enqueue_dma source(%dma_start3A_376 : memref<32x8x128xf32, #tpu.memory_space<hbm>>) target(%arg6 : memref<32x8x128xf32, #tpu.memory_space<vmem>>) target_semaphore(%arg16 : memref<!tpu.dma_semaphore, #tpu.memory_space<semaphore_mem>>)
      %parallel_loop3A_377 = arith.constant 33 : i32
      %parallel_loop3A_378 = arith.constant 130 : i32
      %parallel_loop3A_379 = arith.constant 1 : i32
      scf.for %parallel_loop3A_744 = %parallel_loop3A_377 to %parallel_loop3A_378 step %parallel_loop3A_379  : i32 {
        %parallel_loop3A_745 = arith.constant 16 : i32
        %parallel_loop3A_746 = arith.muli %parallel_loop3A_744, %parallel_loop3A_745 : i32
        %parallel_loop3A_747 = arith.index_cast %parallel_loop3A_746 : i32 to index
        %parallel_loop3A_748 = tpu.vector_load %arg5[%parallel_loop3A_747] {strides = array<i32>} : memref<8256xi32, #tpu.memory_space<vmem>>, vector<16xi32>,
        %parallel_loop3A_749 = arith.constant 7 : i32
        %parallel_loop3A_750 = vector.broadcast %parallel_loop3A_749 : i32 to vector<16xi32>
        %parallel_loop3A_751 = arith.shrui %parallel_loop3A_748, %parallel_loop3A_750 : vector<16xi32>
        %parallel_loop3A_752 = arith.constant 127 : i32
        %parallel_loop3A_753 = vector.broadcast %parallel_loop3A_752 : i32 to vector<16xi32>
        %parallel_loop3A_754 = arith.andi %parallel_loop3A_748, %parallel_loop3A_753 : vector<16xi32>
        %parallel_loop3A_755 = tpu.vector_load_idx %arg7[%parallel_loop3A_751, %broadcast_in_dim3A_1, %parallel_loop3A_754] : memref<32x8x128xf32, #tpu.memory_space<vmem>>[vector<16xi32>, vector<16xi32>, vector<16xi32>], vector<16xf32>,
        %parallel_loop3A_756 = arith.constant 16 : i32
        %parallel_loop3A_757 = arith.muli %parallel_loop3A_744, %parallel_loop3A_756 : i32
        %parallel_loop3A_758 = arith.constant 0 : i32
        %parallel_loop3A_759 = arith.subi %parallel_loop3A_757, %parallel_loop3A_758 : i32
        %parallel_loop3A_760 = arith.index_cast %parallel_loop3A_759 : i32 to index
        %parallel_loop3A_761 = tpu.vector_load %arg8[%parallel_loop3A_760] {strides = array<i32>} : memref<4096xf32, #tpu.memory_space<vmem>>, vector<16xf32>,
        tpu.vector_store %arg8[%parallel_loop3A_760], %parallel_loop3A_755 {strides = array<i32>} : memref<4096xf32, #tpu.memory_space<vmem>>, vector<16xf32>,
        %parallel_loop3A_762 = tpu.vector_load_idx %arg7[%parallel_loop3A_751, %broadcast_in_dim3A_3, %parallel_loop3A_754] : memref<32x8x128xf32, #tpu.memory_space<vmem>>[vector<16xi32>, vector<16xi32>, vector<16xi32>], vector<16xf32>,
        %parallel_loop3A_763 = arith.constant 16 : i32
        %parallel_loop3A_764 = arith.muli %parallel_loop3A_744, %parallel_loop3A_763 : i32
        %parallel_loop3A_765 = arith.constant 0 : i32
        %parallel_loop3A_766 = arith.subi %parallel_loop3A_764, %parallel_loop3A_765 : i32
        %parallel_loop3A_767 = arith.index_cast %parallel_loop3A_766 : i32 to index
        %parallel_loop3A_768 = tpu.vector_load %arg9[%parallel_loop3A_767] {strides = array<i32>} : memref<4096xf32, #tpu.memory_space<vmem>>, vector<16xf32>,
        tpu.vector_store %arg9[%parallel_loop3A_767], %parallel_loop3A_762 {strides = array<i32>} : memref<4096xf32, #tpu.memory_space<vmem>>, vector<16xf32>,
        %parallel_loop3A_769 = tpu.vector_load_idx %arg7[%parallel_loop3A_751, %broadcast_in_dim3A_5, %parallel_loop3A_754] : memref<32x8x128xf32, #tpu.memory_space<vmem>>[vector<16xi32>, vector<16xi32>, vector<16xi32>], vector<16xf32>,
        %parallel_loop3A_770 = arith.constant 16 : i32
        %parallel_loop3A_771 = arith.muli %parallel_loop3A_744, %parallel_loop3A_770 : i32
        %parallel_loop3A_772 = arith.constant 0 : i32
        %parallel_loop3A_773 = arith.subi %parallel_loop3A_771, %parallel_loop3A_772 : i32
        %parallel_loop3A_774 = arith.index_cast %parallel_loop3A_773 : i32 to index
        %parallel_loop3A_775 = tpu.vector_load %arg10[%parallel_loop3A_774] {strides = array<i32>} : memref<4096xf32, #tpu.memory_space<vmem>>, vector<16xf32>,
        tpu.vector_store %arg10[%parallel_loop3A_774], %parallel_loop3A_769 {strides = array<i32>} : memref<4096xf32, #tpu.memory_space<vmem>>, vector<16xf32>,
        %parallel_loop3A_776 = tpu.vector_load_idx %arg7[%parallel_loop3A_751, %broadcast_in_dim3A_7, %parallel_loop3A_754] : memref<32x8x128xf32, #tpu.memory_space<vmem>>[vector<16xi32>, vector<16xi32>, vector<16xi32>], vector<16xf32>,
        %parallel_loop3A_777 = arith.constant 16 : i32
        %parallel_loop3A_778 = arith.muli %parallel_loop3A_744, %parallel_loop3A_777 : i32
        %parallel_loop3A_779 = arith.constant 0 : i32
        %parallel_loop3A_780 = arith.subi %parallel_loop3A_778, %parallel_loop3A_779 : i32
        %parallel_loop3A_781 = arith.index_cast %parallel_loop3A_780 : i32 to index
        %parallel_loop3A_782 = tpu.vector_load %arg11[%parallel_loop3A_781] {strides = array<i32>} : memref<4096xf32, #tpu.memory_space<vmem>>, vector<16xf32>,
        tpu.vector_store %arg11[%parallel_loop3A_781], %parallel_loop3A_776 {strides = array<i32>} : memref<4096xf32, #tpu.memory_space<vmem>>, vector<16xf32>,
        %parallel_loop3A_783 = tpu.vector_load_idx %arg7[%parallel_loop3A_751, %broadcast_in_dim3A_9, %parallel_loop3A_754] : memref<32x8x128xf32, #tpu.memory_space<vmem>>[vector<16xi32>, vector<16xi32>, vector<16xi32>], vector<16xf32>,
        %parallel_loop3A_784 = arith.constant 16 : i32
        %parallel_loop3A_785 = arith.muli %parallel_loop3A_744, %parallel_loop3A_784 : i32
        %parallel_loop3A_786 = arith.constant 0 : i32
        %parallel_loop3A_787 = arith.subi %parallel_loop3A_785, %parallel_loop3A_786 : i32
        %parallel_loop3A_788 = arith.index_cast %parallel_loop3A_787 : i32 to index
        %parallel_loop3A_789 = tpu.vector_load %arg12[%parallel_loop3A_788] {strides = array<i32>} : memref<4096xf32, #tpu.memory_space<vmem>>, vector<16xf32>,
        tpu.vector_store %arg12[%parallel_loop3A_788], %parallel_loop3A_783 {strides = array<i32>} : memref<4096xf32, #tpu.memory_space<vmem>>, vector<16xf32>,
        %parallel_loop3A_790 = tpu.vector_load_idx %arg7[%parallel_loop3A_751, %broadcast_in_dim3A_11, %parallel_loop3A_754] : memref<32x8x128xf32, #tpu.memory_space<vmem>>[vector<16xi32>, vector<16xi32>, vector<16xi32>], vector<16xf32>,
        %parallel_loop3A_791 = arith.constant 16 : i32
        %parallel_loop3A_792 = arith.muli %parallel_loop3A_744, %parallel_loop3A_791 : i32
        %parallel_loop3A_793 = arith.constant 0 : i32
        %parallel_loop3A_794 = arith.subi %parallel_loop3A_792, %parallel_loop3A_793 : i32
        %parallel_loop3A_795 = arith.index_cast %parallel_loop3A_794 : i32 to index
        %parallel_loop3A_796 = tpu.vector_load %arg13[%parallel_loop3A_795] {strides = array<i32>} : memref<4096xf32, #tpu.memory_space<vmem>>, vector<16xf32>,
        tpu.vector_store %arg13[%parallel_loop3A_795], %parallel_loop3A_790 {strides = array<i32>} : memref<4096xf32, #tpu.memory_space<vmem>>, vector<16xf32>,
        %parallel_loop3A_797 = tpu.vector_load_idx %arg7[%parallel_loop3A_751, %broadcast_in_dim3A_13, %parallel_loop3A_754] : memref<32x8x128xf32, #tpu.memory_space<vmem>>[vector<16xi32>, vector<16xi32>, vector<16xi32>], vector<16xf32>,
        %parallel_loop3A_798 = arith.constant 16 : i32
        %parallel_loop3A_799 = arith.muli %parallel_loop3A_744, %parallel_loop3A_798 : i32
        %parallel_loop3A_800 = arith.constant 0 : i32
        %parallel_loop3A_801 = arith.subi %parallel_loop3A_799, %parallel_loop3A_800 : i32
        %parallel_loop3A_802 = arith.index_cast %parallel_loop3A_801 : i32 to index
        %parallel_loop3A_803 = tpu.vector_load %arg14[%parallel_loop3A_802] {strides = array<i32>} : memref<4096xf32, #tpu.memory_space<vmem>>, vector<16xf32>,
        tpu.vector_store %arg14[%parallel_loop3A_802], %parallel_loop3A_797 {strides = array<i32>} : memref<4096xf32, #tpu.memory_space<vmem>>, vector<16xf32>,
        %parallel_loop3A_804 = tpu.vector_load_idx %arg7[%parallel_loop3A_751, %broadcast_in_dim3A_15, %parallel_loop3A_754] : memref<32x8x128xf32, #tpu.memory_space<vmem>>[vector<16xi32>, vector<16xi32>, vector<16xi32>], vector<16xf32>,
        %parallel_loop3A_805 = arith.constant 16 : i32
        %parallel_loop3A_806 = arith.muli %parallel_loop3A_744, %parallel_loop3A_805 : i32
        %parallel_loop3A_807 = arith.constant 0 : i32
        %parallel_loop3A_808 = arith.subi %parallel_loop3A_806, %parallel_loop3A_807 : i32
        %parallel_loop3A_809 = arith.index_cast %parallel_loop3A_808 : i32 to index
        %parallel_loop3A_810 = tpu.vector_load %arg15[%parallel_loop3A_809] {strides = array<i32>} : memref<4096xf32, #tpu.memory_space<vmem>>, vector<16xf32>,
        tpu.vector_store %arg15[%parallel_loop3A_809], %parallel_loop3A_804 {strides = array<i32>} : memref<4096xf32, #tpu.memory_space<vmem>>, vector<16xf32>,
      } {sc.loop_unroll_factor = 1 : i64, sc.parallel_access}
      %mul3A_380 = arith.constant 8 : i32
      %mul3A_381 = arith.muli %scan3A_230, %mul3A_380 : i32
      %dma_wait3A_382 = arith.constant 64 : i32
      %dma_wait3A_383 = arith.constant 0 : i32
      %dma_wait3A_384 = tpu.memref_slice %arg2[%add3A, %dma_wait3A_382, %mul3A_381, %dma_wait3A_383] : memref<32x128x64x128xf32, #tpu.memory_space<hbm>> -> memref<1x32x8x128xf32, #tpu.memory_space<hbm>>
      %dma_wait3A_385 = tpu.memref_squeeze %dma_wait3A_384 : memref<1x32x8x128xf32, #tpu.memory_space<hbm>> -> memref<32x8x128xf32, #tpu.memory_space<hbm>>
      %dma_wait3A_386 = arith.constant 64 : i32
      %dma_wait3A_387 = arith.constant 0 : i32
      %dma_wait3A_388 = tpu.memref_slice %arg2[%add3A, %dma_wait3A_386, %mul3A_381, %dma_wait3A_387] : memref<32x128x64x128xf32, #tpu.memory_space<hbm>> -> memref<1x32x8x128xf32, #tpu.memory_space<hbm>>
      %dma_wait3A_389 = tpu.memref_squeeze %dma_wait3A_388 : memref<1x32x8x128xf32, #tpu.memory_space<hbm>> -> memref<32x8x128xf32, #tpu.memory_space<hbm>>
      tpu.wait_dma2 semaphore(%arg16 : memref<!tpu.dma_semaphore, #tpu.memory_space<semaphore_mem>>) src(%dma_wait3A_389 : memref<32x8x128xf32, #tpu.memory_space<hbm>>) dst(%arg6 : memref<32x8x128xf32, #tpu.memory_space<vmem>>)
      %mul3A_390 = arith.constant 8 : i32
      %mul3A_391 = arith.muli %scan3A_230, %mul3A_390 : i32
      %dma_start3A_392 = arith.constant 96 : i32
      %dma_start3A_393 = arith.constant 0 : i32
      %dma_start3A_394 = tpu.memref_slice %arg2[%add3A, %dma_start3A_392, %mul3A_391, %dma_start3A_393] : memref<32x128x64x128xf32, #tpu.memory_space<hbm>> -> memref<1x32x8x128xf32, #tpu.memory_space<hbm>>
      %dma_start3A_395 = tpu.memref_squeeze %dma_start3A_394 : memref<1x32x8x128xf32, #tpu.memory_space<hbm>> -> memref<32x8x128xf32, #tpu.memory_space<hbm>>
      %dma_start3A_396 = arith.constant 96 : i32
      %dma_start3A_397 = arith.constant 0 : i32
      %dma_start3A_398 = tpu.memref_slice %arg2[%add3A, %dma_start3A_396, %mul3A_391, %dma_start3A_397] : memref<32x128x64x128xf32, #tpu.memory_space<hbm>> -> memref<1x32x8x128xf32, #tpu.memory_space<hbm>>
      %dma_start3A_399 = tpu.memref_squeeze %dma_start3A_398 : memref<1x32x8x128xf32, #tpu.memory_space<hbm>> -> memref<32x8x128xf32, #tpu.memory_space<hbm>>
      tpu.enqueue_dma source(%dma_start3A_399 : memref<32x8x128xf32, #tpu.memory_space<hbm>>) target(%arg7 : memref<32x8x128xf32, #tpu.memory_space<vmem>>) target_semaphore(%arg17 : memref<!tpu.dma_semaphore, #tpu.memory_space<semaphore_mem>>)
      %parallel_loop3A_400 = arith.constant 130 : i32
      %parallel_loop3A_401 = arith.constant 256 : i32
      %parallel_loop3A_402 = arith.constant 1 : i32
      scf.for %parallel_loop3A_744 = %parallel_loop3A_400 to %parallel_loop3A_401 step %parallel_loop3A_402  : i32 {
        %parallel_loop3A_745 = arith.constant 16 : i32
        %parallel_loop3A_746 = arith.muli %parallel_loop3A_744, %parallel_loop3A_745 : i32
        %parallel_loop3A_747 = arith.index_cast %parallel_loop3A_746 : i32 to index
        %parallel_loop3A_748 = tpu.vector_load %arg5[%parallel_loop3A_747] {strides = array<i32>} : memref<8256xi32, #tpu.memory_space<vmem>>, vector<16xi32>,
        %parallel_loop3A_749 = arith.constant 7 : i32
        %parallel_loop3A_750 = vector.broadcast %parallel_loop3A_749 : i32 to vector<16xi32>
        %parallel_loop3A_751 = arith.shrui %parallel_loop3A_748, %parallel_loop3A_750 : vector<16xi32>
        %parallel_loop3A_752 = arith.constant 127 : i32
        %parallel_loop3A_753 = vector.broadcast %parallel_loop3A_752 : i32 to vector<16xi32>
        %parallel_loop3A_754 = arith.andi %parallel_loop3A_748, %parallel_loop3A_753 : vector<16xi32>
        %parallel_loop3A_755 = tpu.vector_load_idx %arg6[%parallel_loop3A_751, %broadcast_in_dim3A_1, %parallel_loop3A_754] : memref<32x8x128xf32, #tpu.memory_space<vmem>>[vector<16xi32>, vector<16xi32>, vector<16xi32>], vector<16xf32>,
        %parallel_loop3A_756 = arith.constant 16 : i32
        %parallel_loop3A_757 = arith.muli %parallel_loop3A_744, %parallel_loop3A_756 : i32
        %parallel_loop3A_758 = arith.constant 0 : i32
        %parallel_loop3A_759 = arith.subi %parallel_loop3A_757, %parallel_loop3A_758 : i32
        %parallel_loop3A_760 = arith.index_cast %parallel_loop3A_759 : i32 to index
        %parallel_loop3A_761 = tpu.vector_load %arg8[%parallel_loop3A_760] {strides = array<i32>} : memref<4096xf32, #tpu.memory_space<vmem>>, vector<16xf32>,
        tpu.vector_store %arg8[%parallel_loop3A_760], %parallel_loop3A_755 {strides = array<i32>} : memref<4096xf32, #tpu.memory_space<vmem>>, vector<16xf32>,
        %parallel_loop3A_762 = tpu.vector_load_idx %arg6[%parallel_loop3A_751, %broadcast_in_dim3A_3, %parallel_loop3A_754] : memref<32x8x128xf32, #tpu.memory_space<vmem>>[vector<16xi32>, vector<16xi32>, vector<16xi32>], vector<16xf32>,
        %parallel_loop3A_763 = arith.constant 16 : i32
        %parallel_loop3A_764 = arith.muli %parallel_loop3A_744, %parallel_loop3A_763 : i32
        %parallel_loop3A_765 = arith.constant 0 : i32
        %parallel_loop3A_766 = arith.subi %parallel_loop3A_764, %parallel_loop3A_765 : i32
        %parallel_loop3A_767 = arith.index_cast %parallel_loop3A_766 : i32 to index
        %parallel_loop3A_768 = tpu.vector_load %arg9[%parallel_loop3A_767] {strides = array<i32>} : memref<4096xf32, #tpu.memory_space<vmem>>, vector<16xf32>,
        tpu.vector_store %arg9[%parallel_loop3A_767], %parallel_loop3A_762 {strides = array<i32>} : memref<4096xf32, #tpu.memory_space<vmem>>, vector<16xf32>,
        %parallel_loop3A_769 = tpu.vector_load_idx %arg6[%parallel_loop3A_751, %broadcast_in_dim3A_5, %parallel_loop3A_754] : memref<32x8x128xf32, #tpu.memory_space<vmem>>[vector<16xi32>, vector<16xi32>, vector<16xi32>], vector<16xf32>,
        %parallel_loop3A_770 = arith.constant 16 : i32
        %parallel_loop3A_771 = arith.muli %parallel_loop3A_744, %parallel_loop3A_770 : i32
        %parallel_loop3A_772 = arith.constant 0 : i32
        %parallel_loop3A_773 = arith.subi %parallel_loop3A_771, %parallel_loop3A_772 : i32
        %parallel_loop3A_774 = arith.index_cast %parallel_loop3A_773 : i32 to index
        %parallel_loop3A_775 = tpu.vector_load %arg10[%parallel_loop3A_774] {strides = array<i32>} : memref<4096xf32, #tpu.memory_space<vmem>>, vector<16xf32>,
        tpu.vector_store %arg10[%parallel_loop3A_774], %parallel_loop3A_769 {strides = array<i32>} : memref<4096xf32, #tpu.memory_space<vmem>>, vector<16xf32>,
        %parallel_loop3A_776 = tpu.vector_load_idx %arg6[%parallel_loop3A_751, %broadcast_in_dim3A_7, %parallel_loop3A_754] : memref<32x8x128xf32, #tpu.memory_space<vmem>>[vector<16xi32>, vector<16xi32>, vector<16xi32>], vector<16xf32>,
        %parallel_loop3A_777 = arith.constant 16 : i32
        %parallel_loop3A_778 = arith.muli %parallel_loop3A_744, %parallel_loop3A_777 : i32
        %parallel_loop3A_779 = arith.constant 0 : i32
        %parallel_loop3A_780 = arith.subi %parallel_loop3A_778, %parallel_loop3A_779 : i32
        %parallel_loop3A_781 = arith.index_cast %parallel_loop3A_780 : i32 to index
        %parallel_loop3A_782 = tpu.vector_load %arg11[%parallel_loop3A_781] {strides = array<i32>} : memref<4096xf32, #tpu.memory_space<vmem>>, vector<16xf32>,
        tpu.vector_store %arg11[%parallel_loop3A_781], %parallel_loop3A_776 {strides = array<i32>} : memref<4096xf32, #tpu.memory_space<vmem>>, vector<16xf32>,
        %parallel_loop3A_783 = tpu.vector_load_idx %arg6[%parallel_loop3A_751, %broadcast_in_dim3A_9, %parallel_loop3A_754] : memref<32x8x128xf32, #tpu.memory_space<vmem>>[vector<16xi32>, vector<16xi32>, vector<16xi32>], vector<16xf32>,
        %parallel_loop3A_784 = arith.constant 16 : i32
        %parallel_loop3A_785 = arith.muli %parallel_loop3A_744, %parallel_loop3A_784 : i32
        %parallel_loop3A_786 = arith.constant 0 : i32
        %parallel_loop3A_787 = arith.subi %parallel_loop3A_785, %parallel_loop3A_786 : i32
        %parallel_loop3A_788 = arith.index_cast %parallel_loop3A_787 : i32 to index
        %parallel_loop3A_789 = tpu.vector_load %arg12[%parallel_loop3A_788] {strides = array<i32>} : memref<4096xf32, #tpu.memory_space<vmem>>, vector<16xf32>,
        tpu.vector_store %arg12[%parallel_loop3A_788], %parallel_loop3A_783 {strides = array<i32>} : memref<4096xf32, #tpu.memory_space<vmem>>, vector<16xf32>,
        %parallel_loop3A_790 = tpu.vector_load_idx %arg6[%parallel_loop3A_751, %broadcast_in_dim3A_11, %parallel_loop3A_754] : memref<32x8x128xf32, #tpu.memory_space<vmem>>[vector<16xi32>, vector<16xi32>, vector<16xi32>], vector<16xf32>,
        %parallel_loop3A_791 = arith.constant 16 : i32
        %parallel_loop3A_792 = arith.muli %parallel_loop3A_744, %parallel_loop3A_791 : i32
        %parallel_loop3A_793 = arith.constant 0 : i32
        %parallel_loop3A_794 = arith.subi %parallel_loop3A_792, %parallel_loop3A_793 : i32
        %parallel_loop3A_795 = arith.index_cast %parallel_loop3A_794 : i32 to index
        %parallel_loop3A_796 = tpu.vector_load %arg13[%parallel_loop3A_795] {strides = array<i32>} : memref<4096xf32, #tpu.memory_space<vmem>>, vector<16xf32>,
        tpu.vector_store %arg13[%parallel_loop3A_795], %parallel_loop3A_790 {strides = array<i32>} : memref<4096xf32, #tpu.memory_space<vmem>>, vector<16xf32>,
        %parallel_loop3A_797 = tpu.vector_load_idx %arg6[%parallel_loop3A_751, %broadcast_in_dim3A_13, %parallel_loop3A_754] : memref<32x8x128xf32, #tpu.memory_space<vmem>>[vector<16xi32>, vector<16xi32>, vector<16xi32>], vector<16xf32>,
        %parallel_loop3A_798 = arith.constant 16 : i32
        %parallel_loop3A_799 = arith.muli %parallel_loop3A_744, %parallel_loop3A_798 : i32
        %parallel_loop3A_800 = arith.constant 0 : i32
        %parallel_loop3A_801 = arith.subi %parallel_loop3A_799, %parallel_loop3A_800 : i32
        %parallel_loop3A_802 = arith.index_cast %parallel_loop3A_801 : i32 to index
        %parallel_loop3A_803 = tpu.vector_load %arg14[%parallel_loop3A_802] {strides = array<i32>} : memref<4096xf32, #tpu.memory_space<vmem>>, vector<16xf32>,
        tpu.vector_store %arg14[%parallel_loop3A_802], %parallel_loop3A_797 {strides = array<i32>} : memref<4096xf32, #tpu.memory_space<vmem>>, vector<16xf32>,
        %parallel_loop3A_804 = tpu.vector_load_idx %arg6[%parallel_loop3A_751, %broadcast_in_dim3A_15, %parallel_loop3A_754] : memref<32x8x128xf32, #tpu.memory_space<vmem>>[vector<16xi32>, vector<16xi32>, vector<16xi32>], vector<16xf32>,
        %parallel_loop3A_805 = arith.constant 16 : i32
        %parallel_loop3A_806 = arith.muli %parallel_loop3A_744, %parallel_loop3A_805 : i32
        %parallel_loop3A_807 = arith.constant 0 : i32
        %parallel_loop3A_808 = arith.subi %parallel_loop3A_806, %parallel_loop3A_807 : i32
        %parallel_loop3A_809 = arith.index_cast %parallel_loop3A_808 : i32 to index
        %parallel_loop3A_810 = tpu.vector_load %arg15[%parallel_loop3A_809] {strides = array<i32>} : memref<4096xf32, #tpu.memory_space<vmem>>, vector<16xf32>,
        tpu.vector_store %arg15[%parallel_loop3A_809], %parallel_loop3A_804 {strides = array<i32>} : memref<4096xf32, #tpu.memory_space<vmem>>, vector<16xf32>,
      } {sc.loop_unroll_factor = 1 : i64, sc.parallel_access}
      %mul3A_403 = arith.constant 64 : i32
      %mul3A_404 = arith.muli %add3A, %mul3A_403 : i32
      %mul3A_405 = arith.constant 8 : i32
      %mul3A_406 = arith.muli %scan3A_230, %mul3A_405 : i32
      %add3A_407 = arith.addi %mul3A_404, %mul3A_406 : i32
      %add3A_408 = arith.constant 0 : i32
      %add3A_409 = arith.addi %add3A_407, %add3A_408 : i32
      %dma_start3A_410 = arith.constant 0 : i32
      %dma_start3A_411 = tpu.memref_slice %arg4[%add3A_409, %dma_start3A_410] : memref<2048x8256xf32, #tpu.memory_space<hbm>> -> memref<1x4096xf32, #tpu.memory_space<hbm>>
      %dma_start3A_412 = tpu.memref_squeeze %dma_start3A_411 : memref<1x4096xf32, #tpu.memory_space<hbm>> -> memref<4096xf32, #tpu.memory_space<hbm>>
      %dma_start3A_413 = arith.constant 0 : i32
      %dma_start3A_414 = tpu.memref_slice %arg4[%add3A_409, %dma_start3A_413] : memref<2048x8256xf32, #tpu.memory_space<hbm>> -> memref<1x4096xf32, #tpu.memory_space<hbm>>
      %dma_start3A_415 = tpu.memref_squeeze %dma_start3A_414 : memref<1x4096xf32, #tpu.memory_space<hbm>> -> memref<4096xf32, #tpu.memory_space<hbm>>
      tpu.enqueue_dma source(%arg8 : memref<4096xf32, #tpu.memory_space<vmem>>) target(%dma_start3A_415 : memref<4096xf32, #tpu.memory_space<hbm>>) target_semaphore(%arg18 : memref<!tpu.dma_semaphore, #tpu.memory_space<semaphore_mem>>)
      %mul3A_416 = arith.constant 64 : i32
      %mul3A_417 = arith.muli %add3A, %mul3A_416 : i32
      %mul3A_418 = arith.constant 8 : i32
      %mul3A_419 = arith.muli %scan3A_230, %mul3A_418 : i32
      %add3A_420 = arith.addi %mul3A_417, %mul3A_419 : i32
      %add3A_421 = arith.constant 1 : i32
      %add3A_422 = arith.addi %add3A_420, %add3A_421 : i32
      %dma_start3A_423 = arith.constant 0 : i32
      %dma_start3A_424 = tpu.memref_slice %arg4[%add3A_422, %dma_start3A_423] : memref<2048x8256xf32, #tpu.memory_space<hbm>> -> memref<1x4096xf32, #tpu.memory_space<hbm>>
      %dma_start3A_425 = tpu.memref_squeeze %dma_start3A_424 : memref<1x4096xf32, #tpu.memory_space<hbm>> -> memref<4096xf32, #tpu.memory_space<hbm>>
      %dma_start3A_426 = arith.constant 0 : i32
      %dma_start3A_427 = tpu.memref_slice %arg4[%add3A_422, %dma_start3A_426] : memref<2048x8256xf32, #tpu.memory_space<hbm>> -> memref<1x4096xf32, #tpu.memory_space<hbm>>
      %dma_start3A_428 = tpu.memref_squeeze %dma_start3A_427 : memref<1x4096xf32, #tpu.memory_space<hbm>> -> memref<4096xf32, #tpu.memory_space<hbm>>
      tpu.enqueue_dma source(%arg9 : memref<4096xf32, #tpu.memory_space<vmem>>) target(%dma_start3A_428 : memref<4096xf32, #tpu.memory_space<hbm>>) target_semaphore(%arg18 : memref<!tpu.dma_semaphore, #tpu.memory_space<semaphore_mem>>)
      %mul3A_429 = arith.constant 64 : i32
      %mul3A_430 = arith.muli %add3A, %mul3A_429 : i32
      %mul3A_431 = arith.constant 8 : i32
      %mul3A_432 = arith.muli %scan3A_230, %mul3A_431 : i32
      %add3A_433 = arith.addi %mul3A_430, %mul3A_432 : i32
      %add3A_434 = arith.constant 2 : i32
      %add3A_435 = arith.addi %add3A_433, %add3A_434 : i32
      %dma_start3A_436 = arith.constant 0 : i32
      %dma_start3A_437 = tpu.memref_slice %arg4[%add3A_435, %dma_start3A_436] : memref<2048x8256xf32, #tpu.memory_space<hbm>> -> memref<1x4096xf32, #tpu.memory_space<hbm>>
      %dma_start3A_438 = tpu.memref_squeeze %dma_start3A_437 : memref<1x4096xf32, #tpu.memory_space<hbm>> -> memref<4096xf32, #tpu.memory_space<hbm>>
      %dma_start3A_439 = arith.constant 0 : i32
      %dma_start3A_440 = tpu.memref_slice %arg4[%add3A_435, %dma_start3A_439] : memref<2048x8256xf32, #tpu.memory_space<hbm>> -> memref<1x4096xf32, #tpu.memory_space<hbm>>
      %dma_start3A_441 = tpu.memref_squeeze %dma_start3A_440 : memref<1x4096xf32, #tpu.memory_space<hbm>> -> memref<4096xf32, #tpu.memory_space<hbm>>
      tpu.enqueue_dma source(%arg10 : memref<4096xf32, #tpu.memory_space<vmem>>) target(%dma_start3A_441 : memref<4096xf32, #tpu.memory_space<hbm>>) target_semaphore(%arg18 : memref<!tpu.dma_semaphore, #tpu.memory_space<semaphore_mem>>)
      %mul3A_442 = arith.constant 64 : i32
      %mul3A_443 = arith.muli %add3A, %mul3A_442 : i32
      %mul3A_444 = arith.constant 8 : i32
      %mul3A_445 = arith.muli %scan3A_230, %mul3A_444 : i32
      %add3A_446 = arith.addi %mul3A_443, %mul3A_445 : i32
      %add3A_447 = arith.constant 3 : i32
      %add3A_448 = arith.addi %add3A_446, %add3A_447 : i32
      %dma_start3A_449 = arith.constant 0 : i32
      %dma_start3A_450 = tpu.memref_slice %arg4[%add3A_448, %dma_start3A_449] : memref<2048x8256xf32, #tpu.memory_space<hbm>> -> memref<1x4096xf32, #tpu.memory_space<hbm>>
      %dma_start3A_451 = tpu.memref_squeeze %dma_start3A_450 : memref<1x4096xf32, #tpu.memory_space<hbm>> -> memref<4096xf32, #tpu.memory_space<hbm>>
      %dma_start3A_452 = arith.constant 0 : i32
      %dma_start3A_453 = tpu.memref_slice %arg4[%add3A_448, %dma_start3A_452] : memref<2048x8256xf32, #tpu.memory_space<hbm>> -> memref<1x4096xf32, #tpu.memory_space<hbm>>
      %dma_start3A_454 = tpu.memref_squeeze %dma_start3A_453 : memref<1x4096xf32, #tpu.memory_space<hbm>> -> memref<4096xf32, #tpu.memory_space<hbm>>
      tpu.enqueue_dma source(%arg11 : memref<4096xf32, #tpu.memory_space<vmem>>) target(%dma_start3A_454 : memref<4096xf32, #tpu.memory_space<hbm>>) target_semaphore(%arg18 : memref<!tpu.dma_semaphore, #tpu.memory_space<semaphore_mem>>)
      %mul3A_455 = arith.constant 64 : i32
      %mul3A_456 = arith.muli %add3A, %mul3A_455 : i32
      %mul3A_457 = arith.constant 8 : i32
      %mul3A_458 = arith.muli %scan3A_230, %mul3A_457 : i32
      %add3A_459 = arith.addi %mul3A_456, %mul3A_458 : i32
      %add3A_460 = arith.constant 4 : i32
      %add3A_461 = arith.addi %add3A_459, %add3A_460 : i32
      %dma_start3A_462 = arith.constant 0 : i32
      %dma_start3A_463 = tpu.memref_slice %arg4[%add3A_461, %dma_start3A_462] : memref<2048x8256xf32, #tpu.memory_space<hbm>> -> memref<1x4096xf32, #tpu.memory_space<hbm>>
      %dma_start3A_464 = tpu.memref_squeeze %dma_start3A_463 : memref<1x4096xf32, #tpu.memory_space<hbm>> -> memref<4096xf32, #tpu.memory_space<hbm>>
      %dma_start3A_465 = arith.constant 0 : i32
      %dma_start3A_466 = tpu.memref_slice %arg4[%add3A_461, %dma_start3A_465] : memref<2048x8256xf32, #tpu.memory_space<hbm>> -> memref<1x4096xf32, #tpu.memory_space<hbm>>
      %dma_start3A_467 = tpu.memref_squeeze %dma_start3A_466 : memref<1x4096xf32, #tpu.memory_space<hbm>> -> memref<4096xf32, #tpu.memory_space<hbm>>
      tpu.enqueue_dma source(%arg12 : memref<4096xf32, #tpu.memory_space<vmem>>) target(%dma_start3A_467 : memref<4096xf32, #tpu.memory_space<hbm>>) target_semaphore(%arg18 : memref<!tpu.dma_semaphore, #tpu.memory_space<semaphore_mem>>)
      %mul3A_468 = arith.constant 64 : i32
      %mul3A_469 = arith.muli %add3A, %mul3A_468 : i32
      %mul3A_470 = arith.constant 8 : i32
      %mul3A_471 = arith.muli %scan3A_230, %mul3A_470 : i32
      %add3A_472 = arith.addi %mul3A_469, %mul3A_471 : i32
      %add3A_473 = arith.constant 5 : i32
      %add3A_474 = arith.addi %add3A_472, %add3A_473 : i32
      %dma_start3A_475 = arith.constant 0 : i32
      %dma_start3A_476 = tpu.memref_slice %arg4[%add3A_474, %dma_start3A_475] : memref<2048x8256xf32, #tpu.memory_space<hbm>> -> memref<1x4096xf32, #tpu.memory_space<hbm>>
      %dma_start3A_477 = tpu.memref_squeeze %dma_start3A_476 : memref<1x4096xf32, #tpu.memory_space<hbm>> -> memref<4096xf32, #tpu.memory_space<hbm>>
      %dma_start3A_478 = arith.constant 0 : i32
      %dma_start3A_479 = tpu.memref_slice %arg4[%add3A_474, %dma_start3A_478] : memref<2048x8256xf32, #tpu.memory_space<hbm>> -> memref<1x4096xf32, #tpu.memory_space<hbm>>
      %dma_start3A_480 = tpu.memref_squeeze %dma_start3A_479 : memref<1x4096xf32, #tpu.memory_space<hbm>> -> memref<4096xf32, #tpu.memory_space<hbm>>
      tpu.enqueue_dma source(%arg13 : memref<4096xf32, #tpu.memory_space<vmem>>) target(%dma_start3A_480 : memref<4096xf32, #tpu.memory_space<hbm>>) target_semaphore(%arg18 : memref<!tpu.dma_semaphore, #tpu.memory_space<semaphore_mem>>)
      %mul3A_481 = arith.constant 64 : i32
      %mul3A_482 = arith.muli %add3A, %mul3A_481 : i32
      %mul3A_483 = arith.constant 8 : i32
      %mul3A_484 = arith.muli %scan3A_230, %mul3A_483 : i32
      %add3A_485 = arith.addi %mul3A_482, %mul3A_484 : i32
      %add3A_486 = arith.constant 6 : i32
      %add3A_487 = arith.addi %add3A_485, %add3A_486 : i32
      %dma_start3A_488 = arith.constant 0 : i32
      %dma_start3A_489 = tpu.memref_slice %arg4[%add3A_487, %dma_start3A_488] : memref<2048x8256xf32, #tpu.memory_space<hbm>> -> memref<1x4096xf32, #tpu.memory_space<hbm>>
      %dma_start3A_490 = tpu.memref_squeeze %dma_start3A_489 : memref<1x4096xf32, #tpu.memory_space<hbm>> -> memref<4096xf32, #tpu.memory_space<hbm>>
      %dma_start3A_491 = arith.constant 0 : i32
      %dma_start3A_492 = tpu.memref_slice %arg4[%add3A_487, %dma_start3A_491] : memref<2048x8256xf32, #tpu.memory_space<hbm>> -> memref<1x4096xf32, #tpu.memory_space<hbm>>
      %dma_start3A_493 = tpu.memref_squeeze %dma_start3A_492 : memref<1x4096xf32, #tpu.memory_space<hbm>> -> memref<4096xf32, #tpu.memory_space<hbm>>
      tpu.enqueue_dma source(%arg14 : memref<4096xf32, #tpu.memory_space<vmem>>) target(%dma_start3A_493 : memref<4096xf32, #tpu.memory_space<hbm>>) target_semaphore(%arg18 : memref<!tpu.dma_semaphore, #tpu.memory_space<semaphore_mem>>)
      %mul3A_494 = arith.constant 64 : i32
      %mul3A_495 = arith.muli %add3A, %mul3A_494 : i32
      %mul3A_496 = arith.constant 8 : i32
      %mul3A_497 = arith.muli %scan3A_230, %mul3A_496 : i32
      %add3A_498 = arith.addi %mul3A_495, %mul3A_497 : i32
      %add3A_499 = arith.constant 7 : i32
      %add3A_500 = arith.addi %add3A_498, %add3A_499 : i32
      %dma_start3A_501 = arith.constant 0 : i32
      %dma_start3A_502 = tpu.memref_slice %arg4[%add3A_500, %dma_start3A_501] : memref<2048x8256xf32, #tpu.memory_space<hbm>> -> memref<1x4096xf32, #tpu.memory_space<hbm>>
      %dma_start3A_503 = tpu.memref_squeeze %dma_start3A_502 : memref<1x4096xf32, #tpu.memory_space<hbm>> -> memref<4096xf32, #tpu.memory_space<hbm>>
      %dma_start3A_504 = arith.constant 0 : i32
      %dma_start3A_505 = tpu.memref_slice %arg4[%add3A_500, %dma_start3A_504] : memref<2048x8256xf32, #tpu.memory_space<hbm>> -> memref<1x4096xf32, #tpu.memory_space<hbm>>
      %dma_start3A_506 = tpu.memref_squeeze %dma_start3A_505 : memref<1x4096xf32, #tpu.memory_space<hbm>> -> memref<4096xf32, #tpu.memory_space<hbm>>
      tpu.enqueue_dma source(%arg15 : memref<4096xf32, #tpu.memory_space<vmem>>) target(%dma_start3A_506 : memref<4096xf32, #tpu.memory_space<hbm>>) target_semaphore(%arg18 : memref<!tpu.dma_semaphore, #tpu.memory_space<semaphore_mem>>)
      %mul3A_507 = arith.constant 64 : i32
      %mul3A_508 = arith.muli %add3A, %mul3A_507 : i32
      %mul3A_509 = arith.constant 8 : i32
      %mul3A_510 = arith.muli %scan3A_230, %mul3A_509 : i32
      %add3A_511 = arith.addi %mul3A_508, %mul3A_510 : i32
      %add3A_512 = arith.constant 0 : i32
      %add3A_513 = arith.addi %add3A_511, %add3A_512 : i32
      %dma_wait3A_514 = arith.constant 0 : i32
      %dma_wait3A_515 = tpu.memref_slice %arg4[%add3A_513, %dma_wait3A_514] : memref<2048x8256xf32, #tpu.memory_space<hbm>> -> memref<1x4096xf32, #tpu.memory_space<hbm>>
      %dma_wait3A_516 = tpu.memref_squeeze %dma_wait3A_515 : memref<1x4096xf32, #tpu.memory_space<hbm>> -> memref<4096xf32, #tpu.memory_space<hbm>>
      %dma_wait3A_517 = arith.constant 0 : i32
      %dma_wait3A_518 = tpu.memref_slice %arg4[%add3A_513, %dma_wait3A_517] : memref<2048x8256xf32, #tpu.memory_space<hbm>> -> memref<1x4096xf32, #tpu.memory_space<hbm>>
      %dma_wait3A_519 = tpu.memref_squeeze %dma_wait3A_518 : memref<1x4096xf32, #tpu.memory_space<hbm>> -> memref<4096xf32, #tpu.memory_space<hbm>>
      tpu.wait_dma2 semaphore(%arg18 : memref<!tpu.dma_semaphore, #tpu.memory_space<semaphore_mem>>) src(%arg8 : memref<4096xf32, #tpu.memory_space<vmem>>) dst(%dma_wait3A_519 : memref<4096xf32, #tpu.memory_space<hbm>>)
      %mul3A_520 = arith.constant 64 : i32
      %mul3A_521 = arith.muli %add3A, %mul3A_520 : i32
      %mul3A_522 = arith.constant 8 : i32
      %mul3A_523 = arith.muli %scan3A_230, %mul3A_522 : i32
      %add3A_524 = arith.addi %mul3A_521, %mul3A_523 : i32
      %add3A_525 = arith.constant 1 : i32
      %add3A_526 = arith.addi %add3A_524, %add3A_525 : i32
      %dma_wait3A_527 = arith.constant 0 : i32
      %dma_wait3A_528 = tpu.memref_slice %arg4[%add3A_526, %dma_wait3A_527] : memref<2048x8256xf32, #tpu.memory_space<hbm>> -> memref<1x4096xf32, #tpu.memory_space<hbm>>
      %dma_wait3A_529 = tpu.memref_squeeze %dma_wait3A_528 : memref<1x4096xf32, #tpu.memory_space<hbm>> -> memref<4096xf32, #tpu.memory_space<hbm>>
      %dma_wait3A_530 = arith.constant 0 : i32
      %dma_wait3A_531 = tpu.memref_slice %arg4[%add3A_526, %dma_wait3A_530] : memref<2048x8256xf32, #tpu.memory_space<hbm>> -> memref<1x4096xf32, #tpu.memory_space<hbm>>
      %dma_wait3A_532 = tpu.memref_squeeze %dma_wait3A_531 : memref<1x4096xf32, #tpu.memory_space<hbm>> -> memref<4096xf32, #tpu.memory_space<hbm>>
      tpu.wait_dma2 semaphore(%arg18 : memref<!tpu.dma_semaphore, #tpu.memory_space<semaphore_mem>>) src(%arg9 : memref<4096xf32, #tpu.memory_space<vmem>>) dst(%dma_wait3A_532 : memref<4096xf32, #tpu.memory_space<hbm>>)
      %mul3A_533 = arith.constant 64 : i32
      %mul3A_534 = arith.muli %add3A, %mul3A_533 : i32
      %mul3A_535 = arith.constant 8 : i32
      %mul3A_536 = arith.muli %scan3A_230, %mul3A_535 : i32
      %add3A_537 = arith.addi %mul3A_534, %mul3A_536 : i32
      %add3A_538 = arith.constant 2 : i32
      %add3A_539 = arith.addi %add3A_537, %add3A_538 : i32
      %dma_wait3A_540 = arith.constant 0 : i32
      %dma_wait3A_541 = tpu.memref_slice %arg4[%add3A_539, %dma_wait3A_540] : memref<2048x8256xf32, #tpu.memory_space<hbm>> -> memref<1x4096xf32, #tpu.memory_space<hbm>>
      %dma_wait3A_542 = tpu.memref_squeeze %dma_wait3A_541 : memref<1x4096xf32, #tpu.memory_space<hbm>> -> memref<4096xf32, #tpu.memory_space<hbm>>
      %dma_wait3A_543 = arith.constant 0 : i32
      %dma_wait3A_544 = tpu.memref_slice %arg4[%add3A_539, %dma_wait3A_543] : memref<2048x8256xf32, #tpu.memory_space<hbm>> -> memref<1x4096xf32, #tpu.memory_space<hbm>>
      %dma_wait3A_545 = tpu.memref_squeeze %dma_wait3A_544 : memref<1x4096xf32, #tpu.memory_space<hbm>> -> memref<4096xf32, #tpu.memory_space<hbm>>
      tpu.wait_dma2 semaphore(%arg18 : memref<!tpu.dma_semaphore, #tpu.memory_space<semaphore_mem>>) src(%arg10 : memref<4096xf32, #tpu.memory_space<vmem>>) dst(%dma_wait3A_545 : memref<4096xf32, #tpu.memory_space<hbm>>)
      %mul3A_546 = arith.constant 64 : i32
      %mul3A_547 = arith.muli %add3A, %mul3A_546 : i32
      %mul3A_548 = arith.constant 8 : i32
      %mul3A_549 = arith.muli %scan3A_230, %mul3A_548 : i32
      %add3A_550 = arith.addi %mul3A_547, %mul3A_549 : i32
      %add3A_551 = arith.constant 3 : i32
      %add3A_552 = arith.addi %add3A_550, %add3A_551 : i32
      %dma_wait3A_553 = arith.constant 0 : i32
      %dma_wait3A_554 = tpu.memref_slice %arg4[%add3A_552, %dma_wait3A_553] : memref<2048x8256xf32, #tpu.memory_space<hbm>> -> memref<1x4096xf32, #tpu.memory_space<hbm>>
      %dma_wait3A_555 = tpu.memref_squeeze %dma_wait3A_554 : memref<1x4096xf32, #tpu.memory_space<hbm>> -> memref<4096xf32, #tpu.memory_space<hbm>>
      %dma_wait3A_556 = arith.constant 0 : i32
      %dma_wait3A_557 = tpu.memref_slice %arg4[%add3A_552, %dma_wait3A_556] : memref<2048x8256xf32, #tpu.memory_space<hbm>> -> memref<1x4096xf32, #tpu.memory_space<hbm>>
      %dma_wait3A_558 = tpu.memref_squeeze %dma_wait3A_557 : memref<1x4096xf32, #tpu.memory_space<hbm>> -> memref<4096xf32, #tpu.memory_space<hbm>>
      tpu.wait_dma2 semaphore(%arg18 : memref<!tpu.dma_semaphore, #tpu.memory_space<semaphore_mem>>) src(%arg11 : memref<4096xf32, #tpu.memory_space<vmem>>) dst(%dma_wait3A_558 : memref<4096xf32, #tpu.memory_space<hbm>>)
      %mul3A_559 = arith.constant 64 : i32
      %mul3A_560 = arith.muli %add3A, %mul3A_559 : i32
      %mul3A_561 = arith.constant 8 : i32
      %mul3A_562 = arith.muli %scan3A_230, %mul3A_561 : i32
      %add3A_563 = arith.addi %mul3A_560, %mul3A_562 : i32
      %add3A_564 = arith.constant 4 : i32
      %add3A_565 = arith.addi %add3A_563, %add3A_564 : i32
      %dma_wait3A_566 = arith.constant 0 : i32
      %dma_wait3A_567 = tpu.memref_slice %arg4[%add3A_565, %dma_wait3A_566] : memref<2048x8256xf32, #tpu.memory_space<hbm>> -> memref<1x4096xf32, #tpu.memory_space<hbm>>
      %dma_wait3A_568 = tpu.memref_squeeze %dma_wait3A_567 : memref<1x4096xf32, #tpu.memory_space<hbm>> -> memref<4096xf32, #tpu.memory_space<hbm>>
      %dma_wait3A_569 = arith.constant 0 : i32
      %dma_wait3A_570 = tpu.memref_slice %arg4[%add3A_565, %dma_wait3A_569] : memref<2048x8256xf32, #tpu.memory_space<hbm>> -> memref<1x4096xf32, #tpu.memory_space<hbm>>
      %dma_wait3A_571 = tpu.memref_squeeze %dma_wait3A_570 : memref<1x4096xf32, #tpu.memory_space<hbm>> -> memref<4096xf32, #tpu.memory_space<hbm>>
      tpu.wait_dma2 semaphore(%arg18 : memref<!tpu.dma_semaphore, #tpu.memory_space<semaphore_mem>>) src(%arg12 : memref<4096xf32, #tpu.memory_space<vmem>>) dst(%dma_wait3A_571 : memref<4096xf32, #tpu.memory_space<hbm>>)
      %mul3A_572 = arith.constant 64 : i32
      %mul3A_573 = arith.muli %add3A, %mul3A_572 : i32
      %mul3A_574 = arith.constant 8 : i32
      %mul3A_575 = arith.muli %scan3A_230, %mul3A_574 : i32
      %add3A_576 = arith.addi %mul3A_573, %mul3A_575 : i32
      %add3A_577 = arith.constant 5 : i32
      %add3A_578 = arith.addi %add3A_576, %add3A_577 : i32
      %dma_wait3A_579 = arith.constant 0 : i32
      %dma_wait3A_580 = tpu.memref_slice %arg4[%add3A_578, %dma_wait3A_579] : memref<2048x8256xf32, #tpu.memory_space<hbm>> -> memref<1x4096xf32, #tpu.memory_space<hbm>>
      %dma_wait3A_581 = tpu.memref_squeeze %dma_wait3A_580 : memref<1x4096xf32, #tpu.memory_space<hbm>> -> memref<4096xf32, #tpu.memory_space<hbm>>
      %dma_wait3A_582 = arith.constant 0 : i32
      %dma_wait3A_583 = tpu.memref_slice %arg4[%add3A_578, %dma_wait3A_582] : memref<2048x8256xf32, #tpu.memory_space<hbm>> -> memref<1x4096xf32, #tpu.memory_space<hbm>>
      %dma_wait3A_584 = tpu.memref_squeeze %dma_wait3A_583 : memref<1x4096xf32, #tpu.memory_space<hbm>> -> memref<4096xf32, #tpu.memory_space<hbm>>
      tpu.wait_dma2 semaphore(%arg18 : memref<!tpu.dma_semaphore, #tpu.memory_space<semaphore_mem>>) src(%arg13 : memref<4096xf32, #tpu.memory_space<vmem>>) dst(%dma_wait3A_584 : memref<4096xf32, #tpu.memory_space<hbm>>)
      %mul3A_585 = arith.constant 64 : i32
      %mul3A_586 = arith.muli %add3A, %mul3A_585 : i32
      %mul3A_587 = arith.constant 8 : i32
      %mul3A_588 = arith.muli %scan3A_230, %mul3A_587 : i32
      %add3A_589 = arith.addi %mul3A_586, %mul3A_588 : i32
      %add3A_590 = arith.constant 6 : i32
      %add3A_591 = arith.addi %add3A_589, %add3A_590 : i32
      %dma_wait3A_592 = arith.constant 0 : i32
      %dma_wait3A_593 = tpu.memref_slice %arg4[%add3A_591, %dma_wait3A_592] : memref<2048x8256xf32, #tpu.memory_space<hbm>> -> memref<1x4096xf32, #tpu.memory_space<hbm>>
      %dma_wait3A_594 = tpu.memref_squeeze %dma_wait3A_593 : memref<1x4096xf32, #tpu.memory_space<hbm>> -> memref<4096xf32, #tpu.memory_space<hbm>>
      %dma_wait3A_595 = arith.constant 0 : i32
      %dma_wait3A_596 = tpu.memref_slice %arg4[%add3A_591, %dma_wait3A_595] : memref<2048x8256xf32, #tpu.memory_space<hbm>> -> memref<1x4096xf32, #tpu.memory_space<hbm>>
      %dma_wait3A_597 = tpu.memref_squeeze %dma_wait3A_596 : memref<1x4096xf32, #tpu.memory_space<hbm>> -> memref<4096xf32, #tpu.memory_space<hbm>>
      tpu.wait_dma2 semaphore(%arg18 : memref<!tpu.dma_semaphore, #tpu.memory_space<semaphore_mem>>) src(%arg14 : memref<4096xf32, #tpu.memory_space<vmem>>) dst(%dma_wait3A_597 : memref<4096xf32, #tpu.memory_space<hbm>>)
      %mul3A_598 = arith.constant 64 : i32
      %mul3A_599 = arith.muli %add3A, %mul3A_598 : i32
      %mul3A_600 = arith.constant 8 : i32
      %mul3A_601 = arith.muli %scan3A_230, %mul3A_600 : i32
      %add3A_602 = arith.addi %mul3A_599, %mul3A_601 : i32
      %add3A_603 = arith.constant 7 : i32
      %add3A_604 = arith.addi %add3A_602, %add3A_603 : i32
      %dma_wait3A_605 = arith.constant 0 : i32
      %dma_wait3A_606 = tpu.memref_slice %arg4[%add3A_604, %dma_wait3A_605] : memref<2048x8256xf32, #tpu.memory_space<hbm>> -> memref<1x4096xf32, #tpu.memory_space<hbm>>
      %dma_wait3A_607 = tpu.memref_squeeze %dma_wait3A_606 : memref<1x4096xf32, #tpu.memory_space<hbm>> -> memref<4096xf32, #tpu.memory_space<hbm>>
      %dma_wait3A_608 = arith.constant 0 : i32
      %dma_wait3A_609 = tpu.memref_slice %arg4[%add3A_604, %dma_wait3A_608] : memref<2048x8256xf32, #tpu.memory_space<hbm>> -> memref<1x4096xf32, #tpu.memory_space<hbm>>
      %dma_wait3A_610 = tpu.memref_squeeze %dma_wait3A_609 : memref<1x4096xf32, #tpu.memory_space<hbm>> -> memref<4096xf32, #tpu.memory_space<hbm>>
      tpu.wait_dma2 semaphore(%arg18 : memref<!tpu.dma_semaphore, #tpu.memory_space<semaphore_mem>>) src(%arg15 : memref<4096xf32, #tpu.memory_space<vmem>>) dst(%dma_wait3A_610 : memref<4096xf32, #tpu.memory_space<hbm>>)
      %parallel_loop3A_611 = arith.constant 256 : i32
      %parallel_loop3A_612 = arith.constant 291 : i32
      %parallel_loop3A_613 = arith.constant 1 : i32
      scf.for %parallel_loop3A_744 = %parallel_loop3A_611 to %parallel_loop3A_612 step %parallel_loop3A_613  : i32 {
        %parallel_loop3A_745 = arith.constant 16 : i32
        %parallel_loop3A_746 = arith.muli %parallel_loop3A_744, %parallel_loop3A_745 : i32
        %parallel_loop3A_747 = arith.index_cast %parallel_loop3A_746 : i32 to index
        %parallel_loop3A_748 = tpu.vector_load %arg5[%parallel_loop3A_747] {strides = array<i32>} : memref<8256xi32, #tpu.memory_space<vmem>>, vector<16xi32>,
        %parallel_loop3A_749 = arith.constant 7 : i32
        %parallel_loop3A_750 = vector.broadcast %parallel_loop3A_749 : i32 to vector<16xi32>
        %parallel_loop3A_751 = arith.shrui %parallel_loop3A_748, %parallel_loop3A_750 : vector<16xi32>
        %parallel_loop3A_752 = arith.constant 127 : i32
        %parallel_loop3A_753 = vector.broadcast %parallel_loop3A_752 : i32 to vector<16xi32>
        %parallel_loop3A_754 = arith.andi %parallel_loop3A_748, %parallel_loop3A_753 : vector<16xi32>
        %parallel_loop3A_755 = tpu.vector_load_idx %arg6[%parallel_loop3A_751, %broadcast_in_dim3A_1, %parallel_loop3A_754] : memref<32x8x128xf32, #tpu.memory_space<vmem>>[vector<16xi32>, vector<16xi32>, vector<16xi32>], vector<16xf32>,
        %parallel_loop3A_756 = arith.constant 16 : i32
        %parallel_loop3A_757 = arith.muli %parallel_loop3A_744, %parallel_loop3A_756 : i32
        %parallel_loop3A_758 = arith.constant 4096 : i32
        %parallel_loop3A_759 = arith.subi %parallel_loop3A_757, %parallel_loop3A_758 : i32
        %parallel_loop3A_760 = arith.index_cast %parallel_loop3A_759 : i32 to index
        %parallel_loop3A_761 = tpu.vector_load %arg8[%parallel_loop3A_760] {strides = array<i32>} : memref<4096xf32, #tpu.memory_space<vmem>>, vector<16xf32>,
        tpu.vector_store %arg8[%parallel_loop3A_760], %parallel_loop3A_755 {strides = array<i32>} : memref<4096xf32, #tpu.memory_space<vmem>>, vector<16xf32>,
        %parallel_loop3A_762 = tpu.vector_load_idx %arg6[%parallel_loop3A_751, %broadcast_in_dim3A_3, %parallel_loop3A_754] : memref<32x8x128xf32, #tpu.memory_space<vmem>>[vector<16xi32>, vector<16xi32>, vector<16xi32>], vector<16xf32>,
        %parallel_loop3A_763 = arith.constant 16 : i32
        %parallel_loop3A_764 = arith.muli %parallel_loop3A_744, %parallel_loop3A_763 : i32
        %parallel_loop3A_765 = arith.constant 4096 : i32
        %parallel_loop3A_766 = arith.subi %parallel_loop3A_764, %parallel_loop3A_765 : i32
        %parallel_loop3A_767 = arith.index_cast %parallel_loop3A_766 : i32 to index
        %parallel_loop3A_768 = tpu.vector_load %arg9[%parallel_loop3A_767] {strides = array<i32>} : memref<4096xf32, #tpu.memory_space<vmem>>, vector<16xf32>,
        tpu.vector_store %arg9[%parallel_loop3A_767], %parallel_loop3A_762 {strides = array<i32>} : memref<4096xf32, #tpu.memory_space<vmem>>, vector<16xf32>,
        %parallel_loop3A_769 = tpu.vector_load_idx %arg6[%parallel_loop3A_751, %broadcast_in_dim3A_5, %parallel_loop3A_754] : memref<32x8x128xf32, #tpu.memory_space<vmem>>[vector<16xi32>, vector<16xi32>, vector<16xi32>], vector<16xf32>,
        %parallel_loop3A_770 = arith.constant 16 : i32
        %parallel_loop3A_771 = arith.muli %parallel_loop3A_744, %parallel_loop3A_770 : i32
        %parallel_loop3A_772 = arith.constant 4096 : i32
        %parallel_loop3A_773 = arith.subi %parallel_loop3A_771, %parallel_loop3A_772 : i32
        %parallel_loop3A_774 = arith.index_cast %parallel_loop3A_773 : i32 to index
        %parallel_loop3A_775 = tpu.vector_load %arg10[%parallel_loop3A_774] {strides = array<i32>} : memref<4096xf32, #tpu.memory_space<vmem>>, vector<16xf32>,
        tpu.vector_store %arg10[%parallel_loop3A_774], %parallel_loop3A_769 {strides = array<i32>} : memref<4096xf32, #tpu.memory_space<vmem>>, vector<16xf32>,
        %parallel_loop3A_776 = tpu.vector_load_idx %arg6[%parallel_loop3A_751, %broadcast_in_dim3A_7, %parallel_loop3A_754] : memref<32x8x128xf32, #tpu.memory_space<vmem>>[vector<16xi32>, vector<16xi32>, vector<16xi32>], vector<16xf32>,
        %parallel_loop3A_777 = arith.constant 16 : i32
        %parallel_loop3A_778 = arith.muli %parallel_loop3A_744, %parallel_loop3A_777 : i32
        %parallel_loop3A_779 = arith.constant 4096 : i32
        %parallel_loop3A_780 = arith.subi %parallel_loop3A_778, %parallel_loop3A_779 : i32
        %parallel_loop3A_781 = arith.index_cast %parallel_loop3A_780 : i32 to index
        %parallel_loop3A_782 = tpu.vector_load %arg11[%parallel_loop3A_781] {strides = array<i32>} : memref<4096xf32, #tpu.memory_space<vmem>>, vector<16xf32>,
        tpu.vector_store %arg11[%parallel_loop3A_781], %parallel_loop3A_776 {strides = array<i32>} : memref<4096xf32, #tpu.memory_space<vmem>>, vector<16xf32>,
        %parallel_loop3A_783 = tpu.vector_load_idx %arg6[%parallel_loop3A_751, %broadcast_in_dim3A_9, %parallel_loop3A_754] : memref<32x8x128xf32, #tpu.memory_space<vmem>>[vector<16xi32>, vector<16xi32>, vector<16xi32>], vector<16xf32>,
        %parallel_loop3A_784 = arith.constant 16 : i32
        %parallel_loop3A_785 = arith.muli %parallel_loop3A_744, %parallel_loop3A_784 : i32
        %parallel_loop3A_786 = arith.constant 4096 : i32
        %parallel_loop3A_787 = arith.subi %parallel_loop3A_785, %parallel_loop3A_786 : i32
        %parallel_loop3A_788 = arith.index_cast %parallel_loop3A_787 : i32 to index
        %parallel_loop3A_789 = tpu.vector_load %arg12[%parallel_loop3A_788] {strides = array<i32>} : memref<4096xf32, #tpu.memory_space<vmem>>, vector<16xf32>,
        tpu.vector_store %arg12[%parallel_loop3A_788], %parallel_loop3A_783 {strides = array<i32>} : memref<4096xf32, #tpu.memory_space<vmem>>, vector<16xf32>,
        %parallel_loop3A_790 = tpu.vector_load_idx %arg6[%parallel_loop3A_751, %broadcast_in_dim3A_11, %parallel_loop3A_754] : memref<32x8x128xf32, #tpu.memory_space<vmem>>[vector<16xi32>, vector<16xi32>, vector<16xi32>], vector<16xf32>,
        %parallel_loop3A_791 = arith.constant 16 : i32
        %parallel_loop3A_792 = arith.muli %parallel_loop3A_744, %parallel_loop3A_791 : i32
        %parallel_loop3A_793 = arith.constant 4096 : i32
        %parallel_loop3A_794 = arith.subi %parallel_loop3A_792, %parallel_loop3A_793 : i32
        %parallel_loop3A_795 = arith.index_cast %parallel_loop3A_794 : i32 to index
        %parallel_loop3A_796 = tpu.vector_load %arg13[%parallel_loop3A_795] {strides = array<i32>} : memref<4096xf32, #tpu.memory_space<vmem>>, vector<16xf32>,
        tpu.vector_store %arg13[%parallel_loop3A_795], %parallel_loop3A_790 {strides = array<i32>} : memref<4096xf32, #tpu.memory_space<vmem>>, vector<16xf32>,
        %parallel_loop3A_797 = tpu.vector_load_idx %arg6[%parallel_loop3A_751, %broadcast_in_dim3A_13, %parallel_loop3A_754] : memref<32x8x128xf32, #tpu.memory_space<vmem>>[vector<16xi32>, vector<16xi32>, vector<16xi32>], vector<16xf32>,
        %parallel_loop3A_798 = arith.constant 16 : i32
        %parallel_loop3A_799 = arith.muli %parallel_loop3A_744, %parallel_loop3A_798 : i32
        %parallel_loop3A_800 = arith.constant 4096 : i32
        %parallel_loop3A_801 = arith.subi %parallel_loop3A_799, %parallel_loop3A_800 : i32
        %parallel_loop3A_802 = arith.index_cast %parallel_loop3A_801 : i32 to index
        %parallel_loop3A_803 = tpu.vector_load %arg14[%parallel_loop3A_802] {strides = array<i32>} : memref<4096xf32, #tpu.memory_space<vmem>>, vector<16xf32>,
        tpu.vector_store %arg14[%parallel_loop3A_802], %parallel_loop3A_797 {strides = array<i32>} : memref<4096xf32, #tpu.memory_space<vmem>>, vector<16xf32>,
        %parallel_loop3A_804 = tpu.vector_load_idx %arg6[%parallel_loop3A_751, %broadcast_in_dim3A_15, %parallel_loop3A_754] : memref<32x8x128xf32, #tpu.memory_space<vmem>>[vector<16xi32>, vector<16xi32>, vector<16xi32>], vector<16xf32>,
        %parallel_loop3A_805 = arith.constant 16 : i32
        %parallel_loop3A_806 = arith.muli %parallel_loop3A_744, %parallel_loop3A_805 : i32
        %parallel_loop3A_807 = arith.constant 4096 : i32
        %parallel_loop3A_808 = arith.subi %parallel_loop3A_806, %parallel_loop3A_807 : i32
        %parallel_loop3A_809 = arith.index_cast %parallel_loop3A_808 : i32 to index
        %parallel_loop3A_810 = tpu.vector_load %arg15[%parallel_loop3A_809] {strides = array<i32>} : memref<4096xf32, #tpu.memory_space<vmem>>, vector<16xf32>,
        tpu.vector_store %arg15[%parallel_loop3A_809], %parallel_loop3A_804 {strides = array<i32>} : memref<4096xf32, #tpu.memory_space<vmem>>, vector<16xf32>,
      } {sc.loop_unroll_factor = 1 : i64, sc.parallel_access}
      %mul3A_614 = arith.constant 8 : i32
      %mul3A_615 = arith.muli %scan3A_230, %mul3A_614 : i32
      %dma_wait3A_616 = arith.constant 96 : i32
      %dma_wait3A_617 = arith.constant 0 : i32
      %dma_wait3A_618 = tpu.memref_slice %arg2[%add3A, %dma_wait3A_616, %mul3A_615, %dma_wait3A_617] : memref<32x128x64x128xf32, #tpu.memory_space<hbm>> -> memref<1x32x8x128xf32, #tpu.memory_space<hbm>>
      %dma_wait3A_619 = tpu.memref_squeeze %dma_wait3A_618 : memref<1x32x8x128xf32, #tpu.memory_space<hbm>> -> memref<32x8x128xf32, #tpu.memory_space<hbm>>
      %dma_wait3A_620 = arith.constant 96 : i32
      %dma_wait3A_621 = arith.constant 0 : i32
      %dma_wait3A_622 = tpu.memref_slice %arg2[%add3A, %dma_wait3A_620, %mul3A_615, %dma_wait3A_621] : memref<32x128x64x128xf32, #tpu.memory_space<hbm>> -> memref<1x32x8x128xf32, #tpu.memory_space<hbm>>
      %dma_wait3A_623 = tpu.memref_squeeze %dma_wait3A_622 : memref<1x32x8x128xf32, #tpu.memory_space<hbm>> -> memref<32x8x128xf32, #tpu.memory_space<hbm>>
      tpu.wait_dma2 semaphore(%arg17 : memref<!tpu.dma_semaphore, #tpu.memory_space<semaphore_mem>>) src(%dma_wait3A_623 : memref<32x8x128xf32, #tpu.memory_space<hbm>>) dst(%arg7 : memref<32x8x128xf32, #tpu.memory_space<vmem>>)
      %add3A_624 = arith.constant 1 : i32
      %add3A_625 = arith.addi %scan3A_230, %add3A_624 : i32
      %rem3A = arith.constant 8 : i32
      %rem3A_626 = arith.remsi %add3A_625, %rem3A : i32
      %mul3A_627 = arith.constant 8 : i32
      %mul3A_628 = arith.muli %rem3A_626, %mul3A_627 : i32
      %dma_start3A_629 = arith.constant 0 : i32
      %dma_start3A_630 = arith.constant 0 : i32
      %dma_start3A_631 = tpu.memref_slice %arg2[%add3A, %dma_start3A_629, %mul3A_628, %dma_start3A_630] : memref<32x128x64x128xf32, #tpu.memory_space<hbm>> -> memref<1x32x8x128xf32, #tpu.memory_space<hbm>>
      %dma_start3A_632 = tpu.memref_squeeze %dma_start3A_631 : memref<1x32x8x128xf32, #tpu.memory_space<hbm>> -> memref<32x8x128xf32, #tpu.memory_space<hbm>>
      %dma_start3A_633 = arith.constant 0 : i32
      %dma_start3A_634 = arith.constant 0 : i32
      %dma_start3A_635 = tpu.memref_slice %arg2[%add3A, %dma_start3A_633, %mul3A_628, %dma_start3A_634] : memref<32x128x64x128xf32, #tpu.memory_space<hbm>> -> memref<1x32x8x128xf32, #tpu.memory_space<hbm>>
      %dma_start3A_636 = tpu.memref_squeeze %dma_start3A_635 : memref<1x32x8x128xf32, #tpu.memory_space<hbm>> -> memref<32x8x128xf32, #tpu.memory_space<hbm>>
      tpu.enqueue_dma source(%dma_start3A_636 : memref<32x8x128xf32, #tpu.memory_space<hbm>>) target(%arg6 : memref<32x8x128xf32, #tpu.memory_space<vmem>>) target_semaphore(%arg16 : memref<!tpu.dma_semaphore, #tpu.memory_space<semaphore_mem>>)
      %parallel_loop3A_637 = arith.constant 291 : i32
      %parallel_loop3A_638 = arith.constant 512 : i32
      %parallel_loop3A_639 = arith.constant 1 : i32
      scf.for %parallel_loop3A_744 = %parallel_loop3A_637 to %parallel_loop3A_638 step %parallel_loop3A_639  : i32 {
        %parallel_loop3A_745 = arith.constant 16 : i32
        %parallel_loop3A_746 = arith.muli %parallel_loop3A_744, %parallel_loop3A_745 : i32
        %parallel_loop3A_747 = arith.index_cast %parallel_loop3A_746 : i32 to index
        %parallel_loop3A_748 = tpu.vector_load %arg5[%parallel_loop3A_747] {strides = array<i32>} : memref<8256xi32, #tpu.memory_space<vmem>>, vector<16xi32>,
        %parallel_loop3A_749 = arith.constant 7 : i32
        %parallel_loop3A_750 = vector.broadcast %parallel_loop3A_749 : i32 to vector<16xi32>
        %parallel_loop3A_751 = arith.shrui %parallel_loop3A_748, %parallel_loop3A_750 : vector<16xi32>
        %parallel_loop3A_752 = arith.constant 127 : i32
        %parallel_loop3A_753 = vector.broadcast %parallel_loop3A_752 : i32 to vector<16xi32>
        %parallel_loop3A_754 = arith.andi %parallel_loop3A_748, %parallel_loop3A_753 : vector<16xi32>
        %parallel_loop3A_755 = tpu.vector_load_idx %arg7[%parallel_loop3A_751, %broadcast_in_dim3A_1, %parallel_loop3A_754] : memref<32x8x128xf32, #tpu.memory_space<vmem>>[vector<16xi32>, vector<16xi32>, vector<16xi32>], vector<16xf32>,
        %parallel_loop3A_756 = arith.constant 16 : i32
        %parallel_loop3A_757 = arith.muli %parallel_loop3A_744, %parallel_loop3A_756 : i32
        %parallel_loop3A_758 = arith.constant 4096 : i32
        %parallel_loop3A_759 = arith.subi %parallel_loop3A_757, %parallel_loop3A_758 : i32
        %parallel_loop3A_760 = arith.index_cast %parallel_loop3A_759 : i32 to index
        %parallel_loop3A_761 = tpu.vector_load %arg8[%parallel_loop3A_760] {strides = array<i32>} : memref<4096xf32, #tpu.memory_space<vmem>>, vector<16xf32>,
        tpu.vector_store %arg8[%parallel_loop3A_760], %parallel_loop3A_755 {strides = array<i32>} : memref<4096xf32, #tpu.memory_space<vmem>>, vector<16xf32>,
        %parallel_loop3A_762 = tpu.vector_load_idx %arg7[%parallel_loop3A_751, %broadcast_in_dim3A_3, %parallel_loop3A_754] : memref<32x8x128xf32, #tpu.memory_space<vmem>>[vector<16xi32>, vector<16xi32>, vector<16xi32>], vector<16xf32>,
        %parallel_loop3A_763 = arith.constant 16 : i32
        %parallel_loop3A_764 = arith.muli %parallel_loop3A_744, %parallel_loop3A_763 : i32
        %parallel_loop3A_765 = arith.constant 4096 : i32
        %parallel_loop3A_766 = arith.subi %parallel_loop3A_764, %parallel_loop3A_765 : i32
        %parallel_loop3A_767 = arith.index_cast %parallel_loop3A_766 : i32 to index
        %parallel_loop3A_768 = tpu.vector_load %arg9[%parallel_loop3A_767] {strides = array<i32>} : memref<4096xf32, #tpu.memory_space<vmem>>, vector<16xf32>,
        tpu.vector_store %arg9[%parallel_loop3A_767], %parallel_loop3A_762 {strides = array<i32>} : memref<4096xf32, #tpu.memory_space<vmem>>, vector<16xf32>,
        %parallel_loop3A_769 = tpu.vector_load_idx %arg7[%parallel_loop3A_751, %broadcast_in_dim3A_5, %parallel_loop3A_754] : memref<32x8x128xf32, #tpu.memory_space<vmem>>[vector<16xi32>, vector<16xi32>, vector<16xi32>], vector<16xf32>,
        %parallel_loop3A_770 = arith.constant 16 : i32
        %parallel_loop3A_771 = arith.muli %parallel_loop3A_744, %parallel_loop3A_770 : i32
        %parallel_loop3A_772 = arith.constant 4096 : i32
        %parallel_loop3A_773 = arith.subi %parallel_loop3A_771, %parallel_loop3A_772 : i32
        %parallel_loop3A_774 = arith.index_cast %parallel_loop3A_773 : i32 to index
        %parallel_loop3A_775 = tpu.vector_load %arg10[%parallel_loop3A_774] {strides = array<i32>} : memref<4096xf32, #tpu.memory_space<vmem>>, vector<16xf32>,
        tpu.vector_store %arg10[%parallel_loop3A_774], %parallel_loop3A_769 {strides = array<i32>} : memref<4096xf32, #tpu.memory_space<vmem>>, vector<16xf32>,
        %parallel_loop3A_776 = tpu.vector_load_idx %arg7[%parallel_loop3A_751, %broadcast_in_dim3A_7, %parallel_loop3A_754] : memref<32x8x128xf32, #tpu.memory_space<vmem>>[vector<16xi32>, vector<16xi32>, vector<16xi32>], vector<16xf32>,
        %parallel_loop3A_777 = arith.constant 16 : i32
        %parallel_loop3A_778 = arith.muli %parallel_loop3A_744, %parallel_loop3A_777 : i32
        %parallel_loop3A_779 = arith.constant 4096 : i32
        %parallel_loop3A_780 = arith.subi %parallel_loop3A_778, %parallel_loop3A_779 : i32
        %parallel_loop3A_781 = arith.index_cast %parallel_loop3A_780 : i32 to index
        %parallel_loop3A_782 = tpu.vector_load %arg11[%parallel_loop3A_781] {strides = array<i32>} : memref<4096xf32, #tpu.memory_space<vmem>>, vector<16xf32>,
        tpu.vector_store %arg11[%parallel_loop3A_781], %parallel_loop3A_776 {strides = array<i32>} : memref<4096xf32, #tpu.memory_space<vmem>>, vector<16xf32>,
        %parallel_loop3A_783 = tpu.vector_load_idx %arg7[%parallel_loop3A_751, %broadcast_in_dim3A_9, %parallel_loop3A_754] : memref<32x8x128xf32, #tpu.memory_space<vmem>>[vector<16xi32>, vector<16xi32>, vector<16xi32>], vector<16xf32>,
        %parallel_loop3A_784 = arith.constant 16 : i32
        %parallel_loop3A_785 = arith.muli %parallel_loop3A_744, %parallel_loop3A_784 : i32
        %parallel_loop3A_786 = arith.constant 4096 : i32
        %parallel_loop3A_787 = arith.subi %parallel_loop3A_785, %parallel_loop3A_786 : i32
        %parallel_loop3A_788 = arith.index_cast %parallel_loop3A_787 : i32 to index
        %parallel_loop3A_789 = tpu.vector_load %arg12[%parallel_loop3A_788] {strides = array<i32>} : memref<4096xf32, #tpu.memory_space<vmem>>, vector<16xf32>,
        tpu.vector_store %arg12[%parallel_loop3A_788], %parallel_loop3A_783 {strides = array<i32>} : memref<4096xf32, #tpu.memory_space<vmem>>, vector<16xf32>,
        %parallel_loop3A_790 = tpu.vector_load_idx %arg7[%parallel_loop3A_751, %broadcast_in_dim3A_11, %parallel_loop3A_754] : memref<32x8x128xf32, #tpu.memory_space<vmem>>[vector<16xi32>, vector<16xi32>, vector<16xi32>], vector<16xf32>,
        %parallel_loop3A_791 = arith.constant 16 : i32
        %parallel_loop3A_792 = arith.muli %parallel_loop3A_744, %parallel_loop3A_791 : i32
        %parallel_loop3A_793 = arith.constant 4096 : i32
        %parallel_loop3A_794 = arith.subi %parallel_loop3A_792, %parallel_loop3A_793 : i32
        %parallel_loop3A_795 = arith.index_cast %parallel_loop3A_794 : i32 to index
        %parallel_loop3A_796 = tpu.vector_load %arg13[%parallel_loop3A_795] {strides = array<i32>} : memref<4096xf32, #tpu.memory_space<vmem>>, vector<16xf32>,
        tpu.vector_store %arg13[%parallel_loop3A_795], %parallel_loop3A_790 {strides = array<i32>} : memref<4096xf32, #tpu.memory_space<vmem>>, vector<16xf32>,
        %parallel_loop3A_797 = tpu.vector_load_idx %arg7[%parallel_loop3A_751, %broadcast_in_dim3A_13, %parallel_loop3A_754] : memref<32x8x128xf32, #tpu.memory_space<vmem>>[vector<16xi32>, vector<16xi32>, vector<16xi32>], vector<16xf32>,
        %parallel_loop3A_798 = arith.constant 16 : i32
        %parallel_loop3A_799 = arith.muli %parallel_loop3A_744, %parallel_loop3A_798 : i32
        %parallel_loop3A_800 = arith.constant 4096 : i32
        %parallel_loop3A_801 = arith.subi %parallel_loop3A_799, %parallel_loop3A_800 : i32
        %parallel_loop3A_802 = arith.index_cast %parallel_loop3A_801 : i32 to index
        %parallel_loop3A_803 = tpu.vector_load %arg14[%parallel_loop3A_802] {strides = array<i32>} : memref<4096xf32, #tpu.memory_space<vmem>>, vector<16xf32>,
        tpu.vector_store %arg14[%parallel_loop3A_802], %parallel_loop3A_797 {strides = array<i32>} : memref<4096xf32, #tpu.memory_space<vmem>>, vector<16xf32>,
        %parallel_loop3A_804 = tpu.vector_load_idx %arg7[%parallel_loop3A_751, %broadcast_in_dim3A_15, %parallel_loop3A_754] : memref<32x8x128xf32, #tpu.memory_space<vmem>>[vector<16xi32>, vector<16xi32>, vector<16xi32>], vector<16xf32>,
        %parallel_loop3A_805 = arith.constant 16 : i32
        %parallel_loop3A_806 = arith.muli %parallel_loop3A_744, %parallel_loop3A_805 : i32
        %parallel_loop3A_807 = arith.constant 4096 : i32
        %parallel_loop3A_808 = arith.subi %parallel_loop3A_806, %parallel_loop3A_807 : i32
        %parallel_loop3A_809 = arith.index_cast %parallel_loop3A_808 : i32 to index
        %parallel_loop3A_810 = tpu.vector_load %arg15[%parallel_loop3A_809] {strides = array<i32>} : memref<4096xf32, #tpu.memory_space<vmem>>, vector<16xf32>,
        tpu.vector_store %arg15[%parallel_loop3A_809], %parallel_loop3A_804 {strides = array<i32>} : memref<4096xf32, #tpu.memory_space<vmem>>, vector<16xf32>,
      } {sc.loop_unroll_factor = 1 : i64, sc.parallel_access}
      %mul3A_640 = arith.constant 64 : i32
      %mul3A_641 = arith.muli %add3A, %mul3A_640 : i32
      %mul3A_642 = arith.constant 8 : i32
      %mul3A_643 = arith.muli %scan3A_230, %mul3A_642 : i32
      %add3A_644 = arith.addi %mul3A_641, %mul3A_643 : i32
      %add3A_645 = arith.constant 0 : i32
      %add3A_646 = arith.addi %add3A_644, %add3A_645 : i32
      %dma_start3A_647 = arith.constant 4096 : i32
      %dma_start3A_648 = tpu.memref_slice %arg4[%add3A_646, %dma_start3A_647] : memref<2048x8256xf32, #tpu.memory_space<hbm>> -> memref<1x4096xf32, #tpu.memory_space<hbm>>
      %dma_start3A_649 = tpu.memref_squeeze %dma_start3A_648 : memref<1x4096xf32, #tpu.memory_space<hbm>> -> memref<4096xf32, #tpu.memory_space<hbm>>
      %dma_start3A_650 = arith.constant 4096 : i32
      %dma_start3A_651 = tpu.memref_slice %arg4[%add3A_646, %dma_start3A_650] : memref<2048x8256xf32, #tpu.memory_space<hbm>> -> memref<1x4096xf32, #tpu.memory_space<hbm>>
      %dma_start3A_652 = tpu.memref_squeeze %dma_start3A_651 : memref<1x4096xf32, #tpu.memory_space<hbm>> -> memref<4096xf32, #tpu.memory_space<hbm>>
      tpu.enqueue_dma source(%arg8 : memref<4096xf32, #tpu.memory_space<vmem>>) target(%dma_start3A_652 : memref<4096xf32, #tpu.memory_space<hbm>>) target_semaphore(%arg19 : memref<!tpu.dma_semaphore, #tpu.memory_space<semaphore_mem>>)
      %mul3A_653 = arith.constant 64 : i32
      %mul3A_654 = arith.muli %add3A, %mul3A_653 : i32
      %mul3A_655 = arith.constant 8 : i32
      %mul3A_656 = arith.muli %scan3A_230, %mul3A_655 : i32
      %add3A_657 = arith.addi %mul3A_654, %mul3A_656 : i32
      %add3A_658 = arith.constant 1 : i32
      %add3A_659 = arith.addi %add3A_657, %add3A_658 : i32
      %dma_start3A_660 = arith.constant 4096 : i32
      %dma_start3A_661 = tpu.memref_slice %arg4[%add3A_659, %dma_start3A_660] : memref<2048x8256xf32, #tpu.memory_space<hbm>> -> memref<1x4096xf32, #tpu.memory_space<hbm>>
      %dma_start3A_662 = tpu.memref_squeeze %dma_start3A_661 : memref<1x4096xf32, #tpu.memory_space<hbm>> -> memref<4096xf32, #tpu.memory_space<hbm>>
      %dma_start3A_663 = arith.constant 4096 : i32
      %dma_start3A_664 = tpu.memref_slice %arg4[%add3A_659, %dma_start3A_663] : memref<2048x8256xf32, #tpu.memory_space<hbm>> -> memref<1x4096xf32, #tpu.memory_space<hbm>>
      %dma_start3A_665 = tpu.memref_squeeze %dma_start3A_664 : memref<1x4096xf32, #tpu.memory_space<hbm>> -> memref<4096xf32, #tpu.memory_space<hbm>>
      tpu.enqueue_dma source(%arg9 : memref<4096xf32, #tpu.memory_space<vmem>>) target(%dma_start3A_665 : memref<4096xf32, #tpu.memory_space<hbm>>) target_semaphore(%arg19 : memref<!tpu.dma_semaphore, #tpu.memory_space<semaphore_mem>>)
      %mul3A_666 = arith.constant 64 : i32
      %mul3A_667 = arith.muli %add3A, %mul3A_666 : i32
      %mul3A_668 = arith.constant 8 : i32
      %mul3A_669 = arith.muli %scan3A_230, %mul3A_668 : i32
      %add3A_670 = arith.addi %mul3A_667, %mul3A_669 : i32
      %add3A_671 = arith.constant 2 : i32
      %add3A_672 = arith.addi %add3A_670, %add3A_671 : i32
      %dma_start3A_673 = arith.constant 4096 : i32
      %dma_start3A_674 = tpu.memref_slice %arg4[%add3A_672, %dma_start3A_673] : memref<2048x8256xf32, #tpu.memory_space<hbm>> -> memref<1x4096xf32, #tpu.memory_space<hbm>>
      %dma_start3A_675 = tpu.memref_squeeze %dma_start3A_674 : memref<1x4096xf32, #tpu.memory_space<hbm>> -> memref<4096xf32, #tpu.memory_space<hbm>>
      %dma_start3A_676 = arith.constant 4096 : i32
      %dma_start3A_677 = tpu.memref_slice %arg4[%add3A_672, %dma_start3A_676] : memref<2048x8256xf32, #tpu.memory_space<hbm>> -> memref<1x4096xf32, #tpu.memory_space<hbm>>
      %dma_start3A_678 = tpu.memref_squeeze %dma_start3A_677 : memref<1x4096xf32, #tpu.memory_space<hbm>> -> memref<4096xf32, #tpu.memory_space<hbm>>
      tpu.enqueue_dma source(%arg10 : memref<4096xf32, #tpu.memory_space<vmem>>) target(%dma_start3A_678 : memref<4096xf32, #tpu.memory_space<hbm>>) target_semaphore(%arg19 : memref<!tpu.dma_semaphore, #tpu.memory_space<semaphore_mem>>)
      %mul3A_679 = arith.constant 64 : i32
      %mul3A_680 = arith.muli %add3A, %mul3A_679 : i32
      %mul3A_681 = arith.constant 8 : i32
      %mul3A_682 = arith.muli %scan3A_230, %mul3A_681 : i32
      %add3A_683 = arith.addi %mul3A_680, %mul3A_682 : i32
      %add3A_684 = arith.constant 3 : i32
      %add3A_685 = arith.addi %add3A_683, %add3A_684 : i32
      %dma_start3A_686 = arith.constant 4096 : i32
      %dma_start3A_687 = tpu.memref_slice %arg4[%add3A_685, %dma_start3A_686] : memref<2048x8256xf32, #tpu.memory_space<hbm>> -> memref<1x4096xf32, #tpu.memory_space<hbm>>
      %dma_start3A_688 = tpu.memref_squeeze %dma_start3A_687 : memref<1x4096xf32, #tpu.memory_space<hbm>> -> memref<4096xf32, #tpu.memory_space<hbm>>
      %dma_start3A_689 = arith.constant 4096 : i32
      %dma_start3A_690 = tpu.memref_slice %arg4[%add3A_685, %dma_start3A_689] : memref<2048x8256xf32, #tpu.memory_space<hbm>> -> memref<1x4096xf32, #tpu.memory_space<hbm>>
      %dma_start3A_691 = tpu.memref_squeeze %dma_start3A_690 : memref<1x4096xf32, #tpu.memory_space<hbm>> -> memref<4096xf32, #tpu.memory_space<hbm>>
      tpu.enqueue_dma source(%arg11 : memref<4096xf32, #tpu.memory_space<vmem>>) target(%dma_start3A_691 : memref<4096xf32, #tpu.memory_space<hbm>>) target_semaphore(%arg19 : memref<!tpu.dma_semaphore, #tpu.memory_space<semaphore_mem>>)
      %mul3A_692 = arith.constant 64 : i32
      %mul3A_693 = arith.muli %add3A, %mul3A_692 : i32
      %mul3A_694 = arith.constant 8 : i32
      %mul3A_695 = arith.muli %scan3A_230, %mul3A_694 : i32
      %add3A_696 = arith.addi %mul3A_693, %mul3A_695 : i32
      %add3A_697 = arith.constant 4 : i32
      %add3A_698 = arith.addi %add3A_696, %add3A_697 : i32
      %dma_start3A_699 = arith.constant 4096 : i32
      %dma_start3A_700 = tpu.memref_slice %arg4[%add3A_698, %dma_start3A_699] : memref<2048x8256xf32, #tpu.memory_space<hbm>> -> memref<1x4096xf32, #tpu.memory_space<hbm>>
      %dma_start3A_701 = tpu.memref_squeeze %dma_start3A_700 : memref<1x4096xf32, #tpu.memory_space<hbm>> -> memref<4096xf32, #tpu.memory_space<hbm>>
      %dma_start3A_702 = arith.constant 4096 : i32
      %dma_start3A_703 = tpu.memref_slice %arg4[%add3A_698, %dma_start3A_702] : memref<2048x8256xf32, #tpu.memory_space<hbm>> -> memref<1x4096xf32, #tpu.memory_space<hbm>>
      %dma_start3A_704 = tpu.memref_squeeze %dma_start3A_703 : memref<1x4096xf32, #tpu.memory_space<hbm>> -> memref<4096xf32, #tpu.memory_space<hbm>>
      tpu.enqueue_dma source(%arg12 : memref<4096xf32, #tpu.memory_space<vmem>>) target(%dma_start3A_704 : memref<4096xf32, #tpu.memory_space<hbm>>) target_semaphore(%arg19 : memref<!tpu.dma_semaphore, #tpu.memory_space<semaphore_mem>>)
      %mul3A_705 = arith.constant 64 : i32
      %mul3A_706 = arith.muli %add3A, %mul3A_705 : i32
      %mul3A_707 = arith.constant 8 : i32
      %mul3A_708 = arith.muli %scan3A_230, %mul3A_707 : i32
      %add3A_709 = arith.addi %mul3A_706, %mul3A_708 : i32
      %add3A_710 = arith.constant 5 : i32
      %add3A_711 = arith.addi %add3A_709, %add3A_710 : i32
      %dma_start3A_712 = arith.constant 4096 : i32
      %dma_start3A_713 = tpu.memref_slice %arg4[%add3A_711, %dma_start3A_712] : memref<2048x8256xf32, #tpu.memory_space<hbm>> -> memref<1x4096xf32, #tpu.memory_space<hbm>>
      %dma_start3A_714 = tpu.memref_squeeze %dma_start3A_713 : memref<1x4096xf32, #tpu.memory_space<hbm>> -> memref<4096xf32, #tpu.memory_space<hbm>>
      %dma_start3A_715 = arith.constant 4096 : i32
      %dma_start3A_716 = tpu.memref_slice %arg4[%add3A_711, %dma_start3A_715] : memref<2048x8256xf32, #tpu.memory_space<hbm>> -> memref<1x4096xf32, #tpu.memory_space<hbm>>
      %dma_start3A_717 = tpu.memref_squeeze %dma_start3A_716 : memref<1x4096xf32, #tpu.memory_space<hbm>> -> memref<4096xf32, #tpu.memory_space<hbm>>
      tpu.enqueue_dma source(%arg13 : memref<4096xf32, #tpu.memory_space<vmem>>) target(%dma_start3A_717 : memref<4096xf32, #tpu.memory_space<hbm>>) target_semaphore(%arg19 : memref<!tpu.dma_semaphore, #tpu.memory_space<semaphore_mem>>)
      %mul3A_718 = arith.constant 64 : i32
      %mul3A_719 = arith.muli %add3A, %mul3A_718 : i32
      %mul3A_720 = arith.constant 8 : i32
      %mul3A_721 = arith.muli %scan3A_230, %mul3A_720 : i32
      %add3A_722 = arith.addi %mul3A_719, %mul3A_721 : i32
      %add3A_723 = arith.constant 6 : i32
      %add3A_724 = arith.addi %add3A_722, %add3A_723 : i32
      %dma_start3A_725 = arith.constant 4096 : i32
      %dma_start3A_726 = tpu.memref_slice %arg4[%add3A_724, %dma_start3A_725] : memref<2048x8256xf32, #tpu.memory_space<hbm>> -> memref<1x4096xf32, #tpu.memory_space<hbm>>
      %dma_start3A_727 = tpu.memref_squeeze %dma_start3A_726 : memref<1x4096xf32, #tpu.memory_space<hbm>> -> memref<4096xf32, #tpu.memory_space<hbm>>
      %dma_start3A_728 = arith.constant 4096 : i32
      %dma_start3A_729 = tpu.memref_slice %arg4[%add3A_724, %dma_start3A_728] : memref<2048x8256xf32, #tpu.memory_space<hbm>> -> memref<1x4096xf32, #tpu.memory_space<hbm>>
      %dma_start3A_730 = tpu.memref_squeeze %dma_start3A_729 : memref<1x4096xf32, #tpu.memory_space<hbm>> -> memref<4096xf32, #tpu.memory_space<hbm>>
      tpu.enqueue_dma source(%arg14 : memref<4096xf32, #tpu.memory_space<vmem>>) target(%dma_start3A_730 : memref<4096xf32, #tpu.memory_space<hbm>>) target_semaphore(%arg19 : memref<!tpu.dma_semaphore, #tpu.memory_space<semaphore_mem>>)
      %mul3A_731 = arith.constant 64 : i32
      %mul3A_732 = arith.muli %add3A, %mul3A_731 : i32
      %mul3A_733 = arith.constant 8 : i32
      %mul3A_734 = arith.muli %scan3A_230, %mul3A_733 : i32
      %add3A_735 = arith.addi %mul3A_732, %mul3A_734 : i32
      %add3A_736 = arith.constant 7 : i32
      %add3A_737 = arith.addi %add3A_735, %add3A_736 : i32
      %dma_start3A_738 = arith.constant 4096 : i32
      %dma_start3A_739 = tpu.memref_slice %arg4[%add3A_737, %dma_start3A_738] : memref<2048x8256xf32, #tpu.memory_space<hbm>> -> memref<1x4096xf32, #tpu.memory_space<hbm>>
      %dma_start3A_740 = tpu.memref_squeeze %dma_start3A_739 : memref<1x4096xf32, #tpu.memory_space<hbm>> -> memref<4096xf32, #tpu.memory_space<hbm>>
      %dma_start3A_741 = arith.constant 4096 : i32
      %dma_start3A_742 = tpu.memref_slice %arg4[%add3A_737, %dma_start3A_741] : memref<2048x8256xf32, #tpu.memory_space<hbm>> -> memref<1x4096xf32, #tpu.memory_space<hbm>>
      %dma_start3A_743 = tpu.memref_squeeze %dma_start3A_742 : memref<1x4096xf32, #tpu.memory_space<hbm>> -> memref<4096xf32, #tpu.memory_space<hbm>>
      tpu.enqueue_dma source(%arg15 : memref<4096xf32, #tpu.memory_space<vmem>>) target(%dma_start3A_743 : memref<4096xf32, #tpu.memory_space<hbm>>) target_semaphore(%arg19 : memref<!tpu.dma_semaphore, #tpu.memory_space<semaphore_mem>>)
    }
    %scan3A_124 = arith.constant 8 : i32
    %dma_wait3A = arith.constant 0 : i32
    %dma_wait3A_125 = arith.constant 0 : i32
    %dma_wait3A_126 = arith.constant 0 : i32
    %dma_wait3A_127 = tpu.memref_slice %arg2[%add3A, %dma_wait3A, %dma_wait3A_125, %dma_wait3A_126] : memref<32x128x64x128xf32, #tpu.memory_space<hbm>> -> memref<1x32x8x128xf32, #tpu.memory_space<hbm>>
    %dma_wait3A_128 = tpu.memref_squeeze %dma_wait3A_127 : memref<1x32x8x128xf32, #tpu.memory_space<hbm>> -> memref<32x8x128xf32, #tpu.memory_space<hbm>>
    %dma_wait3A_129 = arith.constant 0 : i32
    %dma_wait3A_130 = arith.constant 0 : i32
    %dma_wait3A_131 = arith.constant 0 : i32
    %dma_wait3A_132 = tpu.memref_slice %arg2[%add3A, %dma_wait3A_129, %dma_wait3A_130, %dma_wait3A_131] : memref<32x128x64x128xf32, #tpu.memory_space<hbm>> -> memref<1x32x8x128xf32, #tpu.memory_space<hbm>>
    %dma_wait3A_133 = tpu.memref_squeeze %dma_wait3A_132 : memref<1x32x8x128xf32, #tpu.memory_space<hbm>> -> memref<32x8x128xf32, #tpu.memory_space<hbm>>
    tpu.wait_dma2 semaphore(%arg16 : memref<!tpu.dma_semaphore, #tpu.memory_space<semaphore_mem>>) src(%dma_wait3A_133 : memref<32x8x128xf32, #tpu.memory_space<hbm>>) dst(%arg6 : memref<32x8x128xf32, #tpu.memory_space<vmem>>)
    %mul3A_134 = arith.constant 64 : i32
    %mul3A_135 = arith.muli %add3A, %mul3A_134 : i32
    %add3A_136 = arith.constant 56 : i32
    %add3A_137 = arith.addi %mul3A_135, %add3A_136 : i32
    %add3A_138 = arith.constant 0 : i32
    %add3A_139 = arith.addi %add3A_137, %add3A_138 : i32
    %dma_wait3A_140 = arith.constant 4096 : i32
    %dma_wait3A_141 = tpu.memref_slice %arg4[%add3A_139, %dma_wait3A_140] : memref<2048x8256xf32, #tpu.memory_space<hbm>> -> memref<1x4096xf32, #tpu.memory_space<hbm>>
    %dma_wait3A_142 = tpu.memref_squeeze %dma_wait3A_141 : memref<1x4096xf32, #tpu.memory_space<hbm>> -> memref<4096xf32, #tpu.memory_space<hbm>>
    %dma_wait3A_143 = arith.constant 4096 : i32
    %dma_wait3A_144 = tpu.memref_slice %arg4[%add3A_139, %dma_wait3A_143] : memref<2048x8256xf32, #tpu.memory_space<hbm>> -> memref<1x4096xf32, #tpu.memory_space<hbm>>
    %dma_wait3A_145 = tpu.memref_squeeze %dma_wait3A_144 : memref<1x4096xf32, #tpu.memory_space<hbm>> -> memref<4096xf32, #tpu.memory_space<hbm>>
    tpu.wait_dma2 semaphore(%arg19 : memref<!tpu.dma_semaphore, #tpu.memory_space<semaphore_mem>>) src(%arg8 : memref<4096xf32, #tpu.memory_space<vmem>>) dst(%dma_wait3A_145 : memref<4096xf32, #tpu.memory_space<hbm>>)
    %mul3A_146 = arith.constant 64 : i32
    %mul3A_147 = arith.muli %add3A, %mul3A_146 : i32
    %add3A_148 = arith.constant 56 : i32
    %add3A_149 = arith.addi %mul3A_147, %add3A_148 : i32
    %add3A_150 = arith.constant 1 : i32
    %add3A_151 = arith.addi %add3A_149, %add3A_150 : i32
    %dma_wait3A_152 = arith.constant 4096 : i32
    %dma_wait3A_153 = tpu.memref_slice %arg4[%add3A_151, %dma_wait3A_152] : memref<2048x8256xf32, #tpu.memory_space<hbm>> -> memref<1x4096xf32, #tpu.memory_space<hbm>>
    %dma_wait3A_154 = tpu.memref_squeeze %dma_wait3A_153 : memref<1x4096xf32, #tpu.memory_space<hbm>> -> memref<4096xf32, #tpu.memory_space<hbm>>
    %dma_wait3A_155 = arith.constant 4096 : i32
    %dma_wait3A_156 = tpu.memref_slice %arg4[%add3A_151, %dma_wait3A_155] : memref<2048x8256xf32, #tpu.memory_space<hbm>> -> memref<1x4096xf32, #tpu.memory_space<hbm>>
    %dma_wait3A_157 = tpu.memref_squeeze %dma_wait3A_156 : memref<1x4096xf32, #tpu.memory_space<hbm>> -> memref<4096xf32, #tpu.memory_space<hbm>>
    tpu.wait_dma2 semaphore(%arg19 : memref<!tpu.dma_semaphore, #tpu.memory_space<semaphore_mem>>) src(%arg9 : memref<4096xf32, #tpu.memory_space<vmem>>) dst(%dma_wait3A_157 : memref<4096xf32, #tpu.memory_space<hbm>>)
    %mul3A_158 = arith.constant 64 : i32
    %mul3A_159 = arith.muli %add3A, %mul3A_158 : i32
    %add3A_160 = arith.constant 56 : i32
    %add3A_161 = arith.addi %mul3A_159, %add3A_160 : i32
    %add3A_162 = arith.constant 2 : i32
    %add3A_163 = arith.addi %add3A_161, %add3A_162 : i32
    %dma_wait3A_164 = arith.constant 4096 : i32
    %dma_wait3A_165 = tpu.memref_slice %arg4[%add3A_163, %dma_wait3A_164] : memref<2048x8256xf32, #tpu.memory_space<hbm>> -> memref<1x4096xf32, #tpu.memory_space<hbm>>
    %dma_wait3A_166 = tpu.memref_squeeze %dma_wait3A_165 : memref<1x4096xf32, #tpu.memory_space<hbm>> -> memref<4096xf32, #tpu.memory_space<hbm>>
    %dma_wait3A_167 = arith.constant 4096 : i32
    %dma_wait3A_168 = tpu.memref_slice %arg4[%add3A_163, %dma_wait3A_167] : memref<2048x8256xf32, #tpu.memory_space<hbm>> -> memref<1x4096xf32, #tpu.memory_space<hbm>>
    %dma_wait3A_169 = tpu.memref_squeeze %dma_wait3A_168 : memref<1x4096xf32, #tpu.memory_space<hbm>> -> memref<4096xf32, #tpu.memory_space<hbm>>
    tpu.wait_dma2 semaphore(%arg19 : memref<!tpu.dma_semaphore, #tpu.memory_space<semaphore_mem>>) src(%arg10 : memref<4096xf32, #tpu.memory_space<vmem>>) dst(%dma_wait3A_169 : memref<4096xf32, #tpu.memory_space<hbm>>)
    %mul3A_170 = arith.constant 64 : i32
    %mul3A_171 = arith.muli %add3A, %mul3A_170 : i32
    %add3A_172 = arith.constant 56 : i32
    %add3A_173 = arith.addi %mul3A_171, %add3A_172 : i32
    %add3A_174 = arith.constant 3 : i32
    %add3A_175 = arith.addi %add3A_173, %add3A_174 : i32
    %dma_wait3A_176 = arith.constant 4096 : i32
    %dma_wait3A_177 = tpu.memref_slice %arg4[%add3A_175, %dma_wait3A_176] : memref<2048x8256xf32, #tpu.memory_space<hbm>> -> memref<1x4096xf32, #tpu.memory_space<hbm>>
    %dma_wait3A_178 = tpu.memref_squeeze %dma_wait3A_177 : memref<1x4096xf32, #tpu.memory_space<hbm>> -> memref<4096xf32, #tpu.memory_space<hbm>>
    %dma_wait3A_179 = arith.constant 4096 : i32
    %dma_wait3A_180 = tpu.memref_slice %arg4[%add3A_175, %dma_wait3A_179] : memref<2048x8256xf32, #tpu.memory_space<hbm>> -> memref<1x4096xf32, #tpu.memory_space<hbm>>
    %dma_wait3A_181 = tpu.memref_squeeze %dma_wait3A_180 : memref<1x4096xf32, #tpu.memory_space<hbm>> -> memref<4096xf32, #tpu.memory_space<hbm>>
    tpu.wait_dma2 semaphore(%arg19 : memref<!tpu.dma_semaphore, #tpu.memory_space<semaphore_mem>>) src(%arg11 : memref<4096xf32, #tpu.memory_space<vmem>>) dst(%dma_wait3A_181 : memref<4096xf32, #tpu.memory_space<hbm>>)
    %mul3A_182 = arith.constant 64 : i32
    %mul3A_183 = arith.muli %add3A, %mul3A_182 : i32
    %add3A_184 = arith.constant 56 : i32
    %add3A_185 = arith.addi %mul3A_183, %add3A_184 : i32
    %add3A_186 = arith.constant 4 : i32
    %add3A_187 = arith.addi %add3A_185, %add3A_186 : i32
    %dma_wait3A_188 = arith.constant 4096 : i32
    %dma_wait3A_189 = tpu.memref_slice %arg4[%add3A_187, %dma_wait3A_188] : memref<2048x8256xf32, #tpu.memory_space<hbm>> -> memref<1x4096xf32, #tpu.memory_space<hbm>>
    %dma_wait3A_190 = tpu.memref_squeeze %dma_wait3A_189 : memref<1x4096xf32, #tpu.memory_space<hbm>> -> memref<4096xf32, #tpu.memory_space<hbm>>
    %dma_wait3A_191 = arith.constant 4096 : i32
    %dma_wait3A_192 = tpu.memref_slice %arg4[%add3A_187, %dma_wait3A_191] : memref<2048x8256xf32, #tpu.memory_space<hbm>> -> memref<1x4096xf32, #tpu.memory_space<hbm>>
    %dma_wait3A_193 = tpu.memref_squeeze %dma_wait3A_192 : memref<1x4096xf32, #tpu.memory_space<hbm>> -> memref<4096xf32, #tpu.memory_space<hbm>>
    tpu.wait_dma2 semaphore(%arg19 : memref<!tpu.dma_semaphore, #tpu.memory_space<semaphore_mem>>) src(%arg12 : memref<4096xf32, #tpu.memory_space<vmem>>) dst(%dma_wait3A_193 : memref<4096xf32, #tpu.memory_space<hbm>>)
    %mul3A_194 = arith.constant 64 : i32
    %mul3A_195 = arith.muli %add3A, %mul3A_194 : i32
    %add3A_196 = arith.constant 56 : i32
    %add3A_197 = arith.addi %mul3A_195, %add3A_196 : i32
    %add3A_198 = arith.constant 5 : i32
    %add3A_199 = arith.addi %add3A_197, %add3A_198 : i32
    %dma_wait3A_200 = arith.constant 4096 : i32
    %dma_wait3A_201 = tpu.memref_slice %arg4[%add3A_199, %dma_wait3A_200] : memref<2048x8256xf32, #tpu.memory_space<hbm>> -> memref<1x4096xf32, #tpu.memory_space<hbm>>
    %dma_wait3A_202 = tpu.memref_squeeze %dma_wait3A_201 : memref<1x4096xf32, #tpu.memory_space<hbm>> -> memref<4096xf32, #tpu.memory_space<hbm>>
    %dma_wait3A_203 = arith.constant 4096 : i32
    %dma_wait3A_204 = tpu.memref_slice %arg4[%add3A_199, %dma_wait3A_203] : memref<2048x8256xf32, #tpu.memory_space<hbm>> -> memref<1x4096xf32, #tpu.memory_space<hbm>>
    %dma_wait3A_205 = tpu.memref_squeeze %dma_wait3A_204 : memref<1x4096xf32, #tpu.memory_space<hbm>> -> memref<4096xf32, #tpu.memory_space<hbm>>
    tpu.wait_dma2 semaphore(%arg19 : memref<!tpu.dma_semaphore, #tpu.memory_space<semaphore_mem>>) src(%arg13 : memref<4096xf32, #tpu.memory_space<vmem>>) dst(%dma_wait3A_205 : memref<4096xf32, #tpu.memory_space<hbm>>)
    %mul3A_206 = arith.constant 64 : i32
    %mul3A_207 = arith.muli %add3A, %mul3A_206 : i32
    %add3A_208 = arith.constant 56 : i32
    %add3A_209 = arith.addi %mul3A_207, %add3A_208 : i32
    %add3A_210 = arith.constant 6 : i32
    %add3A_211 = arith.addi %add3A_209, %add3A_210 : i32
    %dma_wait3A_212 = arith.constant 4096 : i32
    %dma_wait3A_213 = tpu.memref_slice %arg4[%add3A_211, %dma_wait3A_212] : memref<2048x8256xf32, #tpu.memory_space<hbm>> -> memref<1x4096xf32, #tpu.memory_space<hbm>>
    %dma_wait3A_214 = tpu.memref_squeeze %dma_wait3A_213 : memref<1x4096xf32, #tpu.memory_space<hbm>> -> memref<4096xf32, #tpu.memory_space<hbm>>
    %dma_wait3A_215 = arith.constant 4096 : i32
    %dma_wait3A_216 = tpu.memref_slice %arg4[%add3A_211, %dma_wait3A_215] : memref<2048x8256xf32, #tpu.memory_space<hbm>> -> memref<1x4096xf32, #tpu.memory_space<hbm>>
    %dma_wait3A_217 = tpu.memref_squeeze %dma_wait3A_216 : memref<1x4096xf32, #tpu.memory_space<hbm>> -> memref<4096xf32, #tpu.memory_space<hbm>>
    tpu.wait_dma2 semaphore(%arg19 : memref<!tpu.dma_semaphore, #tpu.memory_space<semaphore_mem>>) src(%arg14 : memref<4096xf32, #tpu.memory_space<vmem>>) dst(%dma_wait3A_217 : memref<4096xf32, #tpu.memory_space<hbm>>)
    %mul3A_218 = arith.constant 64 : i32
    %mul3A_219 = arith.muli %add3A, %mul3A_218 : i32
    %add3A_220 = arith.constant 56 : i32
    %add3A_221 = arith.addi %mul3A_219, %add3A_220 : i32
    %add3A_222 = arith.constant 7 : i32
    %add3A_223 = arith.addi %add3A_221, %add3A_222 : i32
    %dma_wait3A_224 = arith.constant 4096 : i32
    %dma_wait3A_225 = tpu.memref_slice %arg4[%add3A_223, %dma_wait3A_224] : memref<2048x8256xf32, #tpu.memory_space<hbm>> -> memref<1x4096xf32, #tpu.memory_space<hbm>>
    %dma_wait3A_226 = tpu.memref_squeeze %dma_wait3A_225 : memref<1x4096xf32, #tpu.memory_space<hbm>> -> memref<4096xf32, #tpu.memory_space<hbm>>
    %dma_wait3A_227 = arith.constant 4096 : i32
    %dma_wait3A_228 = tpu.memref_slice %arg4[%add3A_223, %dma_wait3A_227] : memref<2048x8256xf32, #tpu.memory_space<hbm>> -> memref<1x4096xf32, #tpu.memory_space<hbm>>
    %dma_wait3A_229 = tpu.memref_squeeze %dma_wait3A_228 : memref<1x4096xf32, #tpu.memory_space<hbm>> -> memref<4096xf32, #tpu.memory_space<hbm>>
    tpu.wait_dma2 semaphore(%arg19 : memref<!tpu.dma_semaphore, #tpu.memory_space<semaphore_mem>>) src(%arg15 : memref<4096xf32, #tpu.memory_space<vmem>>) dst(%dma_wait3A_229 : memref<4096xf32, #tpu.memory_space<hbm>>)
    return
  }
}

</mosaic_0001>

<sc_bundles>
// kernel: kernel.3.cloned.1.call-start
scs
__scs_entry_jumppad:
0x0: {  	(pc) =	sbr.rel $0x88, $3  }
0x1: {  	(tag) =	ssettag $0x0;
	lr =	simm.s32 $0x1  }
0x2: {  	[smem:$0x3FA0] =	sst lr;
	_ =	strace $0xD0000000  }
0x3: {  	_ = 	snop  }
0x4: {  	_ = 	snop  }
0x5: {  	_ = 	snop  }
0x6: {  	_ = 	snop  }
0x7: {  	_ = 	snop  }
__scs_overlays_trampoline_lowered:
0x8: {  	[smem:$0x3FAF] =	sst s0  }
0x9: {  	[smem:$0x3FB0] =	sst s1  }
0xa: {  	[smem:$0x3FB1] =	sst s2  }
0xb: {  	[smem:$0x3FB2] =	sst s3  }
0xc: {  	[smem:$0x3FB3] =	sst s4  }
0xd: {  	[smem:$0x3FB4] =	sst s5  }
0xe: {  	[smem:$0x3FB5] =	sst s6  }
0xf: {  	[smem:$0x3FB6] =	sst s7  }
0x10: {  	[smem:$0x3FB7] =	sst s8  }
0x11: {  	[smem:$0x3FB8] =	sst s9;
	s0 =	simm.s32 @!p0 $0x0  }
0x12: {  	s1 =	sld [smem:$0x3F9E];
	s0 =	simm.s32 @p0 $0x1  }
0x13: {  	[smem:$0x3FB9] =	sst s0;
	s0 =	simm.s32 @!p1 $0x0  }
0x14: {  	s2 =	sld [smem:$0x3F9D];
	s0 =	simm.s32 @p1 $0x1  }
0x15: {  	[smem:$0x3FBA] =	sst s0;
	s0 =	simm.s32 @!p2 $0x0  }
0x16: {  	s3 =	sld [smem:$0x3FDB];
	s0 =	simm.s32 @p2 $0x1  }
0x17: {  	s4 =	simm.s32 $0x1BF5;
	[smem:$0x3FBC] =	sst s0  }
0x18: {  	s0 =	sld [smem:$0x3F9F];
	_ =	swait.ge [sflag:s4], $0x0  }
0x19: {  	s7 =	sld [smem:$0x3FA0]  }
0x1a: {  	s8 =	sadd.s32 $0xFFFFE003, lr  }
0x1b: {  	s9 =	sadd.s32 $0xFFFFFEF7, lr;
	s5 =	simm.s32 $0xFFFFFFFF;
	p2 =	slt.u32 s8, $0xFFFFF086  }
0x1c: {  	p1 =	slt.u32 s9, $0xF7A;
	s5 =	simm.s32 @!p2 $0x0  }
0x1d: {  	s5 =	simm.s32 @p1 $0x1;
	p0 =	seq.s32 s7, s2  }
0x1e: {  	s7 =	smul.u32 @!p0 $0xF7A, s2;
	p2 =	seq.s32 @!p0 s5, $0x0  }
0x1f: {  	s9 =	smul.u32 $0xF7A, s1;
	s8 =	simm.s32 @!p0 $0x1BF5;
	p2 =	por !p2, p0  }
0x20: {  	[sflag:s8] =	ssyncset.s32 @!p0 $0xFFFFF086;
	s6 =	sadd.s32 @!p0 s3, s7;
	s7 =	simm.s32 @!p0 $0x108  }
0x21: {  	s3 =	sadd.s32 s3, s9;
	s6 =	sadd.s32 @!p0 $0x88, s6;
	s7 =	simm.s32 @p2 $0x1082  }
0x22: {  	[simem:s7], [sflag:s8] =	dma.local @!p0 [hbm:s6], $0xF7A  }
0x23: {  	s9 =	sor.u32 $0xD0000000, s2;
	s6 =	simm.s32 $0x108;
	_ =	swait.ge @!p0 [sflag:s8], $0x0  }
0x24: {  	s3 =	sadd.s32 $0x88, s3;
	s6 =	simm.s32 @!p1 $0x1082;
	[sflag:s4] =	ssyncset.s32 $0xFFFFF086  }
0x25: {  	[simem:s6], [sflag:s4] =	dma.local [hbm:s3], $0xF7A  }
0x26: {  	[smem:$0x3FA0] =	sst s1;
	(tag) =	ssettag s2;
	_ =	strace s9  }
0x27: {  	s1 =	sld [smem:$0x3FB0]  }
0x28: {  	s2 =	sld [smem:$0x3FB1]  }
0x29: {  	s4 =	sld [smem:$0x3FB3]  }
0x2a: {  	p0 =	seq.s32 s5, $0x0;
	s5 =	sld [smem:$0x3FB4]  }
0x2b: {  	s6 =	sld [smem:$0x3FB5]  }
0x2c: {  	s7 =	sld [smem:$0x3FB6]  }
0x2d: {  	s3 =	simm.s32 $0x108;
	s8 =	sld [smem:$0x3FB7]  }
0x2e: {  	s3 =	simm.s32 @!p0 $0x1082;
	s9 =	sld [smem:$0x3FB8]  }
0x2f: {  	lr =	sadd.s32 s0, s3;
	s0 =	sld [smem:$0x3FAF]  }
0x30: {  	s3 =	sld [smem:$0x3FB2]  }
0x31: {  	[smem:$0x3FBB] =	sst s10  }
0x32: {  	s10 =	sld [smem:$0x3FB9];
	_ =	sdelay $0x3  }
0x33: {  	p0 =	seq.s32 s10, $0x1;
	s10 =	sld [smem:$0x3FBB];
	_ =	sdelay $0x3  }
0x34: {  	[smem:$0x3FBB] =	sst s10  }
0x35: {  	s10 =	sld [smem:$0x3FBA];
	_ =	sdelay $0x3  }
0x36: {  	p1 =	seq.s32 s10, $0x1;
	s10 =	sld [smem:$0x3FBB];
	_ =	sdelay $0x3  }
0x37: {  	[smem:$0x3FBB] =	sst s10  }
0x38: {  	s10 =	sld [smem:$0x3FBC]  }
0x39: {  	_ = 	snop;
	(pc) =	sbr.ind lr, $3  }
0x3a: {  	_ = 	snop  }
0x3b: {  	_ = 	snop  }
0x3c: {  	p2 =	seq.s32 s10, $0x1;
	s10 =	sld [smem:$0x3FBB]  }
0x3d: {  	_ =	shalt  }
0x3e: {  	_ =	shalt  }
0x3f: {  	_ =	shalt  }
0x40: {  	_ =	shalt  }
0x41: {  	_ =	shalt  }
0x42: {  	_ =	shalt  }
0x43: {  	_ =	shalt  }
0x44: {  	_ =	shalt  }
0x45: {  	_ =	shalt  }
0x46: {  	_ =	shalt  }
0x47: {  	_ =	shalt  }
0x48: {  	_ =	shalt  }
0x49: {  	_ =	shalt  }
0x4a: {  	_ =	shalt  }
0x4b: {  	_ =	shalt  }
0x4c: {  	_ =	shalt  }
0x4d: {  	_ =	shalt  }
0x4e: {  	_ =	shalt  }
0x4f: {  	_ =	shalt  }
0x50: {  	_ =	shalt  }
0x51: {  	_ =	shalt  }
0x52: {  	_ =	shalt  }
0x53: {  	_ =	shalt  }
0x54: {  	_ =	shalt  }
0x55: {  	_ =	shalt  }
0x56: {  	_ =	shalt  }
0x57: {  	_ =	shalt  }
0x58: {  	_ =	shalt  }
0x59: {  	_ =	shalt  }
0x5a: {  	_ =	shalt  }
0x5b: {  	_ =	shalt  }
0x5c: {  	_ =	shalt  }
0x5d: {  	_ =	shalt  }
0x5e: {  	_ =	shalt  }
0x5f: {  	_ =	shalt  }
0x60: {  	_ =	shalt  }
0x61: {  	_ =	shalt  }
0x62: {  	_ =	shalt  }
0x63: {  	_ =	shalt  }
0x64: {  	_ =	shalt  }
0x65: {  	_ =	shalt  }
0x66: {  	_ =	shalt  }
0x67: {  	_ =	shalt  }
0x68: {  	_ =	shalt  }
0x69: {  	_ =	shalt  }
0x6a: {  	_ =	shalt  }
0x6b: {  	_ =	shalt  }
0x6c: {  	_ =	shalt  }
0x6d: {  	_ =	shalt  }
0x6e: {  	_ =	shalt  }
0x6f: {  	_ =	shalt  }
0x70: {  	_ =	shalt  }
0x71: {  	_ =	shalt  }
0x72: {  	_ =	shalt  }
0x73: {  	_ =	shalt  }
0x74: {  	_ =	shalt  }
0x75: {  	_ =	shalt  }
0x76: {  	_ =	shalt  }
0x77: {  	_ =	shalt  }
0x78: {  	_ =	shalt  }
0x79: {  	_ =	shalt  }
0x7a: {  	_ =	shalt  }
0x7b: {  	_ =	shalt  }
0x7c: {  	_ =	shalt  }
0x7d: {  	_ =	shalt  }
0x7e: {  	_ =	shalt  }
0x7f: {  	_ =	shalt  }
0x80: {  	_ =	shalt  }
0x81: {  	_ =	shalt  }
0x82: {  	_ =	shalt  }
0x83: {  	_ =	shalt  }
0x84: {  	_ =	shalt  }
0x85: {  	_ =	shalt  }
0x86: {  	_ =	shalt  }
0x87: {  	_ =	shalt  }
.Lfunc_end0:
.L_simem_size_0:
called_computation_lowered:
.L_overlay_start_0:
0x88: {  	s2 =	sld [smem:$0x3FD9]  }
0x89: {  	s3 =	sld [smem:$0x3FFE];
	_ =	sdelay $0x1  }
0x8a: {  	s1 =	srdreg.scid  }
0x8b: {  	s0 =	sand.u32 $0x1, s1  }
0x8c: {  	s17 =	sshll.u32 s0, $0xA;
	s2 =	sadd.s32 s3, s2  }
0x8d: {  	s2 =	sadd.s32 s2, s17  }
0x8e: {  	[smem:$0x3FC7] =	sst s2  }
0x8f: {  	_ = 	snop  }
0x90: {  	s2 =	sld [smem:$0x3FC9]  }
0x91: {  	s18 =	sld [smem:$0x3FD0];
	(tm) =	ssettm $0x1  }
0x92: {  	s4 =	sld [smem:$0x3FFB];
	_ =	sdelay $0x3  }
0x93: {  	_ =	strace s4  }
0x94: {  	s4 =	sld [smem:$0x3FFC];
	_ =	sdelay $0x3  }
0x95: {  	_ =	strace s4  }
0x96: {  	s4 =	sld [smem:$0x3FFD];
	_ =	sdelay $0x3  }
0x97: {  	_ =	strace s4  }
0x98: {  	_ =	strace $0x8FFFFFFF  }
0x99: {  	s19 =	sld [smem:$0x3FDB];
	_ =	sdelay $0x1  }
0x9a: {  	s5 =	simm.s32 $_scs_section_size  }
0x9b: {  	s6 =	simm.s32 $_size__tile_overlayer_lowered;
	s7 =	simm.s32 $_tile_overlayer_lowered  }
0x9c: {  	s22 =	simm.s32 $0x1BFF;
	s21 =	sshll.u32 s7, $0x1;
	s4 =	sadd.s32 s5, s19  }
0x9d: {  	s8 =	simm.s32 $0x0;
	s20 =	sshll.u32 s6, $0x1;
	s6 =	sadd.s32 s21, s4  }
0x9e: {  	[timem:s8], [sflag:s22] =	dma.local [hbm:s6], s20  }
0x9f: {  	_ =	swait.ge [sflag:s22], s20  }
0xa0: {  	s5 =	ssub.s32 $0x0, s20;
	[sflag:s22] =	ssyncset.done $0x0  }
0xa1: {  	[sflag:s22] =	ssyncadd.s32 s5;
	_ =	sdelay $0x1  }
0xa2: {  	s23 =	simm.s32 $0x1B8B  }
0xa3: {  	_ =	swait.ge [sflag:s23], $0x1  }
0xa4: {  	[sflag:s23] =	ssyncset.done $0x0  }
0xa5: {  	s25 =	simm.s32 $0x1B8E;
	s24 =	sld [smem:$0x3FFE];
	[sflag:s23] =	ssyncadd.s32 $0xFFFFFFFF  }
0xa6: {  	s26 =	simm.s32 $execute0_lowered;
	[smem:$0x3FD2] =	sst s25  }
0xa7: {  	s6 =	sshll.u32 s26, $0x1;
	_ =	strace $0x80000046;
	[dreg:$0x1] =	wrdreg $0xFFFFFFFF  }
0xa8: {  	s28 =	simm.s32 $_size_execute0_lowered;
	s4 =	sadd.s32 s4, s6;
	[dreg:$0x0] =	wrdreg $0x0  }
0xa9: {  	s6 =	sshll.u32 s28, $0x1;
	[dreg:$0x2] =	wrdreg s4  }
0xaa: {  	[dreg:$0x3] =	wrdreg s6  }
0xab: {  	[dreg:$0x4] =	wrdreg $0xC0  }
0xac: {  	_ =	task [dreg:s8], $0x5FFFF  }
0xad: {  	[dreg:$0x1] =	wrdreg $0xFFFFFFFF  }
0xae: {  	[dreg:$0x0] =	wrdreg $0x60  }
0xaf: {  	[dreg:$0x2] =	wrdreg s2  }
0xb0: {  	[dreg:$0x3] =	wrdreg s24  }
0xb1: {  	[dreg:$0x4] =	wrdreg s18  }
0xb2: {  	[dreg:$0x5] =	wrdreg $0x9  }
0xb3: {  	_ =	task.clear_ibuf [dreg:s8], $0x6FFFF;
	_ =	strace $0x90000046  }
0xb4: {  	s29 =	simm.s32 $0x9;
	_ =	strace $0x80000048  }
0xb5: {  	_ =	swait.ge [sflag:s29], $0x1  }
0xb6: {  	[sflag:s29] =	ssyncadd.s32 $0xFFFFFFFF  }
0xb7: {  	_ =	strace $0x90000048  }
0xb8: {  	_ =	sfence  }
0xb9: {  	s30 =	sld [smem:$0x0];
	_ =	sdelay $0x2  }
0xba: {  	s31 =	sshll.u32 s1, $0xD;
	s1 =	sshrl.u32 s1, $0x2  }
0xbb: {  	s3 =	sand.u32 $0x4000, s31;
	s1 =	sadd.s32 s1, s30  }
0xbc: {  	s0 =	sor.u32 s3, s0;
	s1 =	sshll.u32 s1, $0x11  }
0xbd: {  	s0 =	sor.u32 s1, s0  }
0xbe: {  	s0 =	sadd.s32 $0x8F2B, s0  }
0xbf: {  	[sflag:s0] =	ssyncadd.remote.s32 $0x1  }
0xc0: {  	_ =	sfence.sel $0xFFFF  }
0xc1: {  	[dreg:$0x0] =	wrdreg $0xFFFFFFFF;
	(pc) =	sbr.abs _section_cstart, $3  }
0xc2: {  	[dreg:$0x1] =	wrdreg $0xFFFFFFFF  }
0xc3: {  	_ =	task.clear_ibuf [dreg:s8], $0x2FFFF;
	_ =	strace $0x9FFFFFFF  }
0xc4: {  	(tm) =	ssettm $0x7FFFFFFF  }
0xc5: {  	_ =	shalt  }
tec
execute0_lowered:
.L_overlay_start_1:
0x0: {  	(tag) =	ssettag $0x1  }
0x1: {  	s4 =	rddreg [dreg:$0x0]  }
0x2: {  	s0 =	rddreg [dreg:$0x1]  }
0x3: {  	s5 =	rddreg [dreg:$0x2];
	s3 =	simm.s32 $0x0  }
0x4: {  	[smem:$0x7FF] =	sst s3;
	s0 =	sadd.s32 $0x400, s0  }
0x5: {  	s17 =	sadd.s32 $0x8000, s4;
	_ =	strace $0x80000047;
	[dreg:$0x4] =	wrdreg s0  }
0x6: {  	s18 =	sadd.s32 $0x10000, s4;
	[dreg:$0xf] =	wrdreg s17  }
0x7: {  	s19 =	sadd.s32 $0x18000, s4;
	[dreg:$0x10] =	wrdreg s18  }
0x8: {  	s20 =	sadd.s32 $0x10, s5;
	[dreg:$0x11] =	wrdreg s19  }
0x9: {  	s21 =	sadd.s32 $0x20, s5;
	[dreg:$0x12] =	wrdreg s20  }
0xa: {  	s22 =	sadd.s32 $0x30, s5;
	[dreg:$0x13] =	wrdreg s21  }
0xb: {  	s1 =	srdreg.scid;
	s23 =	sadd.s32 $0x40, s5;
	[dreg:$0x14] =	wrdreg s22  }
0xc: {  	s2 =	stileid.u32;
	s24 =	sadd.s32 $0x50, s5;
	[dreg:$0x15] =	wrdreg s23  }
0xd: {  	s1 =	sand.u32 $0x1, s1;
	s25 =	sadd.s32 $0x60, s5;
	[dreg:$0x16] =	wrdreg s24  }
0xe: {  	s2 =	sshll.u32 s2, $0x1;
	s31 =	sadd.s32 $0x70, s5;
	[dreg:$0x18] =	wrdreg s25  }
0xf: {  	s2 =	sor.u32 s1, s2;
	s1 =	ssub.s32 $0x2, s1;
	[dreg:$0x19] =	wrdreg s31  }
0x10: {  	s6 =	smul.u32 $0x82000, s2;
	s7 =	sshrl.u32 s1, $0x1;
	s8 =	sshll.u32 s2, $0x11  }
0x11: {  	s26 =	sshll.u32 s2, $0x14;
	s2 =	sshll.u32 s2, $0x3;
	s0 =	ssub.s32 s1, s7  }
0x12: {  	s1 =	sadd.s32 s4, s8;
	[dreg:$0x6] =	wrdreg s2;
	s3 =	sshrl.u32 s6, $0x3  }
0x13: {  	[dreg:$0x5] =	wrdreg s1;
	s0 =	smax.u32 s0, $0x1;
	s9 =	sadd.s32 s5, s3  }
0x14: {  	[dreg:$0x17] =	wrdreg s0;
	s10 =	sadd.s32 $0x1000, s9  }
0x15: {  	s11 =	sadd.s32 $0x1010, s9;
	[dreg:$0x7] =	wrdreg s10  }
0x16: {  	s30 =	simm.s32 $0x400;
	s12 =	sadd.s32 $0x1020, s9;
	[dreg:$0x8] =	wrdreg s11  }
0x17: {  	s28 =	simm.s32 $0x2000;
	s13 =	sadd.s32 $0x1030, s9;
	[dreg:$0x9] =	wrdreg s12  }
0x18: {  	s29 =	simm.s32 $0x3;
	s14 =	sadd.s32 $0x1040, s9;
	[dreg:$0xa] =	wrdreg s13  }
0x19: {  	s25 =	simm.s32 $0x2;
	s15 =	sadd.s32 $0x1050, s9;
	[dreg:$0xb] =	wrdreg s14  }
0x1a: {  	s2 =	simm.s32 $0x2080;
	s16 =	sadd.s32 $0x1060, s9;
	[dreg:$0xc] =	wrdreg s15  }
0x1b: {  	s8 =	simm.s32 $0x12080;
	s1 =	sadd.s32 $0x1070, s9;
	[dreg:$0xd] =	wrdreg s16  }
0x1c: {  	s0 =	simm.s32 $0x80;
	s3 =	simm.s32 $0x0;
	[dreg:$0xe] =	wrdreg s1  }
0x1d: {  	s14 =	simm.s32 $0x1;
	s15 =	simm.s32 $0xA080;
	s16 =	simm.s32 $0x4  }
.LBB2_1:
0x1e: {  	[dreg:$0x1a] =	wrdreg s3  }
0x1f: {  	s1 =	simm.s32 $0x0;
	s4 =	rddreg [dreg:$0x4];
	s5 =	simm.s32 $0x5  }
0x20: {  	[tilespmem:s1], [sflag:$0x5] =	stream.linear.gather [hbm4b:s4+s1], $0x2080, $0x38;
	[tilespmem:$0x1A080] =	vst v63  }
0x21: {  	_ =	swait.ge [sflag:s5], $0x2080  }
0x22: {  	[sflag:s5] =	ssyncset.done $0x0  }
0x23: {  	s6 =	rddreg [dreg:$0x5];
	[sflag:s5] =	ssyncadd.s32 $0xFFFFDF80  }
0x24: {  	[tilespmem:s2], [sflag:$0x1] =	stream.strided.gather [hbm4b:s6+s30], $0x8000, s28, s30, $0x38;
	[tilespmem:$0x1A080] =	vst v63  }
0x25: {  	s7 =	rddreg [dreg:$0x7]  }
0x26: {  	[hbm4b:s7+s0] =	stream.strided.scatter [tilespmem:s8], [sflag:$0x4], $0x1000, s30, s0, $0x38;
	[tilespmem:$0x1A080] =	vst v63  }
0x27: {  	s10 =	simm.s32 $0x13080;
	s9 =	rddreg [dreg:$0x8]  }
0x28: {  	[hbm4b:s9+s0] =	stream.strided.scatter [tilespmem:s10], [sflag:$0x4], $0x1000, s30, s0, $0x38;
	[tilespmem:$0x1A080] =	vst v63  }
0x29: {  	s12 =	simm.s32 $0x14080;
	s11 =	rddreg [dreg:$0x9]  }
0x2a: {  	[hbm4b:s11+s0] =	stream.strided.scatter [tilespmem:s12], [sflag:$0x4], $0x1000, s30, s0, $0x38;
	[tilespmem:$0x1A080] =	vst v63  }
0x2b: {  	s17 =	simm.s32 $0x15080;
	s13 =	rddreg [dreg:$0xa]  }
0x2c: {  	[hbm4b:s13+s0] =	stream.strided.scatter [tilespmem:s17], [sflag:$0x4], $0x1000, s30, s0, $0x38;
	[tilespmem:$0x1A080] =	vst v63  }
0x2d: {  	s19 =	simm.s32 $0x16080;
	s18 =	rddreg [dreg:$0xb]  }
0x2e: {  	[hbm4b:s18+s0] =	stream.strided.scatter [tilespmem:s19], [sflag:$0x4], $0x1000, s30, s0, $0x38;
	[tilespmem:$0x1A080] =	vst v63  }
0x2f: {  	s21 =	simm.s32 $0x17080;
	s20 =	rddreg [dreg:$0xc]  }
0x30: {  	[hbm4b:s20+s0] =	stream.strided.scatter [tilespmem:s21], [sflag:$0x4], $0x1000, s30, s0, $0x38;
	[tilespmem:$0x1A080] =	vst v63  }
0x31: {  	s23 =	simm.s32 $0x18080;
	s22 =	rddreg [dreg:$0xd]  }
0x32: {  	[hbm4b:s22+s0] =	stream.strided.scatter [tilespmem:s23], [sflag:$0x4], $0x1000, s30, s0, $0x38;
	[tilespmem:$0x1A080] =	vst v63  }
0x33: {  	s31 =	simm.s32 $0x19080;
	s1 =	simm.s32 $0x0;
	s24 =	rddreg [dreg:$0xe]  }
0x34: {  	[hbm4b:s24+s0] =	stream.strided.scatter [tilespmem:s31], [sflag:$0x4], $0x1000, s30, s0, $0x38;
	[tilespmem:$0x1A080] =	vst v63  }
.LBB2_2:
0x35: {  	s3 =	sshll.u32 s1, $0xA  }
0x36: {  	_ =	swait.ge [sflag:s14], $0x8000;
	s31 =	smov.u32 s26;
	s3 =	sadd.s32 s26, s3  }
0x37: {  	[sflag:s14] =	ssyncset.done $0x0;
	s22 =	rddreg [dreg:$0xf];
	s26 =	sshrl.u32 s3, $0x3  }
0x38: {  	[sflag:s14] =	ssyncadd.s32 $0xFFFF8000;
	s3 =	sadd.s32 s26, s22  }
0x39: {  	[tilespmem:s15], [sflag:$0x2] =	stream.strided.gather [hbm4b:s3+s30], $0x8000, s28, s30, $0x38;
	[tilespmem:$0x1A080] =	vst v63  }
0x3a: {  	_ =	swait.ge [sflag:s16], $0x1000  }
0x3b: {  	[sflag:s16] =	ssyncset.done $0x0  }
0x3c: {  	[sflag:s16] =	ssyncadd.s32 $0xFFFFF000  }
0x3d: {  	_ =	swait.ge [sflag:s16], $0x1000  }
0x3e: {  	[sflag:s16] =	ssyncset.done $0x0  }
0x3f: {  	[sflag:s16] =	ssyncadd.s32 $0xFFFFF000  }
0x40: {  	_ =	swait.ge [sflag:s16], $0x1000  }
0x41: {  	[sflag:s16] =	ssyncset.done $0x0  }
0x42: {  	[sflag:s16] =	ssyncadd.s32 $0xFFFFF000  }
0x43: {  	_ =	swait.ge [sflag:s16], $0x1000  }
0x44: {  	[sflag:s16] =	ssyncset.done $0x0  }
0x45: {  	[sflag:s16] =	ssyncadd.s32 $0xFFFFF000  }
0x46: {  	_ =	swait.ge [sflag:s16], $0x1000  }
0x47: {  	[sflag:s16] =	ssyncset.done $0x0  }
0x48: {  	[sflag:s16] =	ssyncadd.s32 $0xFFFFF000  }
0x49: {  	_ =	swait.ge [sflag:s16], $0x1000  }
0x4a: {  	[sflag:s16] =	ssyncset.done $0x0  }
0x4b: {  	[sflag:s16] =	ssyncadd.s32 $0xFFFFF000  }
0x4c: {  	_ =	swait.ge [sflag:s16], $0x1000  }
0x4d: {  	[sflag:s16] =	ssyncset.done $0x0  }
0x4e: {  	[sflag:s16] =	ssyncadd.s32 $0xFFFFF000  }
0x4f: {  	_ =	swait.ge [sflag:s16], $0x1000  }
0x50: {  	[sflag:s16] =	ssyncset.done $0x0  }
0x51: {  	s10 =	simm.s32 $0x0;
	[sflag:s16] =	ssyncadd.s32 $0xFFFFF000  }
0x52: {  	v0 =	vld [tilespmem:s10+$0x0];
	_ =	sdelay $0x4  }
0x53: {  	v1 =	vshll.u32 v0, $0x3  }
0x54: {  	v0 =	vand.u32 $0x7F, v0;
	v1 =	vand.u32 $0xFFFFFC00, v1  }
0x55: {  	s5 =	simm.s32 $0x10;
	v5 =	vor.u32 v0, v1  }
0x56: {  	v0 =	vld [tilespmem:s5+$0x0];
	_ =	sdelay $0x3  }
0x57: {  	v1 =	vld.idx.msk [tilespmem:v5+s2+$0x0], $0xffff  }
0x58: {  	v3 =	vor.u32 $0x80, v5;
	v2 =	vshll.u32 v0, $0x3  }
0x59: {  	v0 =	vand.u32 $0x7F, v0;
	v2 =	vand.u32 $0xFFFFFC00, v2  }
0x5a: {  	s28 =	simm.s32 $0x20;
	v2 =	vor.u32 v0, v2  }
0x5b: {  	v0 =	vld [tilespmem:s28+$0x0]  }
0x5c: {  	[tilespmem:s10+$0x12080] =	vst v1  }
0x5d: {  	v1 =	vld.idx.msk [tilespmem:v3+s2+$0x0], $0xffff  }
0x5e: {  	v3 =	vor.u32 $0x100, v5  }
0x5f: {  	v4 =	vld.idx.msk [tilespmem:v2+s2+$0x0], $0xffff  }
0x60: {  	v7 =	vor.u32 $0x80, v2;
	v6 =	vshll.u32 v0, $0x3  }
0x61: {  	s4 =	simm.s32 $0x30;
	v0 =	vand.u32 $0x7F, v0;
	v6 =	vand.u32 $0xFFFFFC00, v6  }
0x62: {  	v8 =	vld [tilespmem:s4+$0x0];
	v0 =	vor.u32 v0, v6;
	[tilespmem:s10+$0x13080] =	vst v1  }
0x63: {  	v1 =	vld.idx.msk [tilespmem:v3+s2+$0x0], $0xffff  }
0x64: {  	[tilespmem:s5+$0x12080] =	vst v4;
	v3 =	vor.u32 $0x180, v5  }
0x65: {  	v4 =	vld.idx.msk [tilespmem:v7+s2+$0x0], $0xffff  }
0x66: {  	v6 =	vor.u32 $0x100, v2  }
0x67: {  	v9 =	vshll.u32 v8, $0x3;
	v7 =	vld.idx.msk [tilespmem:v0+s2+$0x0], $0xffff  }
0x68: {  	v10 =	vor.u32 $0x80, v0;
	[tilespmem:s10+$0x14080] =	vst v1;
	v1 =	vand.u32 $0x7F, v8;
	v8 =	vand.u32 $0xFFFFFC00, v9  }
0x69: {  	s7 =	simm.s32 $0x40;
	v3 =	vld.idx.msk [tilespmem:v3+s2+$0x0], $0xffff;
	v1 =	vor.u32 v1, v8  }
0x6a: {  	v8 =	vld [tilespmem:s7+$0x0];
	[tilespmem:s5+$0x13080] =	vst v4;
	v4 =	vor.u32 $0x200, v5  }
0x6b: {  	v6 =	vld.idx.msk [tilespmem:v6+s2+$0x0], $0xffff  }
0x6c: {  	[tilespmem:s28+$0x12080] =	vst v7;
	v7 =	vor.u32 $0x180, v2  }
0x6d: {  	v9 =	vld.idx.msk [tilespmem:v10+s2+$0x0], $0xffff  }
0x6e: {  	v11 =	vor.u32 $0x100, v0;
	v10 =	vld.idx.msk [tilespmem:v1+s2+$0x0], $0xffff;
	[tilespmem:s10+$0x15080] =	vst v3  }
0x6f: {  	v12 =	vor.u32 $0x80, v1;
	v4 =	vld.idx.msk [tilespmem:v4+s2+$0x0], $0xffff  }
0x70: {  	v3 =	vshll.u32 v8, $0x3;
	[tilespmem:s5+$0x14080] =	vst v6;
	v6 =	vand.u32 $0x7F, v8;
	v8 =	vor.u32 $0x280, v5  }
0x71: {  	s9 =	simm.s32 $0x50;
	v3 =	vand.u32 $0xFFFFFC00, v3;
	v7 =	vld.idx.msk [tilespmem:v7+s2+$0x0], $0xffff  }
0x72: {  	v3 =	vor.u32 v6, v3;
	v6 =	vld [tilespmem:s9+$0x0];
	[tilespmem:s28+$0x13080] =	vst v9  }
0x73: {  	v11 =	vld.idx.msk [tilespmem:v11+s2+$0x0], $0xffff;
	[tilespmem:s4+$0x12080] =	vst v10  }
0x74: {  	v10 =	vld.idx.msk [tilespmem:v12+s2+$0x0], $0xffff;
	[tilespmem:s10+$0x16080] =	vst v4  }
0x75: {  	v9 =	vor.u32 $0x200, v2;
	v8 =	vld.idx.msk [tilespmem:v8+s2+$0x0], $0xffff;
	_ =	sdelay $0x1  }
0x76: {  	v12 =	vor.u32 $0x180, v0;
	[tilespmem:s5+$0x15080] =	vst v7  }
0x77: {  	v13 =	vor.u32 $0x100, v1;
	[tilespmem:s28+$0x14080] =	vst v11  }
0x78: {  	v14 =	vld.idx.msk [tilespmem:v3+s2+$0x0], $0xffff;
	v7 =	vor.u32 $0x300, v5;
	[tilespmem:s4+$0x13080] =	vst v10  }
0x79: {  	s11 =	simm.s32 $0x60;
	v15 =	vor.u32 $0x80, v3;
	v4 =	vshll.u32 v6, $0x3;
	v9 =	vld.idx.msk [tilespmem:v9+s2+$0x0], $0xffff;
	[tilespmem:s10+$0x17080] =	vst v8  }
0x7a: {  	v16 =	vld [tilespmem:s11+$0x0];
	v6 =	vand.u32 $0x7F, v6;
	v4 =	vand.u32 $0xFFFFFC00, v4;
	v11 =	vor.u32 $0x280, v2;
	s23 =	rddreg [dreg:$0x6]  }
0x7b: {  	v4 =	vor.u32 v6, v4;
	v12 =	vld.idx.msk [tilespmem:v12+s2+$0x0], $0xffff;
	s3 =	sadd.s32 s23, s1  }
0x7c: {  	v6 =	vor.u32 $0x200, v0;
	v13 =	vld.idx.msk [tilespmem:v13+s2+$0x0], $0xffff;
	s3 =	smul.u32 $0x10400, s3  }
0x7d: {  	[tilespmem:s7+$0x12080] =	vst v14;
	v8 =	vld.idx.msk [tilespmem:v7+s2+$0x0], $0xffff  }
0x7e: {  	s24 =	rddreg [dreg:$0x2];
	[tilespmem:s5+$0x16080] =	vst v9;
	v17 =	vld.idx.msk [tilespmem:v15+s2+$0x0], $0xffff;
	v15 =	vor.u32 $0x180, v1;
	s23 =	sshrl.u32 s3, $0x3  }
0x7f: {  	v18 =	vld.idx.msk [tilespmem:v11+s2+$0x0], $0xffff;
	s24 =	sadd.s32 s24, s23  }
0x80: {  	v5 =	vor.u32 $0x380, v5;
	v10 =	vld.idx.msk [tilespmem:v4+s2+$0x0], $0xffff;
	[tilespmem:s28+$0x15080] =	vst v12;
	s3 =	sadd.s32 $0x1000, s24  }
0x81: {  	s12 =	simm.s32 $0x70;
	v19 =	vor.u32 $0x100, v3;
	v6 =	vld.idx.msk [tilespmem:v6+s2+$0x0], $0xffff;
	[dreg:$0x1b] =	wrdreg s3  }
0x82: {  	v7 =	vor.u32 $0x300, v2;
	v14 =	vld [tilespmem:s12+$0x0];
	[tilespmem:s4+$0x14080] =	vst v13  }
0x83: {  	s8 =	simm.s32 $0x2000;
	v11 =	vshll.u32 v16, $0x3;
	v9 =	vld.idx.msk [tilespmem:v15+s2+$0x0], $0xffff;
	v15 =	vor.u32 $0x80, v4  }
0x84: {  	s13 =	simm.s32 $0x200;
	v12 =	vand.u32 $0x7F, v16;
	s17 =	sadd.s32 $0x1020, s24;
	[tilespmem:s10+$0x18080] =	vst v8;
	v13 =	vand.u32 $0xFFFFFC00, v11;
	v11 =	vor.u32 $0x280, v0  }
0x85: {  	s18 =	sadd.s32 $0x1030, s24;
	s19 =	sadd.s32 $0x1040, s24;
	s20 =	sadd.s32 $0x1050, s24;
	[tilespmem:s7+$0x13080] =	vst v17;
	v8 =	vld.idx.msk [tilespmem:v5+s2+$0x0], $0xffff;
	v5 =	vor.u32 v12, v13  }
0x86: {  	s21 =	sadd.s32 $0x1060, s24;
	s22 =	sadd.s32 $0x1070, s24;
	s3 =	sadd.s32 $0x1010, s24;
	[tilespmem:s5+$0x17080] =	vst v18;
	v13 =	vld.idx.msk [tilespmem:v19+s2+$0x0], $0xffff;
	v12 =	vor.u32 $0x200, v1  }
.LBB2_3:
0x87: {  	p0 =	sne.s32 s13, $0x800;
	[tilespmem:s9+$0x12080] =	vst v10;
	v16 =	vld.idx.msk [tilespmem:v7+s2+$0x0], $0xffff  }
0x88: {  	v18 =	vor.u32 $0x180, v3;
	v17 =	vld.idx.msk [tilespmem:v15+s2+$0x0], $0xffff;
	[tilespmem:s28+$0x16080] =	vst v6;
	v19 =	vmov v14  }
0x89: {  	v21 =	vor.u32 $0x380, v2;
	v2 =	vmovc v0;
	v0 =	vmovc v1;
	v1 =	vmov v3;
	v3 =	vmov v4;
	v20 =	vld.idx.msk [tilespmem:v11+s2+$0x0], $0xffff  }
0x8a: {  	v4 =	vmov v5;
	v22 =	vor.u32 $0x100, v3;
	v10 =	vld.idx.msk [tilespmem:v5+s2+$0x0], $0xffff;
	[tilespmem:s4+$0x15080] =	vst v9  }
.Ltmp0:
0x8b: {  	s6 =	sshra.s32 s13, $0x2;
	v7 =	vor.u32 $0x300, v2;
	v6 =	vld.idx.msk [tilespmem:v12+s2+$0x0], $0xffff;
	[tilespmem:s10+$0x19080] =	vst v8;
	s10 =	smov.u32 s5;
	(pc) =	sbr.rel @p0 .LBB2_3-.Ltmp0, $4  }
0x8c: {  	v15 =	vor.u32 $0x80, v4;
	v5 =	vshll.u32 v19, $0x3;
	s5 =	smov.u32 s28;
	s28 =	smov.u32 s4;
	s4 =	smov.u32 s7;
	v14 =	vld [tilespmem:s6+$0x0];
	[tilespmem:s7+$0x14080] =	vst v13  }
0x8d: {  	v11 =	vor.u32 $0x280, v0;
	v8 =	vand.u32 $0x7F, v19;
	v5 =	vand.u32 $0xFFFFFC00, v5;
	s7 =	smov.u32 s9;
	s9 =	smov.u32 s11;
	s11 =	smov.u32 s12;
	v9 =	vld.idx.msk [tilespmem:v18+s2+$0x0], $0xffff;
	[tilespmem:s10+$0x18080] =	vst v16  }
0x8e: {  	v5 =	vor.u32 v8, v5;
	s12 =	smov.u32 s6;
	[tilespmem:s7+$0x13080] =	vst v17;
	v8 =	vld.idx.msk [tilespmem:v21+s2+$0x0], $0xffff  }
0x8f: {  	s13 =	sadd.s32 $0x40, s13;
	v12 =	vor.u32 $0x200, v1;
	v13 =	vld.idx.msk [tilespmem:v22+s2+$0x0], $0xffff;
	[tilespmem:s5+$0x17080] =	vst v20  }
0x90: {  	_ = 	snop  }
0x91: {  	v16 =	vshll.u32 v14, $0x3  }
0x92: {  	v14 =	vand.u32 $0x7F, v14;
	v16 =	vand.u32 $0xFFFFFC00, v16  }
0x93: {  	v14 =	vor.u32 v14, v16;
	_ =	sdelay $0x2  }
0x94: {  	v16 =	vld.idx.msk [tilespmem:v5+s2+$0x0], $0xffff  }
0x95: {  	v17 =	vor.u32 $0x80, v5  }
0x96: {  	v18 =	vld.idx.msk [tilespmem:v14+s2+$0x0], $0xffff  }
0x97: {  	[tilespmem:s9+$0x12080] =	vst v10;
	v19 =	vor.u32 $0x80, v14  }
0x98: {  	v10 =	vld.idx.msk [tilespmem:v15+s2+$0x0], $0xffff  }
0x99: {  	v15 =	vor.u32 $0x100, v4;
	[tilespmem:s11+$0x12080] =	vst v16  }
0x9a: {  	v16 =	vld.idx.msk [tilespmem:v17+s2+$0x0], $0xffff  }
0x9b: {  	v17 =	vor.u32 $0x100, v5;
	[tilespmem:s12+$0x12080] =	vst v18  }
0x9c: {  	v18 =	vld.idx.msk [tilespmem:v19+s2+$0x0], $0xffff  }
0x9d: {  	v62 =	vor.u32 $0x100, v14;
	[tilespmem:s9+$0x13080] =	vst v10  }
0x9e: {  	v15 =	vld.idx.msk [tilespmem:v15+s2+$0x0], $0xffff  }
0x9f: {  	[tilespmem:s11+$0x13080] =	vst v16;
	v16 =	vor.u32 $0x180, v4  }
0xa0: {  	[tilespmem:s28+$0x16080] =	vst v6;
	v10 =	vor.u32 $0x180, v3;
	v17 =	vld.idx.msk [tilespmem:v17+s2+$0x0], $0xffff  }
0xa1: {  	v6 =	vor.u32 $0x180, v5;
	[tilespmem:s12+$0x13080] =	vst v18  }
0xa2: {  	[tilespmem:s4+$0x15080] =	vst v9;
	v18 =	vld.idx.msk [tilespmem:v62+s2+$0x0], $0xffff  }
0xa3: {  	v7 =	vld.idx.msk [tilespmem:v7+s2+$0x0], $0xffff;
	v9 =	vor.u32 $0x180, v14;
	[tilespmem:s9+$0x14080] =	vst v15  }
0xa4: {  	[tilespmem:s7+$0x14080] =	vst v13;
	v15 =	vld.idx.msk [tilespmem:v16+s2+$0x0], $0xffff  }
0xa5: {  	v10 =	vld.idx.msk [tilespmem:v10+s2+$0x0], $0xffff;
	v16 =	vor.u32 $0x200, v4;
	[tilespmem:s11+$0x14080] =	vst v17  }
0xa6: {  	[tilespmem:s10+$0x19080] =	vst v8;
	v13 =	vor.u32 $0x200, v3;
	v6 =	vld.idx.msk [tilespmem:v6+s2+$0x0], $0xffff  }
0xa7: {  	v11 =	vld.idx.msk [tilespmem:v11+s2+$0x0], $0xffff;
	v8 =	vor.u32 $0x200, v5;
	[tilespmem:s12+$0x14080] =	vst v18  }
0xa8: {  	v2 =	vor.u32 $0x380, v2;
	[tilespmem:s5+$0x18080] =	vst v7;
	v9 =	vld.idx.msk [tilespmem:v9+s2+$0x0], $0xffff  }
0xa9: {  	v12 =	vld.idx.msk [tilespmem:v12+s2+$0x0], $0xffff;
	v7 =	vor.u32 $0x200, v14;
	[tilespmem:s9+$0x15080] =	vst v15  }
0xaa: {  	[tilespmem:s7+$0x15080] =	vst v10;
	v10 =	vor.u32 $0x280, v1;
	v16 =	vld.idx.msk [tilespmem:v16+s2+$0x0], $0xffff  }
0xab: {  	v13 =	vld.idx.msk [tilespmem:v13+s2+$0x0], $0xffff;
	[tilespmem:s11+$0x15080] =	vst v6;
	v6 =	vor.u32 $0x280, v4  }
0xac: {  	[tilespmem:s28+$0x17080] =	vst v11;
	v8 =	vld.idx.msk [tilespmem:v8+s2+$0x0], $0xffff  }
0xad: {  	v2 =	vld.idx.msk [tilespmem:v2+s2+$0x0], $0xffff;
	v15 =	vor.u32 $0x280, v3;
	[tilespmem:s12+$0x15080] =	vst v9  }
0xae: {  	[tilespmem:s4+$0x16080] =	vst v12;
	v9 =	vor.u32 $0x280, v5;
	v7 =	vld.idx.msk [tilespmem:v7+s2+$0x0], $0xffff  }
0xaf: {  	v11 =	vor.u32 $0x280, v14;
	v10 =	vld.idx.msk [tilespmem:v10+s2+$0x0], $0xffff;
	[tilespmem:s9+$0x16080] =	vst v16  }
0xb0: {  	v12 =	vor.u32 $0x300, v0;
	[tilespmem:s7+$0x16080] =	vst v13;
	v6 =	vld.idx.msk [tilespmem:v6+s2+$0x0], $0xffff  }
0xb1: {  	[tilespmem:s11+$0x16080] =	vst v8;
	v8 =	vor.u32 $0x300, v4  }
0xb2: {  	[tilespmem:s5+$0x19080] =	vst v2;
	v13 =	vor.u32 $0x300, v1;
	v15 =	vld.idx.msk [tilespmem:v15+s2+$0x0], $0xffff  }
0xb3: {  	v16 =	vor.u32 $0x300, v3;
	v9 =	vld.idx.msk [tilespmem:v9+s2+$0x0], $0xffff;
	[tilespmem:s12+$0x16080] =	vst v7  }
0xb4: {  	v2 =	vor.u32 $0x300, v5;
	[tilespmem:s4+$0x17080] =	vst v10;
	v7 =	vld.idx.msk [tilespmem:v11+s2+$0x0], $0xffff  }
0xb5: {  	v10 =	vor.u32 $0x300, v14;
	[tilespmem:s9+$0x17080] =	vst v6;
	v11 =	vld.idx.msk [tilespmem:v12+s2+$0x0], $0xffff  }
0xb6: {  	v0 =	vor.u32 $0x380, v0;
	v6 =	vld.idx.msk [tilespmem:v8+s2+$0x0], $0xffff  }
0xb7: {  	v4 =	vor.u32 $0x380, v4;
	[tilespmem:s7+$0x17080] =	vst v15;
	v12 =	vld.idx.msk [tilespmem:v13+s2+$0x0], $0xffff  }
0xb8: {  	v1 =	vor.u32 $0x380, v1;
	v13 =	vld.idx.msk [tilespmem:v16+s2+$0x0], $0xffff;
	[tilespmem:s11+$0x17080] =	vst v9  }
0xb9: {  	v3 =	vor.u32 $0x380, v3;
	v2 =	vld.idx.msk [tilespmem:v2+s2+$0x0], $0xffff;
	[tilespmem:s12+$0x17080] =	vst v7  }
0xba: {  	v5 =	vor.u32 $0x380, v5;
	[tilespmem:s28+$0x18080] =	vst v11;
	v7 =	vld.idx.msk [tilespmem:v10+s2+$0x0], $0xffff  }
0xbb: {  	v8 =	vor.u32 $0x380, v14;
	[tilespmem:s9+$0x18080] =	vst v6;
	v0 =	vld.idx.msk [tilespmem:v0+s2+$0x0], $0xffff  }
0xbc: {  	[tilespmem:s4+$0x18080] =	vst v12;
	v4 =	vld.idx.msk [tilespmem:v4+s2+$0x0], $0xffff  }
0xbd: {  	[tilespmem:s7+$0x18080] =	vst v13;
	v1 =	vld.idx.msk [tilespmem:v1+s2+$0x0], $0xffff  }
0xbe: {  	v3 =	vld.idx.msk [tilespmem:v3+s2+$0x0], $0xffff;
	[tilespmem:s11+$0x18080] =	vst v2  }
0xbf: {  	v2 =	vld.idx.msk [tilespmem:v5+s2+$0x0], $0xffff;
	[tilespmem:s12+$0x18080] =	vst v7  }
0xc0: {  	[tilespmem:s28+$0x19080] =	vst v0;
	v0 =	vld.idx.msk [tilespmem:v8+s2+$0x0], $0xffff  }
0xc1: {  	[tilespmem:s9+$0x19080] =	vst v4  }
0xc2: {  	[tilespmem:s4+$0x19080] =	vst v1  }
0xc3: {  	[tilespmem:s7+$0x19080] =	vst v3  }
0xc4: {  	[tilespmem:s11+$0x19080] =	vst v2  }
0xc5: {  	[tilespmem:s12+$0x19080] =	vst v0  }
0xc6: {  	_ =	swait.ge [sflag:s25], $0x8000  }
0xc7: {  	[sflag:s25] =	ssyncset.done $0x0;
	s13 =	rddreg [dreg:$0x10]  }
0xc8: {  	s10 =	simm.s32 $0x210;
	[sflag:s25] =	ssyncadd.s32 $0xFFFF8000;
	s4 =	sadd.s32 s26, s13  }
0xc9: {  	[tilespmem:s2], [sflag:$0x1] =	stream.strided.gather [hbm4b:s4+s30], $0x8000, s8, s30, $0x38;
	[tilespmem:$0x1A080] =	vst v63  }
0xca: {  	v0 =	vld [tilespmem:s10+$0x0];
	_ =	sdelay $0x4  }
0xcb: {  	v1 =	vshll.u32 v0, $0x3  }
0xcc: {  	v0 =	vand.u32 $0x7F, v0;
	v1 =	vand.u32 $0xFFFFFC00, v1  }
0xcd: {  	s5 =	simm.s32 $0x220;
	v5 =	vor.u32 v0, v1  }
0xce: {  	v0 =	vld [tilespmem:s5+$0x0];
	_ =	sdelay $0x3  }
0xcf: {  	v1 =	vld.idx.msk [tilespmem:v5+s15+$0x0], $0xffff  }
0xd0: {  	v3 =	vor.u32 $0x80, v5;
	v2 =	vshll.u32 v0, $0x3  }
0xd1: {  	v0 =	vand.u32 $0x7F, v0;
	v2 =	vand.u32 $0xFFFFFC00, v2  }
0xd2: {  	s4 =	simm.s32 $0x230;
	v2 =	vor.u32 v0, v2  }
0xd3: {  	v0 =	vld [tilespmem:s4+$0x0]  }
0xd4: {  	[tilespmem:s10+$0x12080] =	vst v1  }
0xd5: {  	v1 =	vld.idx.msk [tilespmem:v3+s15+$0x0], $0xffff  }
0xd6: {  	v3 =	vor.u32 $0x100, v5  }
0xd7: {  	v4 =	vld.idx.msk [tilespmem:v2+s15+$0x0], $0xffff  }
0xd8: {  	v7 =	vor.u32 $0x80, v2;
	v6 =	vshll.u32 v0, $0x3  }
0xd9: {  	s28 =	simm.s32 $0x240;
	v0 =	vand.u32 $0x7F, v0;
	v6 =	vand.u32 $0xFFFFFC00, v6  }
0xda: {  	v8 =	vld [tilespmem:s28+$0x0];
	v0 =	vor.u32 v0, v6;
	[tilespmem:s10+$0x13080] =	vst v1  }
0xdb: {  	v1 =	vld.idx.msk [tilespmem:v3+s15+$0x0], $0xffff  }
0xdc: {  	[tilespmem:s5+$0x12080] =	vst v4;
	v3 =	vor.u32 $0x180, v5  }
0xdd: {  	v4 =	vld.idx.msk [tilespmem:v7+s15+$0x0], $0xffff  }
0xde: {  	v6 =	vor.u32 $0x100, v2  }
0xdf: {  	v9 =	vshll.u32 v8, $0x3;
	v7 =	vld.idx.msk [tilespmem:v0+s15+$0x0], $0xffff  }
0xe0: {  	v10 =	vor.u32 $0x80, v0;
	[tilespmem:s10+$0x14080] =	vst v1;
	v1 =	vand.u32 $0x7F, v8;
	v8 =	vand.u32 $0xFFFFFC00, v9  }
0xe1: {  	s7 =	simm.s32 $0x250;
	v3 =	vld.idx.msk [tilespmem:v3+s15+$0x0], $0xffff;
	v1 =	vor.u32 v1, v8  }
0xe2: {  	v8 =	vld [tilespmem:s7+$0x0];
	[tilespmem:s5+$0x13080] =	vst v4  }
0xe3: {  	v4 =	vor.u32 $0x200, v5;
	v6 =	vld.idx.msk [tilespmem:v6+s15+$0x0], $0xffff  }
0xe4: {  	[tilespmem:s4+$0x12080] =	vst v7;
	v7 =	vor.u32 $0x180, v2  }
0xe5: {  	v9 =	vld.idx.msk [tilespmem:v10+s15+$0x0], $0xffff  }
0xe6: {  	v11 =	vor.u32 $0x100, v0;
	v10 =	vld.idx.msk [tilespmem:v1+s15+$0x0], $0xffff  }
0xe7: {  	v12 =	vor.u32 $0x80, v1;
	[tilespmem:s10+$0x15080] =	vst v3;
	v3 =	vshll.u32 v8, $0x3  }
0xe8: {  	v4 =	vld.idx.msk [tilespmem:v4+s15+$0x0], $0xffff;
	[tilespmem:s5+$0x14080] =	vst v6;
	v6 =	vand.u32 $0x7F, v8;
	v3 =	vand.u32 $0xFFFFFC00, v3  }
0xe9: {  	s9 =	simm.s32 $0x260;
	v7 =	vld.idx.msk [tilespmem:v7+s15+$0x0], $0xffff;
	v3 =	vor.u32 v6, v3  }
0xea: {  	v8 =	vor.u32 $0x280, v5;
	v6 =	vld [tilespmem:s9+$0x0];
	[tilespmem:s4+$0x13080] =	vst v9  }
0xeb: {  	v9 =	vor.u32 $0x200, v2;
	v11 =	vld.idx.msk [tilespmem:v11+s15+$0x0], $0xffff;
	[tilespmem:s28+$0x12080] =	vst v10  }
0xec: {  	s11 =	simm.s32 $0x270;
	v10 =	vld.idx.msk [tilespmem:v12+s15+$0x0], $0xffff;
	v12 =	vor.u32 $0x180, v0  }
0xed: {  	v16 =	vld [tilespmem:s11+$0x0];
	v13 =	vor.u32 $0x100, v1  }
0xee: {  	[tilespmem:s10+$0x16080] =	vst v4;
	v14 =	vld.idx.msk [tilespmem:v3+s15+$0x0], $0xffff  }
0xef: {  	v15 =	vor.u32 $0x80, v3;
	v8 =	vld.idx.msk [tilespmem:v8+s15+$0x0], $0xffff;
	[tilespmem:s5+$0x15080] =	vst v7  }
0xf0: {  	v7 =	vor.u32 $0x300, v5;
	v4 =	vshll.u32 v6, $0x3;
	v9 =	vld.idx.msk [tilespmem:v9+s15+$0x0], $0xffff;
	[tilespmem:s4+$0x14080] =	vst v11  }
0xf1: {  	v6 =	vand.u32 $0x7F, v6;
	v4 =	vand.u32 $0xFFFFFC00, v4;
	v11 =	vor.u32 $0x280, v2;
	v17 =	vld.idx.msk [tilespmem:v12+s15+$0x0], $0xffff;
	[tilespmem:s28+$0x13080] =	vst v10  }
0xf2: {  	s12 =	simm.s32 $0x280;
	v4 =	vor.u32 v6, v4;
	v10 =	vld.idx.msk [tilespmem:v13+s15+$0x0], $0xffff  }
0xf3: {  	v6 =	vor.u32 $0x200, v0;
	[tilespmem:s7+$0x12080] =	vst v14;
	v14 =	vld [tilespmem:s12+$0x0]  }
0xf4: {  	[tilespmem:s10+$0x17080] =	vst v8;
	v13 =	vld.idx.msk [tilespmem:v15+s15+$0x0], $0xffff;
	v15 =	vor.u32 $0x180, v1  }
0xf5: {  	v7 =	vld.idx.msk [tilespmem:v7+s15+$0x0], $0xffff;
	[tilespmem:s5+$0x16080] =	vst v9  }
0xf6: {  	v5 =	vor.u32 $0x380, v5;
	v63 =	vld.idx.msk [tilespmem:v11+s15+$0x0], $0xffff  }
0xf7: {  	v12 =	vld.idx.msk [tilespmem:v4+s15+$0x0], $0xffff;
	v11 =	vor.u32 $0x100, v3;
	[tilespmem:s4+$0x15080] =	vst v17  }
0xf8: {  	v8 =	vor.u32 $0x300, v2;
	v6 =	vld.idx.msk [tilespmem:v6+s15+$0x0], $0xffff;
	[tilespmem:s28+$0x14080] =	vst v10  }
0xf9: {  	v10 =	vshll.u32 v16, $0x3;
	v9 =	vld.idx.msk [tilespmem:v15+s15+$0x0], $0xffff;
	v15 =	vor.u32 $0x80, v4  }
0xfa: {  	v16 =	vand.u32 $0x7F, v16;
	[tilespmem:s10+$0x18080] =	vst v7;
	v17 =	vand.u32 $0xFFFFFC00, v10;
	v10 =	vor.u32 $0x280, v0  }
0xfb: {  	[tilespmem:s7+$0x13080] =	vst v13;
	v7 =	vld.idx.msk [tilespmem:v5+s15+$0x0], $0xffff;
	v5 =	vor.u32 v16, v17  }
0xfc: {  	s13 =	simm.s32 $0xA40;
	v13 =	vld.idx.msk [tilespmem:v11+s15+$0x0], $0xffff;
	v11 =	vor.u32 $0x200, v1;
	[tilespmem:s5+$0x17080] =	vst v63  }
.LBB2_5:
0xfd: {  	p0 =	sne.s32 s13, $0x2040;
	[tilespmem:s9+$0x12080] =	vst v12;
	v16 =	vld.idx.msk [tilespmem:v8+s15+$0x0], $0xffff  }
0xfe: {  	v18 =	vor.u32 $0x180, v3;
	v17 =	vld.idx.msk [tilespmem:v15+s15+$0x0], $0xffff;
	[tilespmem:s4+$0x16080] =	vst v6;
	v19 =	vmov v14  }
0xff: {  	v21 =	vor.u32 $0x380, v2;
	v2 =	vmovc v0;
	v0 =	vmovc v1;
	v1 =	vmov v3;
	v3 =	vmov v4;
	v20 =	vld.idx.msk [tilespmem:v10+s15+$0x0], $0xffff  }
0x100: {  	v4 =	vmov v5;
	v22 =	vor.u32 $0x100, v3;
	v12 =	vld.idx.msk [tilespmem:v5+s15+$0x0], $0xffff;
	[tilespmem:s28+$0x15080] =	vst v9  }
.Ltmp1:
0x101: {  	s6 =	sshra.s32 s13, $0x2;
	v8 =	vor.u32 $0x300, v2;
	v6 =	vld.idx.msk [tilespmem:v11+s15+$0x0], $0xffff;
	[tilespmem:s10+$0x19080] =	vst v7;
	s10 =	smov.u32 s5;
	(pc) =	sbr.rel @p0 .LBB2_5-.Ltmp1, $4  }
0x102: {  	v15 =	vor.u32 $0x80, v4;
	v5 =	vshll.u32 v19, $0x3;
	s5 =	smov.u32 s4;
	s4 =	smov.u32 s28;
	s28 =	smov.u32 s7;
	v14 =	vld [tilespmem:s6+$0x0];
	[tilespmem:s7+$0x14080] =	vst v13  }
0x103: {  	v10 =	vor.u32 $0x280, v0;
	v7 =	vand.u32 $0x7F, v19;
	v5 =	vand.u32 $0xFFFFFC00, v5;
	s7 =	smov.u32 s9;
	s9 =	smov.u32 s11;
	s11 =	smov.u32 s12;
	v9 =	vld.idx.msk [tilespmem:v18+s15+$0x0], $0xffff;
	[tilespmem:s10+$0x18080] =	vst v16  }
0x104: {  	v5 =	vor.u32 v7, v5;
	s12 =	smov.u32 s6;
	[tilespmem:s7+$0x13080] =	vst v17;
	v7 =	vld.idx.msk [tilespmem:v21+s15+$0x0], $0xffff  }
0x105: {  	s13 =	sadd.s32 $0x40, s13;
	v11 =	vor.u32 $0x200, v1;
	v13 =	vld.idx.msk [tilespmem:v22+s15+$0x0], $0xffff;
	[tilespmem:s5+$0x17080] =	vst v20  }
0x106: {  	_ = 	snop  }
0x107: {  	v16 =	vshll.u32 v14, $0x3  }
0x108: {  	v14 =	vand.u32 $0x7F, v14;
	v16 =	vand.u32 $0xFFFFFC00, v16  }
0x109: {  	v14 =	vor.u32 v14, v16;
	_ =	sdelay $0x3  }
0x10a: {  	v16 =	vld.idx.msk [tilespmem:v5+s15+$0x0], $0xffff  }
0x10b: {  	v17 =	vor.u32 $0x80, v5;
	v18 =	vld.idx.msk [tilespmem:v14+s15+$0x0], $0xffff  }
0x10c: {  	v19 =	vor.u32 $0x80, v14;
	_ =	sdelay $0x1  }
0x10d: {  	[tilespmem:s9+$0x12080] =	vst v12  }
0x10e: {  	v12 =	vld.idx.msk [tilespmem:v15+s15+$0x0], $0xffff;
	[tilespmem:s11+$0x12080] =	vst v16  }
0x10f: {  	v15 =	vor.u32 $0x100, v4;
	v16 =	vld.idx.msk [tilespmem:v17+s15+$0x0], $0xffff;
	[tilespmem:s12+$0x12080] =	vst v18  }
0x110: {  	v17 =	vor.u32 $0x100, v5;
	v18 =	vld.idx.msk [tilespmem:v19+s15+$0x0], $0xffff  }
0x111: {  	v62 =	vor.u32 $0x100, v14;
	_ =	sdelay $0x1  }
0x112: {  	[tilespmem:s9+$0x13080] =	vst v12  }
0x113: {  	v12 =	vor.u32 $0x180, v3;
	v15 =	vld.idx.msk [tilespmem:v15+s15+$0x0], $0xffff;
	[tilespmem:s11+$0x13080] =	vst v16  }
0x114: {  	v16 =	vor.u32 $0x180, v4;
	v17 =	vld.idx.msk [tilespmem:v17+s15+$0x0], $0xffff;
	[tilespmem:s12+$0x13080] =	vst v18  }
0x115: {  	[tilespmem:s4+$0x16080] =	vst v6;
	v6 =	vor.u32 $0x180, v5;
	v18 =	vld.idx.msk [tilespmem:v62+s15+$0x0], $0xffff  }
0x116: {  	[tilespmem:s28+$0x15080] =	vst v9;
	v9 =	vor.u32 $0x180, v14  }
0x117: {  	v8 =	vld.idx.msk [tilespmem:v8+s15+$0x0], $0xffff;
	[tilespmem:s7+$0x14080] =	vst v13  }
0x118: {  	v12 =	vld.idx.msk [tilespmem:v12+s15+$0x0], $0xffff;
	[tilespmem:s9+$0x14080] =	vst v15  }
0x119: {  	v13 =	vor.u32 $0x200, v3;
	v15 =	vld.idx.msk [tilespmem:v16+s15+$0x0], $0xffff;
	[tilespmem:s11+$0x14080] =	vst v17  }
0x11a: {  	v16 =	vor.u32 $0x200, v4;
	v6 =	vld.idx.msk [tilespmem:v6+s15+$0x0], $0xffff;
	[tilespmem:s12+$0x14080] =	vst v18  }
0x11b: {  	[tilespmem:s10+$0x19080] =	vst v7;
	v7 =	vor.u32 $0x200, v5;
	v9 =	vld.idx.msk [tilespmem:v9+s15+$0x0], $0xffff  }
0x11c: {  	v10 =	vld.idx.msk [tilespmem:v10+s15+$0x0], $0xffff;
	[tilespmem:s5+$0x18080] =	vst v8;
	v8 =	vor.u32 $0x200, v14  }
0x11d: {  	v2 =	vor.u32 $0x380, v2;
	v11 =	vld.idx.msk [tilespmem:v11+s15+$0x0], $0xffff;
	[tilespmem:s7+$0x15080] =	vst v12  }
0x11e: {  	v12 =	vor.u32 $0x280, v1;
	v13 =	vld.idx.msk [tilespmem:v13+s15+$0x0], $0xffff;
	[tilespmem:s9+$0x15080] =	vst v15  }
0x11f: {  	v15 =	vor.u32 $0x280, v3;
	v16 =	vld.idx.msk [tilespmem:v16+s15+$0x0], $0xffff;
	[tilespmem:s11+$0x15080] =	vst v6  }
0x120: {  	v6 =	vor.u32 $0x280, v4;
	v7 =	vld.idx.msk [tilespmem:v7+s15+$0x0], $0xffff;
	[tilespmem:s12+$0x15080] =	vst v9  }
0x121: {  	[tilespmem:s4+$0x17080] =	vst v10;
	v9 =	vor.u32 $0x280, v5;
	v8 =	vld.idx.msk [tilespmem:v8+s15+$0x0], $0xffff  }
0x122: {  	v2 =	vld.idx.msk [tilespmem:v2+s15+$0x0], $0xffff;
	v10 =	vor.u32 $0x280, v14;
	[tilespmem:s28+$0x16080] =	vst v11  }
0x123: {  	v11 =	vor.u32 $0x300, v0;
	v12 =	vld.idx.msk [tilespmem:v12+s15+$0x0], $0xffff;
	[tilespmem:s7+$0x16080] =	vst v13  }
0x124: {  	v13 =	vor.u32 $0x300, v1;
	v15 =	vld.idx.msk [tilespmem:v15+s15+$0x0], $0xffff;
	[tilespmem:s9+$0x16080] =	vst v16  }
0x125: {  	v16 =	vor.u32 $0x300, v3;
	v6 =	vld.idx.msk [tilespmem:v6+s15+$0x0], $0xffff;
	[tilespmem:s11+$0x16080] =	vst v7  }
0x126: {  	v7 =	vor.u32 $0x300, v4;
	v9 =	vld.idx.msk [tilespmem:v9+s15+$0x0], $0xffff;
	[tilespmem:s12+$0x16080] =	vst v8  }
0x127: {  	[tilespmem:s5+$0x19080] =	vst v2;
	v2 =	vor.u32 $0x300, v5;
	v8 =	vld.idx.msk [tilespmem:v10+s15+$0x0], $0xffff  }
0x128: {  	[tilespmem:s28+$0x17080] =	vst v12;
	v10 =	vld.idx.msk [tilespmem:v11+s15+$0x0], $0xffff;
	v11 =	vor.u32 $0x300, v14  }
0x129: {  	v0 =	vor.u32 $0x380, v0;
	v12 =	vld.idx.msk [tilespmem:v13+s15+$0x0], $0xffff;
	[tilespmem:s7+$0x17080] =	vst v15  }
0x12a: {  	v1 =	vor.u32 $0x380, v1;
	v13 =	vld.idx.msk [tilespmem:v16+s15+$0x0], $0xffff;
	[tilespmem:s9+$0x17080] =	vst v6  }
0x12b: {  	v3 =	vor.u32 $0x380, v3;
	v6 =	vld.idx.msk [tilespmem:v7+s15+$0x0], $0xffff;
	[tilespmem:s11+$0x17080] =	vst v9  }
0x12c: {  	v4 =	vor.u32 $0x380, v4;
	v2 =	vld.idx.msk [tilespmem:v2+s15+$0x0], $0xffff;
	[tilespmem:s12+$0x17080] =	vst v8  }
0x12d: {  	v5 =	vor.u32 $0x380, v5;
	[tilespmem:s4+$0x18080] =	vst v10;
	v7 =	vld.idx.msk [tilespmem:v11+s15+$0x0], $0xffff  }
0x12e: {  	[tilespmem:s28+$0x18080] =	vst v12;
	v8 =	vor.u32 $0x380, v14;
	v0 =	vld.idx.msk [tilespmem:v0+s15+$0x0], $0xffff  }
0x12f: {  	v1 =	vld.idx.msk [tilespmem:v1+s15+$0x0], $0xffff;
	[tilespmem:s7+$0x18080] =	vst v13  }
0x130: {  	v3 =	vld.idx.msk [tilespmem:v3+s15+$0x0], $0xffff;
	[tilespmem:s9+$0x18080] =	vst v6  }
0x131: {  	v4 =	vld.idx.msk [tilespmem:v4+s15+$0x0], $0xffff;
	[tilespmem:s11+$0x18080] =	vst v2  }
0x132: {  	v2 =	vld.idx.msk [tilespmem:v5+s15+$0x0], $0xffff;
	[tilespmem:s12+$0x18080] =	vst v7  }
0x133: {  	[tilespmem:s4+$0x19080] =	vst v0;
	v0 =	vld.idx.msk [tilespmem:v8+s15+$0x0], $0xffff  }
0x134: {  	[tilespmem:s28+$0x19080] =	vst v1  }
0x135: {  	[tilespmem:s7+$0x19080] =	vst v3  }
0x136: {  	[tilespmem:s9+$0x19080] =	vst v4  }
0x137: {  	[tilespmem:s11+$0x19080] =	vst v2  }
0x138: {  	[tilespmem:s12+$0x19080] =	vst v0  }
0x139: {  	_ =	swait.ge [sflag:s14], $0x8000  }
0x13a: {  	s10 =	simm.s32 $0x820;
	[sflag:s14] =	ssyncset.done $0x0;
	s13 =	rddreg [dreg:$0x11]  }
0x13b: {  	s28 =	simm.s32 $0x2000;
	[sflag:s14] =	ssyncadd.s32 $0xFFFF8000;
	s4 =	sadd.s32 s26, s13  }
0x13c: {  	[tilespmem:s15], [sflag:$0x2] =	stream.strided.gather [hbm4b:s4+s30], $0x8000, s28, s30, $0x38;
	[tilespmem:$0x1A080] =	vst v63  }
0x13d: {  	v0 =	vld [tilespmem:s10+$0x0];
	_ =	sdelay $0x4  }
0x13e: {  	v1 =	vshll.u32 v0, $0x3  }
0x13f: {  	v0 =	vand.u32 $0x7F, v0;
	v1 =	vand.u32 $0xFFFFFC00, v1  }
0x140: {  	s5 =	simm.s32 $0x830;
	v5 =	vor.u32 v0, v1  }
0x141: {  	v0 =	vld [tilespmem:s5+$0x0];
	_ =	sdelay $0x3  }
0x142: {  	v1 =	vld.idx.msk [tilespmem:v5+s2+$0x0], $0xffff  }
0x143: {  	v3 =	vor.u32 $0x80, v5;
	v2 =	vshll.u32 v0, $0x3  }
0x144: {  	v0 =	vand.u32 $0x7F, v0;
	v2 =	vand.u32 $0xFFFFFC00, v2  }
0x145: {  	s4 =	simm.s32 $0x840;
	v2 =	vor.u32 v0, v2  }
0x146: {  	v0 =	vld [tilespmem:s4+$0x0]  }
0x147: {  	[tilespmem:s10+$0x12080] =	vst v1  }
0x148: {  	v1 =	vld.idx.msk [tilespmem:v3+s2+$0x0], $0xffff  }
0x149: {  	v3 =	vor.u32 $0x100, v5  }
0x14a: {  	v4 =	vld.idx.msk [tilespmem:v2+s2+$0x0], $0xffff  }
0x14b: {  	v7 =	vor.u32 $0x80, v2;
	v6 =	vshll.u32 v0, $0x3  }
0x14c: {  	s26 =	simm.s32 $0x850;
	v0 =	vand.u32 $0x7F, v0;
	v6 =	vand.u32 $0xFFFFFC00, v6  }
0x14d: {  	v8 =	vld [tilespmem:s26+$0x0];
	v0 =	vor.u32 v0, v6;
	[tilespmem:s10+$0x13080] =	vst v1  }
0x14e: {  	v1 =	vld.idx.msk [tilespmem:v3+s2+$0x0], $0xffff  }
0x14f: {  	[tilespmem:s5+$0x12080] =	vst v4;
	v3 =	vor.u32 $0x180, v5  }
0x150: {  	v4 =	vld.idx.msk [tilespmem:v7+s2+$0x0], $0xffff  }
0x151: {  	v6 =	vor.u32 $0x100, v2  }
0x152: {  	v9 =	vshll.u32 v8, $0x3;
	v7 =	vld.idx.msk [tilespmem:v0+s2+$0x0], $0xffff  }
0x153: {  	v10 =	vor.u32 $0x80, v0;
	[tilespmem:s10+$0x14080] =	vst v1;
	v1 =	vand.u32 $0x7F, v8;
	v8 =	vand.u32 $0xFFFFFC00, v9  }
0x154: {  	s7 =	simm.s32 $0x860;
	v3 =	vld.idx.msk [tilespmem:v3+s2+$0x0], $0xffff;
	v1 =	vor.u32 v1, v8  }
0x155: {  	v8 =	vld [tilespmem:s7+$0x0];
	[tilespmem:s5+$0x13080] =	vst v4  }
0x156: {  	v4 =	vor.u32 $0x200, v5;
	v6 =	vld.idx.msk [tilespmem:v6+s2+$0x0], $0xffff  }
0x157: {  	[tilespmem:s4+$0x12080] =	vst v7;
	v7 =	vor.u32 $0x180, v2  }
0x158: {  	v9 =	vld.idx.msk [tilespmem:v10+s2+$0x0], $0xffff  }
0x159: {  	v11 =	vor.u32 $0x100, v0;
	v10 =	vld.idx.msk [tilespmem:v1+s2+$0x0], $0xffff  }
0x15a: {  	v12 =	vor.u32 $0x80, v1;
	[tilespmem:s10+$0x15080] =	vst v3;
	v3 =	vshll.u32 v8, $0x3  }
0x15b: {  	v4 =	vld.idx.msk [tilespmem:v4+s2+$0x0], $0xffff;
	[tilespmem:s5+$0x14080] =	vst v6;
	v6 =	vand.u32 $0x7F, v8;
	v3 =	vand.u32 $0xFFFFFC00, v3  }
0x15c: {  	s9 =	simm.s32 $0x870;
	v7 =	vld.idx.msk [tilespmem:v7+s2+$0x0], $0xffff;
	v3 =	vor.u32 v6, v3  }
0x15d: {  	v8 =	vor.u32 $0x280, v5;
	v6 =	vld [tilespmem:s9+$0x0];
	[tilespmem:s4+$0x13080] =	vst v9  }
0x15e: {  	v9 =	vor.u32 $0x200, v2;
	v11 =	vld.idx.msk [tilespmem:v11+s2+$0x0], $0xffff;
	[tilespmem:s26+$0x12080] =	vst v10  }
0x15f: {  	s11 =	simm.s32 $0x880;
	v10 =	vld.idx.msk [tilespmem:v12+s2+$0x0], $0xffff;
	v12 =	vor.u32 $0x180, v0  }
0x160: {  	v16 =	vld [tilespmem:s11+$0x0];
	v13 =	vor.u32 $0x100, v1  }
0x161: {  	[tilespmem:s10+$0x16080] =	vst v4;
	v14 =	vld.idx.msk [tilespmem:v3+s2+$0x0], $0xffff  }
0x162: {  	v15 =	vor.u32 $0x80, v3;
	v8 =	vld.idx.msk [tilespmem:v8+s2+$0x0], $0xffff;
	[tilespmem:s5+$0x15080] =	vst v7  }
0x163: {  	v7 =	vor.u32 $0x300, v5;
	v4 =	vshll.u32 v6, $0x3;
	v9 =	vld.idx.msk [tilespmem:v9+s2+$0x0], $0xffff;
	[tilespmem:s4+$0x14080] =	vst v11  }
0x164: {  	v6 =	vand.u32 $0x7F, v6;
	v4 =	vand.u32 $0xFFFFFC00, v4;
	v11 =	vor.u32 $0x280, v2;
	v17 =	vld.idx.msk [tilespmem:v12+s2+$0x0], $0xffff;
	[tilespmem:s26+$0x13080] =	vst v10  }
0x165: {  	s12 =	simm.s32 $0x890;
	v4 =	vor.u32 v6, v4;
	v10 =	vld.idx.msk [tilespmem:v13+s2+$0x0], $0xffff  }
0x166: {  	v6 =	vor.u32 $0x200, v0;
	[tilespmem:s7+$0x12080] =	vst v14;
	v14 =	vld [tilespmem:s12+$0x0]  }
0x167: {  	[tilespmem:s10+$0x17080] =	vst v8;
	v13 =	vld.idx.msk [tilespmem:v15+s2+$0x0], $0xffff;
	v15 =	vor.u32 $0x180, v1  }
0x168: {  	v7 =	vld.idx.msk [tilespmem:v7+s2+$0x0], $0xffff;
	[tilespmem:s5+$0x16080] =	vst v9  }
0x169: {  	v5 =	vor.u32 $0x380, v5;
	v63 =	vld.idx.msk [tilespmem:v11+s2+$0x0], $0xffff  }
0x16a: {  	v12 =	vld.idx.msk [tilespmem:v4+s2+$0x0], $0xffff;
	v11 =	vor.u32 $0x100, v3;
	[tilespmem:s4+$0x15080] =	vst v17  }
0x16b: {  	v8 =	vor.u32 $0x300, v2;
	v6 =	vld.idx.msk [tilespmem:v6+s2+$0x0], $0xffff;
	[tilespmem:s26+$0x14080] =	vst v10  }
0x16c: {  	v10 =	vshll.u32 v16, $0x3;
	v9 =	vld.idx.msk [tilespmem:v15+s2+$0x0], $0xffff;
	v15 =	vor.u32 $0x80, v4  }
0x16d: {  	v16 =	vand.u32 $0x7F, v16;
	[tilespmem:s10+$0x18080] =	vst v7;
	v17 =	vand.u32 $0xFFFFFC00, v10;
	v10 =	vor.u32 $0x280, v0  }
0x16e: {  	[tilespmem:s7+$0x13080] =	vst v13;
	v7 =	vld.idx.msk [tilespmem:v5+s2+$0x0], $0xffff;
	v5 =	vor.u32 v16, v17  }
0x16f: {  	s8 =	simm.s32 $0x12080;
	s13 =	simm.s32 $0x2280;
	v13 =	vld.idx.msk [tilespmem:v11+s2+$0x0], $0xffff;
	v11 =	vor.u32 $0x200, v1;
	[tilespmem:s5+$0x17080] =	vst v63  }
.LBB2_7:
0x170: {  	p0 =	sne.s32 s13, $0x3FC0;
	[tilespmem:s9+$0x12080] =	vst v12;
	v16 =	vld.idx.msk [tilespmem:v8+s2+$0x0], $0xffff  }
0x171: {  	v18 =	vor.u32 $0x180, v3;
	v17 =	vld.idx.msk [tilespmem:v15+s2+$0x0], $0xffff;
	[tilespmem:s4+$0x16080] =	vst v6;
	v19 =	vmov v14  }
0x172: {  	v21 =	vor.u32 $0x380, v2;
	v2 =	vmovc v0;
	v0 =	vmovc v1;
	v1 =	vmov v3;
	v3 =	vmov v4;
	v20 =	vld.idx.msk [tilespmem:v10+s2+$0x0], $0xffff  }
0x173: {  	v4 =	vmov v5;
	v22 =	vor.u32 $0x100, v3;
	v12 =	vld.idx.msk [tilespmem:v5+s2+$0x0], $0xffff;
	[tilespmem:s26+$0x15080] =	vst v9  }
.Ltmp2:
0x174: {  	s6 =	sshra.s32 s13, $0x2;
	v8 =	vor.u32 $0x300, v2;
	v6 =	vld.idx.msk [tilespmem:v11+s2+$0x0], $0xffff;
	[tilespmem:s10+$0x19080] =	vst v7;
	s10 =	smov.u32 s5;
	(pc) =	sbr.rel @p0 .LBB2_7-.Ltmp2, $4  }
0x175: {  	v15 =	vor.u32 $0x80, v4;
	v5 =	vshll.u32 v19, $0x3;
	s5 =	smov.u32 s4;
	s4 =	smov.u32 s26;
	s26 =	smov.u32 s7;
	v14 =	vld [tilespmem:s6+$0x0];
	[tilespmem:s7+$0x14080] =	vst v13  }
0x176: {  	v10 =	vor.u32 $0x280, v0;
	v7 =	vand.u32 $0x7F, v19;
	v5 =	vand.u32 $0xFFFFFC00, v5;
	s7 =	smov.u32 s9;
	s9 =	smov.u32 s11;
	s11 =	smov.u32 s12;
	v9 =	vld.idx.msk [tilespmem:v18+s2+$0x0], $0xffff;
	[tilespmem:s10+$0x18080] =	vst v16  }
0x177: {  	v5 =	vor.u32 v7, v5;
	s12 =	smov.u32 s6;
	[tilespmem:s7+$0x13080] =	vst v17;
	v7 =	vld.idx.msk [tilespmem:v21+s2+$0x0], $0xffff  }
0x178: {  	s13 =	sadd.s32 $0x40, s13;
	v11 =	vor.u32 $0x200, v1;
	v13 =	vld.idx.msk [tilespmem:v22+s2+$0x0], $0xffff;
	[tilespmem:s5+$0x17080] =	vst v20  }
0x179: {  	_ = 	snop  }
0x17a: {  	v16 =	vshll.u32 v14, $0x3  }
0x17b: {  	v14 =	vand.u32 $0x7F, v14;
	v16 =	vand.u32 $0xFFFFFC00, v16  }
0x17c: {  	v14 =	vor.u32 v14, v16;
	_ =	sdelay $0x3  }
0x17d: {  	v54 =	vld.idx.msk [tilespmem:v5+s2+$0x0], $0xffff  }
0x17e: {  	v17 =	vor.u32 $0x80, v5;
	v18 =	vld.idx.msk [tilespmem:v14+s2+$0x0], $0xffff  }
0x17f: {  	v19 =	vor.u32 $0x80, v14;
	_ =	sdelay $0x1  }
0x180: {  	[tilespmem:s9+$0x12080] =	vst v12  }
0x181: {  	v12 =	vld.idx.msk [tilespmem:v15+s2+$0x0], $0xffff;
	[tilespmem:s11+$0x12080] =	vst v54  }
0x182: {  	v15 =	vor.u32 $0x100, v4;
	v16 =	vld.idx.msk [tilespmem:v17+s2+$0x0], $0xffff;
	[tilespmem:s12+$0x12080] =	vst v18  }
0x183: {  	v55 =	vor.u32 $0x100, v5;
	v18 =	vld.idx.msk [tilespmem:v19+s2+$0x0], $0xffff  }
0x184: {  	v56 =	vor.u32 $0x100, v14;
	_ =	sdelay $0x1  }
0x185: {  	[tilespmem:s9+$0x13080] =	vst v12  }
0x186: {  	v12 =	vor.u32 $0x180, v3;
	v15 =	vld.idx.msk [tilespmem:v15+s2+$0x0], $0xffff;
	[tilespmem:s11+$0x13080] =	vst v16  }
0x187: {  	v57 =	vor.u32 $0x180, v4;
	v17 =	vld.idx.msk [tilespmem:v55+s2+$0x0], $0xffff;
	[tilespmem:s12+$0x13080] =	vst v18  }
0x188: {  	[tilespmem:s4+$0x16080] =	vst v6;
	v6 =	vor.u32 $0x180, v5;
	v18 =	vld.idx.msk [tilespmem:v56+s2+$0x0], $0xffff  }
0x189: {  	[tilespmem:s26+$0x15080] =	vst v9;
	v9 =	vor.u32 $0x180, v14  }
0x18a: {  	v8 =	vld.idx.msk [tilespmem:v8+s2+$0x0], $0xffff;
	[tilespmem:s7+$0x14080] =	vst v13  }
0x18b: {  	v12 =	vld.idx.msk [tilespmem:v12+s2+$0x0], $0xffff;
	[tilespmem:s9+$0x14080] =	vst v15  }
0x18c: {  	v13 =	vor.u32 $0x200, v3;
	v15 =	vld.idx.msk [tilespmem:v57+s2+$0x0], $0xffff;
	[tilespmem:s11+$0x14080] =	vst v17  }
0x18d: {  	v58 =	vor.u32 $0x200, v4;
	v6 =	vld.idx.msk [tilespmem:v6+s2+$0x0], $0xffff;
	[tilespmem:s12+$0x14080] =	vst v18  }
0x18e: {  	[tilespmem:s10+$0x19080] =	vst v7;
	v7 =	vor.u32 $0x200, v5;
	v9 =	vld.idx.msk [tilespmem:v9+s2+$0x0], $0xffff  }
0x18f: {  	v10 =	vld.idx.msk [tilespmem:v10+s2+$0x0], $0xffff;
	[tilespmem:s5+$0x18080] =	vst v8;
	v8 =	vor.u32 $0x200, v14  }
0x190: {  	v2 =	vor.u32 $0x380, v2;
	v11 =	vld.idx.msk [tilespmem:v11+s2+$0x0], $0xffff;
	[tilespmem:s7+$0x15080] =	vst v12  }
0x191: {  	v12 =	vor.u32 $0x280, v1;
	v13 =	vld.idx.msk [tilespmem:v13+s2+$0x0], $0xffff;
	[tilespmem:s9+$0x15080] =	vst v15  }
0x192: {  	v15 =	vor.u32 $0x280, v3;
	v16 =	vld.idx.msk [tilespmem:v58+s2+$0x0], $0xffff;
	[tilespmem:s11+$0x15080] =	vst v6  }
0x193: {  	v6 =	vor.u32 $0x280, v4;
	v7 =	vld.idx.msk [tilespmem:v7+s2+$0x0], $0xffff;
	[tilespmem:s12+$0x15080] =	vst v9  }
0x194: {  	[tilespmem:s4+$0x17080] =	vst v10;
	v9 =	vor.u32 $0x280, v5;
	v8 =	vld.idx.msk [tilespmem:v8+s2+$0x0], $0xffff  }
0x195: {  	v2 =	vld.idx.msk [tilespmem:v2+s2+$0x0], $0xffff;
	v10 =	vor.u32 $0x280, v14;
	[tilespmem:s26+$0x16080] =	vst v11  }
0x196: {  	v11 =	vor.u32 $0x300, v0;
	v12 =	vld.idx.msk [tilespmem:v12+s2+$0x0], $0xffff;
	[tilespmem:s7+$0x16080] =	vst v13  }
0x197: {  	v13 =	vor.u32 $0x300, v1;
	v15 =	vld.idx.msk [tilespmem:v15+s2+$0x0], $0xffff;
	[tilespmem:s9+$0x16080] =	vst v16  }
0x198: {  	v59 =	vor.u32 $0x300, v3;
	v6 =	vld.idx.msk [tilespmem:v6+s2+$0x0], $0xffff;
	[tilespmem:s11+$0x16080] =	vst v7  }
0x199: {  	v7 =	vor.u32 $0x300, v4;
	v9 =	vld.idx.msk [tilespmem:v9+s2+$0x0], $0xffff;
	[tilespmem:s12+$0x16080] =	vst v8  }
0x19a: {  	[tilespmem:s5+$0x19080] =	vst v2;
	v2 =	vor.u32 $0x300, v5;
	v8 =	vld.idx.msk [tilespmem:v10+s2+$0x0], $0xffff  }
0x19b: {  	[tilespmem:s26+$0x17080] =	vst v12;
	v10 =	vld.idx.msk [tilespmem:v11+s2+$0x0], $0xffff;
	v11 =	vor.u32 $0x300, v14  }
0x19c: {  	v0 =	vor.u32 $0x380, v0;
	v12 =	vld.idx.msk [tilespmem:v13+s2+$0x0], $0xffff;
	[tilespmem:s7+$0x17080] =	vst v15  }
0x19d: {  	v1 =	vor.u32 $0x380, v1;
	v13 =	vld.idx.msk [tilespmem:v59+s2+$0x0], $0xffff;
	[tilespmem:s9+$0x17080] =	vst v6  }
0x19e: {  	v3 =	vor.u32 $0x380, v3;
	v6 =	vld.idx.msk [tilespmem:v7+s2+$0x0], $0xffff;
	[tilespmem:s11+$0x17080] =	vst v9  }
0x19f: {  	v4 =	vor.u32 $0x380, v4;
	v2 =	vld.idx.msk [tilespmem:v2+s2+$0x0], $0xffff;
	[tilespmem:s12+$0x17080] =	vst v8  }
0x1a0: {  	v5 =	vor.u32 $0x380, v5;
	[tilespmem:s4+$0x18080] =	vst v10;
	v7 =	vld.idx.msk [tilespmem:v11+s2+$0x0], $0xffff  }
0x1a1: {  	[tilespmem:s26+$0x18080] =	vst v12;
	v8 =	vor.u32 $0x380, v14;
	v0 =	vld.idx.msk [tilespmem:v0+s2+$0x0], $0xffff  }
0x1a2: {  	v1 =	vld.idx.msk [tilespmem:v1+s2+$0x0], $0xffff;
	[tilespmem:s7+$0x18080] =	vst v13  }
0x1a3: {  	v3 =	vld.idx.msk [tilespmem:v3+s2+$0x0], $0xffff;
	[tilespmem:s9+$0x18080] =	vst v6  }
0x1a4: {  	v4 =	vld.idx.msk [tilespmem:v4+s2+$0x0], $0xffff;
	[tilespmem:s11+$0x18080] =	vst v2  }
0x1a5: {  	v2 =	vld.idx.msk [tilespmem:v5+s2+$0x0], $0xffff;
	[tilespmem:s12+$0x18080] =	vst v7  }
0x1a6: {  	[tilespmem:s4+$0x19080] =	vst v0;
	v0 =	vld.idx.msk [tilespmem:v8+s2+$0x0], $0xffff  }
0x1a7: {  	[tilespmem:s26+$0x19080] =	vst v1  }
0x1a8: {  	[tilespmem:s7+$0x19080] =	vst v3  }
0x1a9: {  	[tilespmem:s9+$0x19080] =	vst v4  }
0x1aa: {  	[tilespmem:s11+$0x19080] =	vst v2  }
0x1ab: {  	[tilespmem:s12+$0x19080] =	vst v0  }
0x1ac: {  	[hbm4b:s24+s0] =	stream.strided.scatter [tilespmem:s8], [sflag:$0x3], $0x1000, s30, s0, $0x38;
	[tilespmem:$0x1A080] =	vst v63  }
0x1ad: {  	s4 =	rddreg [dreg:$0x12]  }
0x1ae: {  	s9 =	simm.s32 $0x13080;
	s10 =	rddreg [dreg:$0x13];
	s4 =	sadd.s32 s23, s4  }
0x1af: {  	[hbm4b:s4+s0] =	stream.strided.scatter [tilespmem:s9], [sflag:$0x3], $0x1000, s30, s0, $0x38;
	[tilespmem:$0x1A080] =	vst v63  }
0x1b0: {  	s11 =	simm.s32 $0x14080;
	s12 =	rddreg [dreg:$0x14];
	s4 =	sadd.s32 s23, s10  }
0x1b1: {  	[hbm4b:s4+s0] =	stream.strided.scatter [tilespmem:s11], [sflag:$0x3], $0x1000, s30, s0, $0x38;
	[tilespmem:$0x1A080] =	vst v63  }
0x1b2: {  	s13 =	simm.s32 $0x15080;
	s24 =	rddreg [dreg:$0x15];
	s4 =	sadd.s32 s23, s12  }
0x1b3: {  	[hbm4b:s4+s0] =	stream.strided.scatter [tilespmem:s13], [sflag:$0x3], $0x1000, s30, s0, $0x38;
	[tilespmem:$0x1A080] =	vst v63  }
0x1b4: {  	s26 =	simm.s32 $0x16080;
	s5 =	rddreg [dreg:$0x16];
	s4 =	sadd.s32 s23, s24  }
0x1b5: {  	[hbm4b:s4+s0] =	stream.strided.scatter [tilespmem:s26], [sflag:$0x3], $0x1000, s30, s0, $0x38;
	[tilespmem:$0x1A080] =	vst v63  }
0x1b6: {  	s6 =	simm.s32 $0x17080;
	s7 =	rddreg [dreg:$0x18];
	s4 =	sadd.s32 s23, s5  }
0x1b7: {  	[hbm4b:s4+s0] =	stream.strided.scatter [tilespmem:s6], [sflag:$0x3], $0x1000, s30, s0, $0x38;
	[tilespmem:$0x1A080] =	vst v63  }
0x1b8: {  	s9 =	simm.s32 $0x18080;
	s10 =	rddreg [dreg:$0x19];
	s4 =	sadd.s32 s23, s7  }
0x1b9: {  	[hbm4b:s4+s0] =	stream.strided.scatter [tilespmem:s9], [sflag:$0x3], $0x1000, s30, s0, $0x38;
	[tilespmem:$0x1A080] =	vst v63  }
0x1ba: {  	s11 =	simm.s32 $0x19080;
	s4 =	sadd.s32 s23, s10  }
0x1bb: {  	[hbm4b:s4+s0] =	stream.strided.scatter [tilespmem:s11], [sflag:$0x3], $0x1000, s30, s0, $0x38;
	[tilespmem:$0x1A080] =	vst v63  }
0x1bc: {  	_ =	swait.ge [sflag:s29], $0x1000  }
0x1bd: {  	[sflag:s29] =	ssyncset.done $0x0  }
0x1be: {  	[sflag:s29] =	ssyncadd.s32 $0xFFFFF000  }
0x1bf: {  	_ =	swait.ge [sflag:s29], $0x1000  }
0x1c0: {  	[sflag:s29] =	ssyncset.done $0x0  }
0x1c1: {  	[sflag:s29] =	ssyncadd.s32 $0xFFFFF000  }
0x1c2: {  	_ =	swait.ge [sflag:s29], $0x1000  }
0x1c3: {  	[sflag:s29] =	ssyncset.done $0x0  }
0x1c4: {  	[sflag:s29] =	ssyncadd.s32 $0xFFFFF000  }
0x1c5: {  	_ =	swait.ge [sflag:s29], $0x1000  }
0x1c6: {  	[sflag:s29] =	ssyncset.done $0x0  }
0x1c7: {  	[sflag:s29] =	ssyncadd.s32 $0xFFFFF000  }
0x1c8: {  	_ =	swait.ge [sflag:s29], $0x1000  }
0x1c9: {  	[sflag:s29] =	ssyncset.done $0x0  }
0x1ca: {  	[sflag:s29] =	ssyncadd.s32 $0xFFFFF000  }
0x1cb: {  	_ =	swait.ge [sflag:s29], $0x1000  }
0x1cc: {  	[sflag:s29] =	ssyncset.done $0x0  }
0x1cd: {  	[sflag:s29] =	ssyncadd.s32 $0xFFFFF000  }
0x1ce: {  	_ =	swait.ge [sflag:s29], $0x1000  }
0x1cf: {  	[sflag:s29] =	ssyncset.done $0x0  }
0x1d0: {  	[sflag:s29] =	ssyncadd.s32 $0xFFFFF000  }
0x1d1: {  	_ =	swait.ge [sflag:s29], $0x1000  }
0x1d2: {  	[sflag:s29] =	ssyncset.done $0x0  }
0x1d3: {  	s12 =	simm.s32 $0x1000;
	[sflag:s29] =	ssyncadd.s32 $0xFFFFF000  }
0x1d4: {  	v0 =	vld [tilespmem:s12+$0x0];
	_ =	sdelay $0x4  }
0x1d5: {  	v1 =	vshll.u32 v0, $0x3  }
0x1d6: {  	v0 =	vand.u32 $0x7F, v0;
	v1 =	vand.u32 $0xFFFFFC00, v1  }
0x1d7: {  	s13 =	simm.s32 $0x1010;
	v5 =	vor.u32 v0, v1  }
0x1d8: {  	v0 =	vld [tilespmem:s13+$0x0];
	_ =	sdelay $0x3  }
0x1d9: {  	v1 =	vld.idx.msk [tilespmem:v5+s2+$0x0], $0xffff  }
0x1da: {  	v3 =	vor.u32 $0x80, v5;
	v2 =	vshll.u32 v0, $0x3  }
0x1db: {  	v0 =	vand.u32 $0x7F, v0;
	v2 =	vand.u32 $0xFFFFFC00, v2  }
0x1dc: {  	s6 =	simm.s32 $0x1020;
	v2 =	vor.u32 v0, v2  }
0x1dd: {  	s9 =	sand.u32 $0x1FF0, s12;
	v0 =	vld [tilespmem:s6+$0x0]  }
0x1de: {  	[tilespmem:s9+$0x11080] =	vst v1  }
0x1df: {  	v1 =	vld.idx.msk [tilespmem:v3+s2+$0x0], $0xffff  }
0x1e0: {  	v3 =	vor.u32 $0x100, v5  }
0x1e1: {  	v4 =	vld.idx.msk [tilespmem:v2+s2+$0x0], $0xffff  }
0x1e2: {  	v7 =	vor.u32 $0x80, v2;
	v6 =	vshll.u32 v0, $0x3  }
0x1e3: {  	s23 =	simm.s32 $0x1030;
	v0 =	vand.u32 $0x7F, v0;
	v6 =	vand.u32 $0xFFFFFC00, v6  }
0x1e4: {  	v8 =	vld [tilespmem:s23+$0x0];
	v0 =	vor.u32 v0, v6;
	[tilespmem:s9+$0x12080] =	vst v1  }
0x1e5: {  	s5 =	sand.u32 $0x1FF0, s13;
	v1 =	vld.idx.msk [tilespmem:v3+s2+$0x0], $0xffff  }
0x1e6: {  	[tilespmem:s5+$0x11080] =	vst v4;
	v3 =	vor.u32 $0x180, v5  }
0x1e7: {  	v4 =	vld.idx.msk [tilespmem:v7+s2+$0x0], $0xffff  }
0x1e8: {  	v6 =	vor.u32 $0x100, v2  }
0x1e9: {  	v9 =	vshll.u32 v8, $0x3;
	v7 =	vld.idx.msk [tilespmem:v0+s2+$0x0], $0xffff  }
0x1ea: {  	v10 =	vor.u32 $0x80, v0;
	[tilespmem:s9+$0x13080] =	vst v1;
	v1 =	vand.u32 $0x7F, v8;
	v8 =	vand.u32 $0xFFFFFC00, v9  }
0x1eb: {  	s24 =	simm.s32 $0x1040;
	v3 =	vld.idx.msk [tilespmem:v3+s2+$0x0], $0xffff;
	v1 =	vor.u32 v1, v8  }
0x1ec: {  	v8 =	vld [tilespmem:s24+$0x0];
	[tilespmem:s5+$0x12080] =	vst v4;
	v4 =	vor.u32 $0x200, v5  }
0x1ed: {  	s4 =	sand.u32 $0x1FF0, s6;
	v6 =	vld.idx.msk [tilespmem:v6+s2+$0x0], $0xffff  }
0x1ee: {  	[tilespmem:s4+$0x11080] =	vst v7;
	v7 =	vor.u32 $0x180, v2  }
0x1ef: {  	v9 =	vld.idx.msk [tilespmem:v10+s2+$0x0], $0xffff  }
0x1f0: {  	v11 =	vor.u32 $0x100, v0;
	v10 =	vld.idx.msk [tilespmem:v1+s2+$0x0], $0xffff;
	[tilespmem:s9+$0x14080] =	vst v3  }
0x1f1: {  	v12 =	vor.u32 $0x80, v1;
	v3 =	vshll.u32 v8, $0x3;
	v4 =	vld.idx.msk [tilespmem:v4+s2+$0x0], $0xffff  }
0x1f2: {  	[tilespmem:s5+$0x13080] =	vst v6;
	v6 =	vand.u32 $0x7F, v8;
	v3 =	vand.u32 $0xFFFFFC00, v3;
	v8 =	vor.u32 $0x280, v5  }
0x1f3: {  	s26 =	simm.s32 $0x1050;
	v7 =	vld.idx.msk [tilespmem:v7+s2+$0x0], $0xffff;
	v3 =	vor.u32 v6, v3  }
0x1f4: {  	s7 =	sand.u32 $0x1FF0, s23;
	v6 =	vld [tilespmem:s26+$0x0];
	[tilespmem:s4+$0x12080] =	vst v9  }
0x1f5: {  	v11 =	vld.idx.msk [tilespmem:v11+s2+$0x0], $0xffff;
	[tilespmem:s7+$0x11080] =	vst v10  }
0x1f6: {  	v9 =	vor.u32 $0x200, v2;
	v10 =	vld.idx.msk [tilespmem:v12+s2+$0x0], $0xffff;
	[tilespmem:s9+$0x15080] =	vst v4  }
0x1f7: {  	v12 =	vor.u32 $0x180, v0;
	v8 =	vld.idx.msk [tilespmem:v8+s2+$0x0], $0xffff  }
0x1f8: {  	v14 =	vld.idx.msk [tilespmem:v3+s2+$0x0], $0xffff;
	[tilespmem:s5+$0x14080] =	vst v7;
	v7 =	vor.u32 $0x300, v5  }
0x1f9: {  	s12 =	simm.s32 $0x1060;
	v15 =	vor.u32 $0x80, v3  }
0x1fa: {  	v60 =	vld [tilespmem:s12+$0x0];
	v13 =	vor.u32 $0x100, v1  }
0x1fb: {  	v4 =	vshll.u32 v6, $0x3;
	v9 =	vld.idx.msk [tilespmem:v9+s2+$0x0], $0xffff;
	[tilespmem:s4+$0x13080] =	vst v11  }
0x1fc: {  	s10 =	sand.u32 $0x1FF0, s24;
	v6 =	vand.u32 $0x7F, v6;
	v4 =	vand.u32 $0xFFFFFC00, v4;
	v11 =	vor.u32 $0x280, v2;
	v12 =	vld.idx.msk [tilespmem:v12+s2+$0x0], $0xffff;
	[tilespmem:s9+$0x16080] =	vst v8  }
0x1fd: {  	v4 =	vor.u32 v6, v4;
	[tilespmem:s10+$0x11080] =	vst v14;
	v8 =	vld.idx.msk [tilespmem:v7+s2+$0x0], $0xffff  }
0x1fe: {  	[tilespmem:s7+$0x12080] =	vst v10;
	v10 =	vor.u32 $0x200, v0;
	v14 =	vld.idx.msk [tilespmem:v15+s2+$0x0], $0xffff  }
0x1ff: {  	s23 =	simm.s32 $0x1070;
	v5 =	vor.u32 $0x380, v5;
	v6 =	vld.idx.msk [tilespmem:v13+s2+$0x0], $0xffff  }
0x200: {  	v13 =	vld [tilespmem:s23+$0x0];
	v15 =	vor.u32 $0x180, v1;
	[tilespmem:s5+$0x15080] =	vst v9  }
0x201: {  	v61 =	vld.idx.msk [tilespmem:v11+s2+$0x0], $0xffff;
	v11 =	vor.u32 $0x100, v3;
	[tilespmem:s4+$0x14080] =	vst v12  }
0x202: {  	v63 =	vor.u32 $0x300, v2;
	v62 =	vld.idx.msk [tilespmem:v4+s2+$0x0], $0xffff;
	[tilespmem:s9+$0x17080] =	vst v8  }
0x203: {  	v7 =	vld.idx.msk [tilespmem:v10+s2+$0x0], $0xffff;
	v8 =	vshll.u32 v60, $0x3;
	[tilespmem:s10+$0x12080] =	vst v14;
	v14 =	vor.u32 $0x80, v4  }
0x204: {  	v12 =	vor.u32 $0x280, v0;
	[tilespmem:s7+$0x13080] =	vst v6;
	v6 =	vld.idx.msk [tilespmem:v5+s2+$0x0], $0xffff;
	v5 =	vand.u32 $0x7F, v60;
	v8 =	vand.u32 $0xFFFFFC00, v8  }
0x205: {  	v9 =	vld.idx.msk [tilespmem:v15+s2+$0x0], $0xffff;
	v5 =	vor.u32 v5, v8  }
0x206: {  	s11 =	sand.u32 $0x1FF0, s26;
	v10 =	vor.u32 $0x200, v1;
	v11 =	vld.idx.msk [tilespmem:v11+s2+$0x0], $0xffff;
	[tilespmem:s5+$0x16080] =	vst v61  }
0x207: {  	s13 =	simm.s32 $0x1080;
	s24 =	simm.s32 $0x1070;
	[tilespmem:s11+$0x11080] =	vst v62;
	v8 =	vld.idx.msk [tilespmem:v63+s2+$0x0], $0xffff  }
.LBB2_9:
0x208: {  	p0 =	sne.s32 s13, $0x1220;
	v15 =	vld.idx.msk [tilespmem:v14+s2+$0x0], $0xffff;
	v16 =	vor.u32 $0x180, v3;
	[tilespmem:s4+$0x15080] =	vst v7;
	v17 =	vmov v13  }
0x209: {  	v19 =	vor.u32 $0x380, v2;
	v2 =	vmovc v0;
	v0 =	vmovc v1;
	v1 =	vmov v3;
	v3 =	vmov v4;
	v18 =	vld.idx.msk [tilespmem:v12+s2+$0x0], $0xffff  }
0x20a: {  	v4 =	vmov v5;
	v21 =	vor.u32 $0x100, v3;
	v20 =	vld.idx.msk [tilespmem:v5+s2+$0x0], $0xffff;
	[tilespmem:s7+$0x14080] =	vst v9  }
0x20b: {  	s23 =	sadd.s32 $0x10, s23;
	v22 =	vor.u32 $0x300, v2;
	v7 =	vld.idx.msk [tilespmem:v10+s2+$0x0], $0xffff;
	[tilespmem:s9+$0x18080] =	vst v6;
	s9 =	smov.u32 s5;
	s5 =	smov.u32 s4  }
.Ltmp3:
0x20c: {  	v14 =	vor.u32 $0x80, v4;
	v5 =	vshll.u32 v17, $0x3;
	s4 =	smov.u32 s7;
	s7 =	smov.u32 s10;
	v13 =	vld [tilespmem:s23+$0x0];
	[tilespmem:s10+$0x13080] =	vst v11;
	(pc) =	sbr.rel @p0 .LBB2_9-.Ltmp3, $4  }
0x20d: {  	v12 =	vor.u32 $0x280, v0;
	v6 =	vand.u32 $0x7F, v17;
	v5 =	vand.u32 $0xFFFFFC00, v5;
	s10 =	smov.u32 s11;
	v9 =	vld.idx.msk [tilespmem:v16+s2+$0x0], $0xffff;
	[tilespmem:s9+$0x17080] =	vst v8  }
0x20e: {  	v5 =	vor.u32 v6, v5;
	[tilespmem:s10+$0x12080] =	vst v15;
	v6 =	vld.idx.msk [tilespmem:v19+s2+$0x0], $0xffff  }
0x20f: {  	v10 =	vor.u32 $0x200, v1;
	s11 =	sand.u32 $0x1FF0, s12;
	s12 =	smov.u32 s24;
	s24 =	smov.u32 s13;
	v11 =	vld.idx.msk [tilespmem:v21+s2+$0x0], $0xffff;
	[tilespmem:s5+$0x16080] =	vst v18  }
0x210: {  	s13 =	sadd.s32 $0x10, s13;
	[tilespmem:s11+$0x11080] =	vst v20;
	v8 =	vld.idx.msk [tilespmem:v22+s2+$0x0], $0xffff  }
0x211: {  	v15 =	vshll.u32 v13, $0x3  }
0x212: {  	v13 =	vand.u32 $0x7F, v13;
	v15 =	vand.u32 $0xFFFFFC00, v15  }
0x213: {  	v13 =	vor.u32 v13, v15;
	_ =	sdelay $0x2  }
0x214: {  	v15 =	vld.idx.msk [tilespmem:v5+s2+$0x0], $0xffff  }
0x215: {  	v16 =	vor.u32 $0x80, v5  }
0x216: {  	v17 =	vld.idx.msk [tilespmem:v13+s2+$0x0], $0xffff  }
0x217: {  	v18 =	vor.u32 $0x80, v13  }
0x218: {  	s12 =	sand.u32 $0x1FF0, s12;
	v14 =	vld.idx.msk [tilespmem:v14+s2+$0x0], $0xffff  }
0x219: {  	[tilespmem:s12+$0x11080] =	vst v15;
	v15 =	vor.u32 $0x100, v4  }
0x21a: {  	s23 =	sand.u32 $0x1FF0, s24;
	v16 =	vld.idx.msk [tilespmem:v16+s2+$0x0], $0xffff  }
0x21b: {  	v57 =	vor.u32 $0x100, v5;
	[tilespmem:s23+$0x11080] =	vst v17  }
0x21c: {  	v18 =	vld.idx.msk [tilespmem:v18+s2+$0x0], $0xffff  }
0x21d: {  	v19 =	vor.u32 $0x100, v13;
	[tilespmem:s11+$0x12080] =	vst v14  }
0x21e: {  	v15 =	vld.idx.msk [tilespmem:v15+s2+$0x0], $0xffff  }
0x21f: {  	v58 =	vor.u32 $0x180, v4;
	[tilespmem:s12+$0x12080] =	vst v16  }
0x220: {  	[tilespmem:s4+$0x15080] =	vst v7;
	v14 =	vor.u32 $0x180, v3;
	v17 =	vld.idx.msk [tilespmem:v57+s2+$0x0], $0xffff  }
0x221: {  	v7 =	vor.u32 $0x180, v5;
	[tilespmem:s23+$0x12080] =	vst v18  }
0x222: {  	[tilespmem:s7+$0x14080] =	vst v9;
	v18 =	vld.idx.msk [tilespmem:v19+s2+$0x0], $0xffff  }
0x223: {  	v9 =	vor.u32 $0x180, v13;
	[tilespmem:s11+$0x13080] =	vst v15  }
0x224: {  	[tilespmem:s10+$0x13080] =	vst v11;
	v15 =	vld.idx.msk [tilespmem:v58+s2+$0x0], $0xffff  }
0x225: {  	v59 =	vor.u32 $0x200, v4;
	v11 =	vld.idx.msk [tilespmem:v14+s2+$0x0], $0xffff;
	[tilespmem:s12+$0x13080] =	vst v17  }
0x226: {  	[tilespmem:s9+$0x18080] =	vst v6;
	v14 =	vor.u32 $0x200, v3;
	v7 =	vld.idx.msk [tilespmem:v7+s2+$0x0], $0xffff  }
0x227: {  	v12 =	vld.idx.msk [tilespmem:v12+s2+$0x0], $0xffff;
	v6 =	vor.u32 $0x200, v5;
	[tilespmem:s23+$0x13080] =	vst v18  }
0x228: {  	v2 =	vor.u32 $0x380, v2;
	[tilespmem:s5+$0x17080] =	vst v8;
	v9 =	vld.idx.msk [tilespmem:v9+s2+$0x0], $0xffff  }
0x229: {  	v10 =	vld.idx.msk [tilespmem:v10+s2+$0x0], $0xffff;
	v8 =	vor.u32 $0x200, v13;
	[tilespmem:s11+$0x14080] =	vst v15  }
0x22a: {  	[tilespmem:s10+$0x14080] =	vst v11;
	v11 =	vor.u32 $0x280, v1;
	v16 =	vld.idx.msk [tilespmem:v59+s2+$0x0], $0xffff  }
0x22b: {  	v14 =	vld.idx.msk [tilespmem:v14+s2+$0x0], $0xffff;
	[tilespmem:s12+$0x14080] =	vst v7;
	v7 =	vor.u32 $0x280, v4  }
0x22c: {  	[tilespmem:s4+$0x16080] =	vst v12;
	v6 =	vld.idx.msk [tilespmem:v6+s2+$0x0], $0xffff  }
0x22d: {  	v2 =	vld.idx.msk [tilespmem:v2+s2+$0x0], $0xffff;
	v15 =	vor.u32 $0x280, v3;
	[tilespmem:s23+$0x14080] =	vst v9  }
0x22e: {  	[tilespmem:s7+$0x15080] =	vst v10;
	v9 =	vor.u32 $0x280, v5;
	v8 =	vld.idx.msk [tilespmem:v8+s2+$0x0], $0xffff  }
0x22f: {  	v10 =	vor.u32 $0x280, v13;
	v11 =	vld.idx.msk [tilespmem:v11+s2+$0x0], $0xffff;
	[tilespmem:s11+$0x15080] =	vst v16  }
0x230: {  	v12 =	vor.u32 $0x300, v0;
	[tilespmem:s10+$0x15080] =	vst v14;
	v7 =	vld.idx.msk [tilespmem:v7+s2+$0x0], $0xffff  }
0x231: {  	[tilespmem:s12+$0x15080] =	vst v6;
	v6 =	vor.u32 $0x300, v4  }
0x232: {  	[tilespmem:s5+$0x18080] =	vst v2;
	v14 =	vor.u32 $0x300, v1;
	v15 =	vld.idx.msk [tilespmem:v15+s2+$0x0], $0xffff  }
0x233: {  	v60 =	vor.u32 $0x300, v3;
	v9 =	vld.idx.msk [tilespmem:v9+s2+$0x0], $0xffff;
	[tilespmem:s23+$0x15080] =	vst v8  }
0x234: {  	v2 =	vor.u32 $0x300, v5;
	[tilespmem:s7+$0x16080] =	vst v11;
	v8 =	vld.idx.msk [tilespmem:v10+s2+$0x0], $0xffff  }
0x235: {  	v11 =	vor.u32 $0x300, v13;
	[tilespmem:s11+$0x16080] =	vst v7;
	v10 =	vld.idx.msk [tilespmem:v12+s2+$0x0], $0xffff  }
0x236: {  	v0 =	vor.u32 $0x380, v0;
	v6 =	vld.idx.msk [tilespmem:v6+s2+$0x0], $0xffff  }
0x237: {  	v4 =	vor.u32 $0x380, v4;
	[tilespmem:s10+$0x16080] =	vst v15;
	v12 =	vld.idx.msk [tilespmem:v14+s2+$0x0], $0xffff  }
0x238: {  	v1 =	vor.u32 $0x380, v1;
	v14 =	vld.idx.msk [tilespmem:v60+s2+$0x0], $0xffff;
	[tilespmem:s12+$0x16080] =	vst v9  }
0x239: {  	v3 =	vor.u32 $0x380, v3;
	v2 =	vld.idx.msk [tilespmem:v2+s2+$0x0], $0xffff;
	[tilespmem:s23+$0x16080] =	vst v8  }
0x23a: {  	v5 =	vor.u32 $0x380, v5;
	[tilespmem:s4+$0x17080] =	vst v10;
	v7 =	vld.idx.msk [tilespmem:v11+s2+$0x0], $0xffff  }
0x23b: {  	[tilespmem:s11+$0x17080] =	vst v6;
	v8 =	vor.u32 $0x380, v13;
	v0 =	vld.idx.msk [tilespmem:v0+s2+$0x0], $0xffff  }
0x23c: {  	[tilespmem:s7+$0x17080] =	vst v12;
	v4 =	vld.idx.msk [tilespmem:v4+s2+$0x0], $0xffff  }
0x23d: {  	[tilespmem:s10+$0x17080] =	vst v14;
	v1 =	vld.idx.msk [tilespmem:v1+s2+$0x0], $0xffff  }
0x23e: {  	v3 =	vld.idx.msk [tilespmem:v3+s2+$0x0], $0xffff;
	[tilespmem:s12+$0x17080] =	vst v2  }
0x23f: {  	v2 =	vld.idx.msk [tilespmem:v5+s2+$0x0], $0xffff;
	[tilespmem:s23+$0x17080] =	vst v7  }
0x240: {  	[tilespmem:s4+$0x18080] =	vst v0;
	v0 =	vld.idx.msk [tilespmem:v8+s2+$0x0], $0xffff  }
0x241: {  	[tilespmem:s11+$0x18080] =	vst v4  }
0x242: {  	[tilespmem:s7+$0x18080] =	vst v1  }
0x243: {  	[tilespmem:s10+$0x18080] =	vst v3  }
0x244: {  	[tilespmem:s12+$0x18080] =	vst v2  }
0x245: {  	s1 =	sadd.s32 $0x1, s1;
	[tilespmem:s23+$0x18080] =	vst v0  }
0x246: {  	s10 =	sshll.u32 s1, $0xA;
	_ =	swait.ge [sflag:s25], $0x8000  }
0x247: {  	s4 =	sand.u32 $0x1C00, s10;
	[sflag:s25] =	ssyncset.done $0x0  }
0x248: {  	s4 =	sor.u32 s31, s4;
	[sflag:s25] =	ssyncadd.s32 $0xFFFF8000  }
0x249: {  	s4 =	sshrl.u32 s4, $0x3;
	s11 =	rddreg [dreg:$0x0]  }
0x24a: {  	s12 =	simm.s32 $0x1230;
	s4 =	sadd.s32 s11, s4  }
0x24b: {  	[tilespmem:s2], [sflag:$0x1] =	stream.strided.gather [hbm4b:s4+s30], $0x8000, s28, s30, $0x38;
	[tilespmem:$0x1A080] =	vst v63  }
0x24c: {  	v0 =	vld [tilespmem:s12+$0x0];
	_ =	sdelay $0x4  }
0x24d: {  	v1 =	vshll.u32 v0, $0x3  }
0x24e: {  	v0 =	vand.u32 $0x7F, v0;
	v1 =	vand.u32 $0xFFFFFC00, v1  }
0x24f: {  	s13 =	simm.s32 $0x1240;
	v5 =	vor.u32 v0, v1  }
0x250: {  	v0 =	vld [tilespmem:s13+$0x0];
	_ =	sdelay $0x3  }
0x251: {  	v1 =	vld.idx.msk [tilespmem:v5+s15+$0x0], $0xffff  }
0x252: {  	v4 =	vor.u32 $0x80, v5;
	v2 =	vshll.u32 v0, $0x3  }
0x253: {  	v0 =	vand.u32 $0x7F, v0;
	v2 =	vand.u32 $0xFFFFFC00, v2  }
0x254: {  	s6 =	simm.s32 $0x1250;
	v3 =	vor.u32 v0, v2  }
0x255: {  	s7 =	sand.u32 $0x1FF0, s12;
	v0 =	vld [tilespmem:s6+$0x0]  }
0x256: {  	[tilespmem:s7+$0x11080] =	vst v1  }
0x257: {  	v1 =	vld.idx.msk [tilespmem:v4+s15+$0x0], $0xffff  }
0x258: {  	v2 =	vor.u32 $0x100, v5  }
0x259: {  	v4 =	vld.idx.msk [tilespmem:v3+s15+$0x0], $0xffff  }
0x25a: {  	v7 =	vor.u32 $0x80, v3;
	v6 =	vshll.u32 v0, $0x3  }
0x25b: {  	s23 =	simm.s32 $0x1260;
	v0 =	vand.u32 $0x7F, v0;
	v6 =	vand.u32 $0xFFFFFC00, v6  }
0x25c: {  	v8 =	vld [tilespmem:s23+$0x0];
	v0 =	vor.u32 v0, v6;
	[tilespmem:s7+$0x12080] =	vst v1  }
0x25d: {  	s10 =	sand.u32 $0x1FF0, s13;
	v1 =	vld.idx.msk [tilespmem:v2+s15+$0x0], $0xffff  }
0x25e: {  	[tilespmem:s10+$0x11080] =	vst v4;
	v2 =	vor.u32 $0x180, v5  }
0x25f: {  	v4 =	vld.idx.msk [tilespmem:v7+s15+$0x0], $0xffff  }
0x260: {  	v6 =	vor.u32 $0x100, v3  }
0x261: {  	v9 =	vshll.u32 v8, $0x3;
	v7 =	vld.idx.msk [tilespmem:v0+s15+$0x0], $0xffff  }
0x262: {  	v10 =	vor.u32 $0x80, v0;
	[tilespmem:s7+$0x13080] =	vst v1;
	v1 =	vand.u32 $0x7F, v8;
	v8 =	vand.u32 $0xFFFFFC00, v9  }
0x263: {  	s24 =	simm.s32 $0x1270;
	v2 =	vld.idx.msk [tilespmem:v2+s15+$0x0], $0xffff;
	v1 =	vor.u32 v1, v8  }
0x264: {  	v8 =	vld [tilespmem:s24+$0x0];
	[tilespmem:s10+$0x12080] =	vst v4;
	v4 =	vor.u32 $0x200, v5  }
0x265: {  	s4 =	sand.u32 $0x1FF0, s6;
	v6 =	vld.idx.msk [tilespmem:v6+s15+$0x0], $0xffff  }
0x266: {  	[tilespmem:s4+$0x11080] =	vst v7;
	v7 =	vor.u32 $0x180, v3  }
0x267: {  	v9 =	vld.idx.msk [tilespmem:v10+s15+$0x0], $0xffff  }
0x268: {  	v11 =	vor.u32 $0x100, v0;
	v10 =	vld.idx.msk [tilespmem:v1+s15+$0x0], $0xffff;
	[tilespmem:s7+$0x14080] =	vst v2  }
0x269: {  	v12 =	vor.u32 $0x80, v1;
	v2 =	vshll.u32 v8, $0x3;
	v4 =	vld.idx.msk [tilespmem:v4+s15+$0x0], $0xffff  }
0x26a: {  	[tilespmem:s10+$0x13080] =	vst v6;
	v6 =	vand.u32 $0x7F, v8;
	v2 =	vand.u32 $0xFFFFFC00, v2;
	v8 =	vor.u32 $0x280, v5  }
0x26b: {  	s26 =	smov.u32 s31;
	s31 =	simm.s32 $0x1280;
	v7 =	vld.idx.msk [tilespmem:v7+s15+$0x0], $0xffff;
	v2 =	vor.u32 v6, v2  }
0x26c: {  	s5 =	sand.u32 $0x1FF0, s23;
	v6 =	vld [tilespmem:s31+$0x0];
	[tilespmem:s4+$0x12080] =	vst v9  }
0x26d: {  	v11 =	vld.idx.msk [tilespmem:v11+s15+$0x0], $0xffff;
	[tilespmem:s5+$0x11080] =	vst v10  }
0x26e: {  	v9 =	vor.u32 $0x200, v3;
	v10 =	vld.idx.msk [tilespmem:v12+s15+$0x0], $0xffff;
	[tilespmem:s7+$0x15080] =	vst v4  }
0x26f: {  	v12 =	vor.u32 $0x180, v0;
	v8 =	vld.idx.msk [tilespmem:v8+s15+$0x0], $0xffff  }
0x270: {  	v14 =	vld.idx.msk [tilespmem:v2+s15+$0x0], $0xffff;
	[tilespmem:s10+$0x14080] =	vst v7;
	v7 =	vor.u32 $0x300, v5  }
0x271: {  	s12 =	simm.s32 $0x1290;
	v15 =	vor.u32 $0x80, v2  }
0x272: {  	v61 =	vld [tilespmem:s12+$0x0];
	v13 =	vor.u32 $0x100, v1  }
0x273: {  	v4 =	vshll.u32 v6, $0x3;
	v9 =	vld.idx.msk [tilespmem:v9+s15+$0x0], $0xffff;
	[tilespmem:s4+$0x13080] =	vst v11  }
0x274: {  	s9 =	sand.u32 $0x1FF0, s24;
	v6 =	vand.u32 $0x7F, v6;
	v4 =	vand.u32 $0xFFFFFC00, v4;
	v11 =	vor.u32 $0x280, v3;
	v12 =	vld.idx.msk [tilespmem:v12+s15+$0x0], $0xffff;
	[tilespmem:s7+$0x16080] =	vst v8  }
0x275: {  	v4 =	vor.u32 v6, v4;
	[tilespmem:s9+$0x11080] =	vst v14;
	v8 =	vld.idx.msk [tilespmem:v7+s15+$0x0], $0xffff  }
0x276: {  	v6 =	vor.u32 $0x200, v0;
	[tilespmem:s5+$0x12080] =	vst v10;
	v14 =	vld.idx.msk [tilespmem:v15+s15+$0x0], $0xffff  }
0x277: {  	s23 =	simm.s32 $0x12A0;
	v5 =	vor.u32 $0x380, v5;
	v10 =	vld.idx.msk [tilespmem:v13+s15+$0x0], $0xffff  }
0x278: {  	v13 =	vld [tilespmem:s23+$0x0];
	v7 =	vor.u32 $0x180, v1;
	[tilespmem:s10+$0x15080] =	vst v9  }
0x279: {  	v62 =	vor.u32 $0x100, v2;
	v9 =	vld.idx.msk [tilespmem:v11+s15+$0x0], $0xffff;
	[tilespmem:s4+$0x14080] =	vst v12  }
0x27a: {  	v15 =	vld.idx.msk [tilespmem:v4+s15+$0x0], $0xffff;
	v12 =	vor.u32 $0x300, v3;
	[tilespmem:s7+$0x17080] =	vst v8  }
0x27b: {  	v6 =	vld.idx.msk [tilespmem:v6+s15+$0x0], $0xffff;
	v8 =	vshll.u32 v61, $0x3;
	[tilespmem:s9+$0x12080] =	vst v14;
	v14 =	vor.u32 $0x80, v4  }
0x27c: {  	[tilespmem:s5+$0x13080] =	vst v10;
	v11 =	vld.idx.msk [tilespmem:v5+s15+$0x0], $0xffff;
	v5 =	vand.u32 $0x7F, v61;
	v63 =	vand.u32 $0xFFFFFC00, v8;
	v8 =	vor.u32 $0x280, v0  }
0x27d: {  	v7 =	vld.idx.msk [tilespmem:v7+s15+$0x0], $0xffff;
	v5 =	vor.u32 v5, v63  }
0x27e: {  	s11 =	sand.u32 $0x1FF0, s31;
	v10 =	vld.idx.msk [tilespmem:v62+s15+$0x0], $0xffff;
	[tilespmem:s10+$0x16080] =	vst v9;
	v9 =	vor.u32 $0x200, v1  }
0x27f: {  	s13 =	simm.s32 $0x12B0;
	s24 =	simm.s32 $0x12A0;
	[tilespmem:s11+$0x11080] =	vst v15;
	v12 =	vld.idx.msk [tilespmem:v12+s15+$0x0], $0xffff  }
.LBB2_11:
0x280: {  	p0 =	sne.s32 s13, $0x1FF0;
	v15 =	vld.idx.msk [tilespmem:v14+s15+$0x0], $0xffff;
	v16 =	vor.u32 $0x180, v2;
	[tilespmem:s4+$0x15080] =	vst v6;
	v17 =	vmov v13  }
0x281: {  	v19 =	vor.u32 $0x380, v3;
	v3 =	vmovc v0;
	v0 =	vmovc v1;
	v1 =	vmov v2;
	v2 =	vmov v4;
	v18 =	vld.idx.msk [tilespmem:v8+s15+$0x0], $0xffff  }
0x282: {  	v4 =	vmov v5;
	v21 =	vor.u32 $0x100, v2;
	v20 =	vld.idx.msk [tilespmem:v5+s15+$0x0], $0xffff;
	[tilespmem:s5+$0x14080] =	vst v7  }
0x283: {  	s23 =	sadd.s32 $0x10, s23;
	v22 =	vor.u32 $0x300, v3;
	v6 =	vld.idx.msk [tilespmem:v9+s15+$0x0], $0xffff;
	[tilespmem:s7+$0x18080] =	vst v11;
	s7 =	smov.u32 s10;
	s10 =	smov.u32 s4  }
.Ltmp4:
0x284: {  	v14 =	vor.u32 $0x80, v4;
	v5 =	vshll.u32 v17, $0x3;
	s4 =	smov.u32 s5;
	s5 =	smov.u32 s9;
	v13 =	vld [tilespmem:s23+$0x0];
	[tilespmem:s9+$0x13080] =	vst v10;
	(pc) =	sbr.rel @p0 .LBB2_11-.Ltmp4, $4  }
0x285: {  	v8 =	vor.u32 $0x280, v0;
	v9 =	vand.u32 $0x7F, v17;
	v5 =	vand.u32 $0xFFFFFC00, v5;
	s9 =	smov.u32 s11;
	v7 =	vld.idx.msk [tilespmem:v16+s15+$0x0], $0xffff;
	[tilespmem:s7+$0x17080] =	vst v12  }
0x286: {  	v5 =	vor.u32 v9, v5;
	[tilespmem:s9+$0x12080] =	vst v15;
	v11 =	vld.idx.msk [tilespmem:v19+s15+$0x0], $0xffff  }
0x287: {  	s11 =	sand.u32 $0x1FF0, s12;
	v9 =	vor.u32 $0x200, v1;
	s12 =	smov.u32 s24;
	s24 =	smov.u32 s13;
	v10 =	vld.idx.msk [tilespmem:v21+s15+$0x0], $0xffff;
	[tilespmem:s10+$0x16080] =	vst v18  }
0x288: {  	s13 =	sadd.s32 $0x10, s13;
	[tilespmem:s11+$0x11080] =	vst v20;
	v12 =	vld.idx.msk [tilespmem:v22+s15+$0x0], $0xffff  }
0x289: {  	v15 =	vshll.u32 v13, $0x3  }
0x28a: {  	v28 =	vand.u32 $0x7F, v13;
	v15 =	vand.u32 $0xFFFFFC00, v15  }
0x28b: {  	v13 =	vor.u32 v28, v15;
	_ =	sdelay $0x3  }
0x28c: {  	v29 =	vld.idx.msk [tilespmem:v5+s15+$0x0], $0xffff  }
0x28d: {  	v16 =	vor.u32 $0x80, v5;
	v17 =	vld.idx.msk [tilespmem:v13+s15+$0x0], $0xffff  }
0x28e: {  	v18 =	vor.u32 $0x80, v13;
	_ =	sdelay $0x1  }
0x28f: {  	s12 =	sand.u32 $0x1FF0, s12  }
0x290: {  	v14 =	vld.idx.msk [tilespmem:v14+s15+$0x0], $0xffff;
	s23 =	sand.u32 $0x1FF0, s24;
	[tilespmem:s12+$0x11080] =	vst v29  }
0x291: {  	v30 =	vor.u32 $0x100, v4;
	v16 =	vld.idx.msk [tilespmem:v16+s15+$0x0], $0xffff;
	[tilespmem:s23+$0x11080] =	vst v17  }
0x292: {  	v31 =	vor.u32 $0x100, v5;
	v18 =	vld.idx.msk [tilespmem:v18+s15+$0x0], $0xffff  }
0x293: {  	v19 =	vor.u32 $0x100, v13;
	_ =	sdelay $0x1  }
0x294: {  	v3 =	vor.u32 $0x380, v3;
	[tilespmem:s11+$0x12080] =	vst v14  }
0x295: {  	v32 =	vor.u32 $0x180, v2;
	v15 =	vld.idx.msk [tilespmem:v30+s15+$0x0], $0xffff;
	[tilespmem:s12+$0x12080] =	vst v16  }
0x296: {  	v33 =	vor.u32 $0x180, v4;
	v17 =	vld.idx.msk [tilespmem:v31+s15+$0x0], $0xffff;
	[tilespmem:s23+$0x12080] =	vst v18  }
0x297: {  	v34 =	vor.u32 $0x180, v5;
	[tilespmem:s5+$0x14080] =	vst v7;
	v18 =	vld.idx.msk [tilespmem:v19+s15+$0x0], $0xffff  }
0x298: {  	v35 =	vor.u32 $0x180, v13;
	[tilespmem:s10+$0x17080] =	vst v12  }
0x299: {  	[tilespmem:s9+$0x13080] =	vst v10;
	v3 =	vld.idx.msk [tilespmem:v3+s15+$0x0], $0xffff  }
0x29a: {  	v10 =	vld.idx.msk [tilespmem:v32+s15+$0x0], $0xffff;
	[tilespmem:s11+$0x13080] =	vst v15  }
0x29b: {  	v36 =	vor.u32 $0x200, v2;
	v15 =	vld.idx.msk [tilespmem:v33+s15+$0x0], $0xffff;
	[tilespmem:s12+$0x13080] =	vst v17  }
0x29c: {  	v37 =	vor.u32 $0x200, v4;
	v12 =	vld.idx.msk [tilespmem:v34+s15+$0x0], $0xffff;
	[tilespmem:s23+$0x13080] =	vst v18  }
0x29d: {  	v38 =	vor.u32 $0x200, v5;
	[tilespmem:s7+$0x18080] =	vst v11;
	v11 =	vld.idx.msk [tilespmem:v35+s15+$0x0], $0xffff  }
0x29e: {  	v39 =	vor.u32 $0x200, v13;
	[tilespmem:s10+$0x18080] =	vst v3  }
0x29f: {  	v9 =	vld.idx.msk [tilespmem:v9+s15+$0x0], $0xffff;
	[tilespmem:s9+$0x14080] =	vst v10  }
0x2a0: {  	v40 =	vor.u32 $0x280, v1;
	v14 =	vld.idx.msk [tilespmem:v36+s15+$0x0], $0xffff;
	[tilespmem:s11+$0x14080] =	vst v15  }
0x2a1: {  	v41 =	vor.u32 $0x280, v2;
	v16 =	vld.idx.msk [tilespmem:v37+s15+$0x0], $0xffff;
	[tilespmem:s12+$0x14080] =	vst v12  }
0x2a2: {  	v42 =	vor.u32 $0x280, v4;
	v3 =	vld.idx.msk [tilespmem:v38+s15+$0x0], $0xffff;
	[tilespmem:s23+$0x14080] =	vst v11  }
0x2a3: {  	[tilespmem:s4+$0x15080] =	vst v6;
	v43 =	vor.u32 $0x280, v5;
	v7 =	vld.idx.msk [tilespmem:v39+s15+$0x0], $0xffff  }
0x2a4: {  	v8 =	vld.idx.msk [tilespmem:v8+s15+$0x0], $0xffff;
	v44 =	vor.u32 $0x280, v13;
	[tilespmem:s5+$0x15080] =	vst v9  }
0x2a5: {  	v45 =	vor.u32 $0x300, v0;
	v10 =	vld.idx.msk [tilespmem:v40+s15+$0x0], $0xffff;
	[tilespmem:s9+$0x15080] =	vst v14  }
0x2a6: {  	v46 =	vor.u32 $0x300, v1;
	v15 =	vld.idx.msk [tilespmem:v41+s15+$0x0], $0xffff;
	[tilespmem:s11+$0x15080] =	vst v16  }
0x2a7: {  	v47 =	vor.u32 $0x300, v2;
	v12 =	vld.idx.msk [tilespmem:v42+s15+$0x0], $0xffff;
	[tilespmem:s12+$0x15080] =	vst v3  }
0x2a8: {  	v48 =	vor.u32 $0x300, v4;
	v6 =	vld.idx.msk [tilespmem:v43+s15+$0x0], $0xffff;
	[tilespmem:s23+$0x15080] =	vst v7  }
0x2a9: {  	v49 =	vor.u32 $0x300, v5;
	[tilespmem:s4+$0x16080] =	vst v8;
	v50 =	vld.idx.msk [tilespmem:v44+s15+$0x0], $0xffff  }
0x2aa: {  	v52 =	vor.u32 $0x300, v13;
	v51 =	vld.idx.msk [tilespmem:v45+s15+$0x0], $0xffff;
	[tilespmem:s5+$0x16080] =	vst v10  }
0x2ab: {  	v53 =	vor.u32 $0x380, v0;
	v54 =	vld.idx.msk [tilespmem:v46+s15+$0x0], $0xffff;
	[tilespmem:s9+$0x16080] =	vst v15  }
0x2ac: {  	v55 =	vor.u32 $0x380, v1;
	v56 =	vld.idx.msk [tilespmem:v47+s15+$0x0], $0xffff;
	[tilespmem:s11+$0x16080] =	vst v12  }
0x2ad: {  	v57 =	vor.u32 $0x380, v2;
	v3 =	vld.idx.msk [tilespmem:v48+s15+$0x0], $0xffff;
	[tilespmem:s12+$0x16080] =	vst v6  }
0x2ae: {  	v58 =	vor.u32 $0x380, v4;
	v6 =	vld.idx.msk [tilespmem:v49+s15+$0x0], $0xffff;
	[tilespmem:s23+$0x16080] =	vst v50  }
0x2af: {  	v59 =	vor.u32 $0x380, v5;
	[tilespmem:s4+$0x17080] =	vst v51;
	v60 =	vld.idx.msk [tilespmem:v52+s15+$0x0], $0xffff  }
0x2b0: {  	v61 =	vor.u32 $0x380, v13;
	v0 =	vld.idx.msk [tilespmem:v53+s15+$0x0], $0xffff;
	[tilespmem:s5+$0x17080] =	vst v54  }
0x2b1: {  	v1 =	vld.idx.msk [tilespmem:v55+s15+$0x0], $0xffff;
	[tilespmem:s9+$0x17080] =	vst v56  }
0x2b2: {  	v2 =	vld.idx.msk [tilespmem:v57+s15+$0x0], $0xffff;
	[tilespmem:s11+$0x17080] =	vst v3  }
0x2b3: {  	v3 =	vld.idx.msk [tilespmem:v58+s15+$0x0], $0xffff;
	[tilespmem:s12+$0x17080] =	vst v6  }
0x2b4: {  	v62 =	vld.idx.msk [tilespmem:v59+s15+$0x0], $0xffff;
	[tilespmem:s23+$0x17080] =	vst v60  }
0x2b5: {  	[tilespmem:s4+$0x18080] =	vst v0;
	v63 =	vld.idx.msk [tilespmem:v61+s15+$0x0], $0xffff  }
0x2b6: {  	[tilespmem:s5+$0x18080] =	vst v1  }
0x2b7: {  	[tilespmem:s9+$0x18080] =	vst v2  }
0x2b8: {  	[tilespmem:s11+$0x18080] =	vst v3  }
0x2b9: {  	[tilespmem:s12+$0x18080] =	vst v62  }
0x2ba: {  	[tilespmem:s23+$0x18080] =	vst v63  }
0x2bb: {  	s4 =	rddreg [dreg:$0x1b]  }
0x2bc: {  	[hbm4b:s4+s0] =	stream.strided.scatter [tilespmem:s8], [sflag:$0x4], $0x1000, s30, s0, $0x38;
	[tilespmem:$0x1A080] =	vst v63  }
0x2bd: {  	s12 =	simm.s32 $0x13080  }
0x2be: {  	[hbm4b:s3+s0] =	stream.strided.scatter [tilespmem:s12], [sflag:$0x4], $0x1000, s30, s0, $0x38;
	[tilespmem:$0x1A080] =	vst v63  }
0x2bf: {  	s13 =	simm.s32 $0x14080  }
0x2c0: {  	[hbm4b:s17+s0] =	stream.strided.scatter [tilespmem:s13], [sflag:$0x4], $0x1000, s30, s0, $0x38;
	[tilespmem:$0x1A080] =	vst v63  }
0x2c1: {  	s17 =	simm.s32 $0x15080  }
0x2c2: {  	[hbm4b:s18+s0] =	stream.strided.scatter [tilespmem:s17], [sflag:$0x4], $0x1000, s30, s0, $0x38;
	[tilespmem:$0x1A080] =	vst v63  }
0x2c3: {  	s18 =	simm.s32 $0x16080  }
0x2c4: {  	[hbm4b:s19+s0] =	stream.strided.scatter [tilespmem:s18], [sflag:$0x4], $0x1000, s30, s0, $0x38;
	[tilespmem:$0x1A080] =	vst v63  }
0x2c5: {  	p0 =	sne.s32 s1, $0x8;
	s23 =	simm.s32 $0x17080  }
0x2c6: {  	[hbm4b:s20+s0] =	stream.strided.scatter [tilespmem:s23], [sflag:$0x4], $0x1000, s30, s0, $0x38;
	[tilespmem:$0x1A080] =	vst v63  }
.Ltmp5:
0x2c7: {  	_ = 	snop;
	(pc) =	sbr.rel @p0 .LBB2_2-.Ltmp5, $4  }
0x2c8: {  	s24 =	simm.s32 $0x18080  }
0x2c9: {  	[hbm4b:s21+s0] =	stream.strided.scatter [tilespmem:s24], [sflag:$0x4], $0x1000, s30, s0, $0x38;
	[tilespmem:$0x1A080] =	vst v63  }
0x2ca: {  	s31 =	simm.s32 $0x19080  }
0x2cb: {  	[hbm4b:s22+s0] =	stream.strided.scatter [tilespmem:s31], [sflag:$0x4], $0x1000, s30, s0, $0x38;
	[tilespmem:$0x1A080] =	vst v63  }
0x2cc: {  	_ =	swait.ge [sflag:s14], $0x8000  }
0x2cd: {  	[sflag:s14] =	ssyncset.done $0x0  }
0x2ce: {  	[sflag:s14] =	ssyncadd.s32 $0xFFFF8000  }
0x2cf: {  	_ =	swait.ge [sflag:s16], $0x1000  }
0x2d0: {  	[sflag:s16] =	ssyncset.done $0x0  }
0x2d1: {  	[sflag:s16] =	ssyncadd.s32 $0xFFFFF000  }
0x2d2: {  	_ =	swait.ge [sflag:s16], $0x1000  }
0x2d3: {  	[sflag:s16] =	ssyncset.done $0x0  }
0x2d4: {  	[sflag:s16] =	ssyncadd.s32 $0xFFFFF000  }
0x2d5: {  	_ =	swait.ge [sflag:s16], $0x1000  }
0x2d6: {  	[sflag:s16] =	ssyncset.done $0x0  }
0x2d7: {  	[sflag:s16] =	ssyncadd.s32 $0xFFFFF000  }
0x2d8: {  	_ =	swait.ge [sflag:s16], $0x1000  }
0x2d9: {  	[sflag:s16] =	ssyncset.done $0x0  }
0x2da: {  	[sflag:s16] =	ssyncadd.s32 $0xFFFFF000  }
0x2db: {  	_ =	swait.ge [sflag:s16], $0x1000  }
0x2dc: {  	[sflag:s16] =	ssyncset.done $0x0  }
0x2dd: {  	[sflag:s16] =	ssyncadd.s32 $0xFFFFF000  }
0x2de: {  	_ =	swait.ge [sflag:s16], $0x1000  }
0x2df: {  	[sflag:s16] =	ssyncset.done $0x0  }
0x2e0: {  	[sflag:s16] =	ssyncadd.s32 $0xFFFFF000  }
0x2e1: {  	_ =	swait.ge [sflag:s16], $0x1000  }
0x2e2: {  	[sflag:s16] =	ssyncset.done $0x0  }
0x2e3: {  	[sflag:s16] =	ssyncadd.s32 $0xFFFFF000  }
0x2e4: {  	_ =	swait.ge [sflag:s16], $0x1000  }
0x2e5: {  	s3 =	rddreg [dreg:$0x1a]  }
0x2e6: {  	s1 =	rddreg [dreg:$0x17];
	s3 =	sadd.s32 $0x1, s3  }
0x2e7: {  	p0 =	sne.s32 s3, s1  }
.Ltmp6:
0x2e8: {  	_ = 	snop;
	(pc) =	sbr.rel @p0 .LBB2_1-.Ltmp6, $3  }
0x2e9: {  	_ =	sdelay $0x1  }
0x2ea: {  	[sflag:s16] =	ssyncset.done $0x0  }
0x2eb: {  	[sflag:s16] =	ssyncadd.s32 $0xFFFFF000  }
0x2ec: {  	_ =	sfence.sel $0x180000  }
0x2ed: {  	[bflag:$0x0] =	sbarrier.arrive $0xFFFF  }
0x2ee: {  	_ =	strace $0x90000047  }
0x2ef: {  	s0 =	stileid.u32;
	[bflag:$0x2] =	sbarrier.arrive $0xFFFF  }
0x2f0: {  	p0 =	sne.s32 s0, $0x0;
	s0 =	rddreg [dreg:$0x3]  }
0x2f1: {  	s0 =	sadd.s32 @!p0 $0x100000, s0  }
0x2f2: {  	[sflag:s0] =	ssyncadd.tile.s32 @!p0 $0x1;
	_ =	shalt  }
.Lfunc_end2:
_tile_overlayer_lowered:
.L_overlay_start_2:
0x2f3: {  	(tag) =	ssettag $0x2  }
0x2f4: {  	s0 =	rddreg [dreg:$0x0];
	s2 =	stileid.u32  }
0x2f5: {  	s1 =	rddreg [dreg:$0x1];
	p0 =	sne.s32 s2, $0x0  }
0x2f6: {  	s3 =	rddreg [dreg:$0x2];
	[bflag:$0x3] =	sbarrier.arrive $0xFFFF;
	s2 =	simm.s32 @!p0 $0x1C05  }
0x2f7: {  	[timem:s3], [sflag:s2] =	dma.local @!p0 [hbm:s0], s1  }
0x2f8: {  	s0 =	simm.s32 @!p0 $0x5  }
0x2f9: {  	_ =	swait.ge @!p0 [sflag:s0], s1  }
0x2fa: {  	s1 =	ssub.s32 @!p0 $0x0, s1;
	[sflag:s0] =	ssyncset.done @!p0 $0x0  }
0x2fb: {  	[sflag:s0] =	ssyncadd.s32 @!p0 s1  }
0x2fc: {  	[bflag:$0x3] =	sbarrier.arrive $0xFFFF  }
0x2fd: {  	_ =	shalt  }

</sc_bundles>
